<compile_context>
chip_gen: v7x
topology: tpu7x:2x2x1
jax: 0.10.2.dev20260603
libtpu: 0.0.44.dev20260713+nightly
codegen_flags: <defaults>
</compile_context>

<pallas_src>
import functools

import jax
import jax.numpy as jnp
from jax import lax
from jax.experimental import pallas as pl
from jax.experimental.pallas import tpu as pltpu
from jax.experimental.pallas import tpu_sc as plsc

_B, _N, _S, _D1, _D2 = 8, 4096, 1024, 128, 256
_C0, _C1 = 256, 256
_TN = 4096
_NT = _N // _TN

_NC, _NS, _L = 2, 16, 16
_NW = _NC * _NS
_ROWS = _B * _N
_RPW = _ROWS // _NW
_CH = 64
_NCH = _RPW // _CH


def _stage_knn(x1_ref, x2t_ref, i_ref, w_ref):
    b = pl.program_id(0)
    x1 = x1_ref[0]
    x2t = x2t_ref[0]
    n1 = jnp.sum(x1 * x1, axis=1, keepdims=True)
    n2 = jnp.sum(x2t * x2t, axis=0, keepdims=True)
    dot = jax.lax.dot(x1, x2t, preferred_element_type=jnp.float32)
    d = n1 + n2 - 2.0 * dot

    m0 = jnp.min(d, axis=1, keepdims=True)
    m1 = jnp.min(jnp.where(d > m0, d, jnp.inf), axis=1, keepdims=True)
    m2 = jnp.min(jnp.where(d > m1, d, jnp.inf), axis=1, keepdims=True)

    iota = jax.lax.broadcasted_iota(jnp.int32, d.shape, 1)
    base = b * _S
    i0 = jnp.min(jnp.where(d == m0, iota, _S), axis=1, keepdims=True)
    i1 = jnp.min(jnp.where(d == m1, iota, _S), axis=1, keepdims=True)
    i2 = jnp.min(jnp.where(d == m2, iota, _S), axis=1, keepdims=True)
    i_ref[0, :, 0:1] = i0 + base
    i_ref[0, :, 1:2] = i1 + base
    i_ref[0, :, 2:3] = i2 + base

    r0 = 1.0 / (m0 + 1e-8)
    r1 = 1.0 / (m1 + 1e-8)
    r2 = 1.0 / (m2 + 1e-8)
    rs = r0 + r1 + r2
    w_ref[0, :, 0:1] = r0 / rs
    w_ref[0, :, 1:2] = r1 / rs
    w_ref[0, :, 2:3] = r2 / rs


def _sc_interp(t_hbm, i0_hbm, i1_hbm, i2_hbm, w0_hbm, w1_hbm, w2_hbm,
               out_hbm, i0_v, i1_v, i2_v, w0_v, w1_v, w2_v,
               r00, r01, r02, r10, r11, r12, o_v, sem0, sem1):
    wid = lax.axis_index("s") * _NC + lax.axis_index("c")
    base = wid * _RPW

    pltpu.sync_copy(i0_hbm.at[pl.ds(base, _RPW)], i0_v)
    pltpu.sync_copy(i1_hbm.at[pl.ds(base, _RPW)], i1_v)
    pltpu.sync_copy(i2_hbm.at[pl.ds(base, _RPW)], i2_v)
    pltpu.sync_copy(w0_hbm.at[pl.ds(base, _RPW)], w0_v.at[pl.ds(0, _RPW)])
    pltpu.sync_copy(w1_hbm.at[pl.ds(base, _RPW)], w1_v.at[pl.ds(0, _RPW)])
    pltpu.sync_copy(w2_hbm.at[pl.ds(base, _RPW)], w2_v.at[pl.ds(0, _RPW)])

    bufs = ((r00, r01, r02, sem0), (r10, r11, r12, sem1))

    def issue(c, bi):
        r0, r1, r2, sem = bufs[bi]
        sl = pl.ds(c * _CH, _CH)
        pltpu.async_copy(t_hbm.at[i0_v.at[sl]], r0, sem)
        pltpu.async_copy(t_hbm.at[i1_v.at[sl]], r1, sem)
        pltpu.async_copy(t_hbm.at[i2_v.at[sl]], r2, sem)

    def drain(bi):
        r0, r1, r2, sem = bufs[bi]
        sl = pl.ds(0, _CH)
        pltpu.make_async_copy(t_hbm.at[i0_v.at[sl]], r0, sem).wait()
        pltpu.make_async_copy(t_hbm.at[i1_v.at[sl]], r1, sem).wait()
        pltpu.make_async_copy(t_hbm.at[i2_v.at[sl]], r2, sem).wait()

    issue(0, 0)

    def pair(g, carry):
        for b in range(2):
            c = g * 2 + b

            @pl.when(c + 1 < _NCH)
            def _():
                issue(c + 1, (b + 1) % 2)

            drain(b)
            r0, r1, r2, _sem = bufs[b]

            def row(r, rcarry):
                a0 = w0_v[pl.ds(c * _CH + r, _L)][0]
                a1 = w1_v[pl.ds(c * _CH + r, _L)][0]
                a2 = w2_v[pl.ds(c * _CH + r, _L)][0]
                for cc in range(_D2 // _L):
                    sl2 = pl.ds(cc * _L, _L)
                    o_v[r, sl2] = (r0[r, sl2] * a0 + r1[r, sl2] * a1
                                   + r2[r, sl2] * a2)
                return rcarry

            lax.fori_loop(0, _CH, row, 0)
            pltpu.sync_copy(o_v, out_hbm.at[pl.ds(base + c * _CH, _CH)])
        return carry

    lax.fori_loop(0, _NCH // 2, pair, 0)


def _stage_mlp0(p1_ref, x_ref, w0_ref, b0_ref, y0_ref, s0_ref, q0_ref):
    first = pl.program_id(0) == 0

    @pl.when(first)
    def _():
        s0_ref[...] = jnp.zeros_like(s0_ref)
        q0_ref[...] = jnp.zeros_like(q0_ref)

    x = x_ref[0]
    p1 = p1_ref[0]
    w0a = w0_ref[:, :_D1]
    w0b = w0_ref[:, _D1:]
    y = (jax.lax.dot(w0a, p1, preferred_element_type=jnp.float32)
         + jax.lax.dot_general(w0b, x, (((1,), (1,)), ((), ())),
                               preferred_element_type=jnp.float32)
         + b0_ref[...])
    y0_ref[0] = y
    s0_ref[...] += jnp.sum(y, axis=1, keepdims=True)
    q0_ref[...] += jnp.sum(y * y, axis=1, keepdims=True)


def _stage_mlp1(y0_ref, sc_ref, sh_ref, w1_ref, b1_ref, y1_ref, s1_ref, q1_ref):
    first = pl.program_id(0) == 0

    @pl.when(first)
    def _():
        s1_ref[...] = jnp.zeros_like(s1_ref)
        q1_ref[...] = jnp.zeros_like(q1_ref)

    h = jnp.maximum(y0_ref[0] * sc_ref[...] + sh_ref[...], 0.0)
    y = (jnp.dot(w1_ref[...], h, preferred_element_type=jnp.float32)
         + b1_ref[...])
    y1_ref[0] = y
    s1_ref[...] += jnp.sum(y, axis=1, keepdims=True)
    q1_ref[...] += jnp.sum(y * y, axis=1, keepdims=True)


def _stage_out(y1_ref, sc_ref, sh_ref, o_ref):
    o_ref[0] = jnp.maximum(y1_ref[0] * sc_ref[...] + sh_ref[...], 0.0)


def kernel(xyz1, xyz2, points1, points2, W0, b0, gamma0, beta0,
           W1, b1, gamma1, beta1):
    xyz2t = jnp.transpose(xyz2, (0, 2, 1))
    col = lambda v: v.reshape(-1, 1)

    idxs, ws = pl.pallas_call(
        _stage_knn,
        grid=(_B,),
        in_specs=[
            pl.BlockSpec((1, _TN, 3), lambda b: (b, 0, 0)),
            pl.BlockSpec((1, 3, _S), lambda b: (b, 0, 0)),
        ],
        out_specs=[
            pl.BlockSpec((1, _TN, 3), lambda b: (b, 0, 0)),
            pl.BlockSpec((1, _TN, 3), lambda b: (b, 0, 0)),
        ],
        out_shape=[
            jax.ShapeDtypeStruct((_B, _N, 3), jnp.int32),
            jax.ShapeDtypeStruct((_B, _N, 3), jnp.float32),
        ],
    )(xyz1, xyz2t)

    table = jnp.transpose(points2, (0, 2, 1)).reshape(_B * _S, _D2)
    gi = [idxs[..., k].reshape(_ROWS) for k in range(3)]
    gw = [ws[..., k].reshape(_ROWS) for k in range(3)]

    sc_call = functools.partial(
        pl.kernel,
        out_type=jax.ShapeDtypeStruct((_ROWS, _D2), jnp.float32),
        mesh=plsc.VectorSubcoreMesh(core_axis_name="c", subcore_axis_name="s"),
        scratch_types=[
            pltpu.VMEM((_RPW,), jnp.int32),
            pltpu.VMEM((_RPW,), jnp.int32),
            pltpu.VMEM((_RPW,), jnp.int32),
            pltpu.VMEM((_RPW + _L,), jnp.float32),
            pltpu.VMEM((_RPW + _L,), jnp.float32),
            pltpu.VMEM((_RPW + _L,), jnp.float32),
            pltpu.VMEM((_CH, _D2), jnp.float32),
            pltpu.VMEM((_CH, _D2), jnp.float32),
            pltpu.VMEM((_CH, _D2), jnp.float32),
            pltpu.VMEM((_CH, _D2), jnp.float32),
            pltpu.VMEM((_CH, _D2), jnp.float32),
            pltpu.VMEM((_CH, _D2), jnp.float32),
            pltpu.VMEM((_CH, _D2), jnp.float32),
            pltpu.SemaphoreType.DMA,
            pltpu.SemaphoreType.DMA,
        ],
    )(_sc_interp)
    interp = sc_call(table, gi[0], gi[1], gi[2], gw[0], gw[1], gw[2])
    interp3 = interp.reshape(_B, _N, _D2)

    y0, s0, q0 = pl.pallas_call(
        _stage_mlp0,
        grid=(_B,),
        in_specs=[
            pl.BlockSpec((1, _D1, _TN), lambda b: (b, 0, 0)),
            pl.BlockSpec((1, _TN, _D2), lambda b: (b, 0, 0)),
            pl.BlockSpec((_C0, _D1 + _D2), lambda b: (0, 0)),
            pl.BlockSpec((_C0, 1), lambda b: (0, 0)),
        ],
        out_specs=[
            pl.BlockSpec((1, _C0, _TN), lambda b: (b, 0, 0)),
            pl.BlockSpec((_C0, 1), lambda b: (0, 0)),
            pl.BlockSpec((_C0, 1), lambda b: (0, 0)),
        ],
        out_shape=[
            jax.ShapeDtypeStruct((_B, _C0, _N), jnp.float32),
            jax.ShapeDtypeStruct((_C0, 1), jnp.float32),
            jax.ShapeDtypeStruct((_C0, 1), jnp.float32),
        ],
    )(points1, interp3, W0, col(b0))

    cnt = float(_B * _N)
    mean0 = s0 / cnt
    var0 = q0 / cnt - mean0 * mean0
    sc0 = col(gamma0) / jnp.sqrt(var0 + 1e-5)
    sh0 = col(beta0) - mean0 * sc0

    y1, s1, q1 = pl.pallas_call(
        _stage_mlp1,
        grid=(_B,),
        in_specs=[
            pl.BlockSpec((1, _C0, _TN), lambda b: (b, 0, 0)),
            pl.BlockSpec((_C0, 1), lambda b: (0, 0)),
            pl.BlockSpec((_C0, 1), lambda b: (0, 0)),
            pl.BlockSpec((_C1, _C0), lambda b: (0, 0)),
            pl.BlockSpec((_C1, 1), lambda b: (0, 0)),
        ],
        out_specs=[
            pl.BlockSpec((1, _C1, _TN), lambda b: (b, 0, 0)),
            pl.BlockSpec((_C1, 1), lambda b: (0, 0)),
            pl.BlockSpec((_C1, 1), lambda b: (0, 0)),
        ],
        out_shape=[
            jax.ShapeDtypeStruct((_B, _C1, _N), jnp.float32),
            jax.ShapeDtypeStruct((_C1, 1), jnp.float32),
            jax.ShapeDtypeStruct((_C1, 1), jnp.float32),
        ],
    )(y0, sc0, sh0, W1, col(b1))

    mean1 = s1 / cnt
    var1 = q1 / cnt - mean1 * mean1
    sc1 = col(gamma1) / jnp.sqrt(var1 + 1e-5)
    sh1 = col(beta1) - mean1 * sc1

    out = pl.pallas_call(
        _stage_out,
        grid=(_B,),
        in_specs=[
            pl.BlockSpec((1, _C1, _N), lambda b: (b, 0, 0)),
            pl.BlockSpec((_C1, 1), lambda b: (0, 0)),
            pl.BlockSpec((_C1, 1), lambda b: (0, 0)),
        ],
        out_specs=pl.BlockSpec((1, _C1, _N), lambda b: (b, 0, 0)),
        out_shape=jax.ShapeDtypeStruct((_B, _C1, _N), jnp.float32),
    )(y1, sc1, sh1)
    return out

# --- scband reference (transcript-rebuilt; emitter-appended) ---
"""Pipeline reference for scband-point-net-feature-propagation-81870666596639 (READ-ONLY COPY).

The authoritative reference and input builder live on the scoring server;
editing this copy changes nothing except your own understanding.
"""

import jax, jax.numpy as jnp
import numpy as np

B, N, S, D1, D2 = 8, 4096, 1024, 128, 256
MLP = [256, 256]
IN_CH = D1 + D2

def setup_inputs(seed: int = 0) -> dict:
    key = jax.random.key(seed)
    ks = jax.random.split(key, 4 + 2 * len(MLP))
    inp = {
        "xyz1": jax.random.normal(ks[0], (B, N, 3), dtype=jnp.float32),
        "xyz2": jax.random.normal(ks[1], (B, S, 3), dtype=jnp.float32),
        "points1": jax.random.normal(ks[2], (B, D1, N), dtype=jnp.float32),
        "points2": jax.random.normal(ks[3], (B, D2, S), dtype=jnp.float32),
    }
    last = IN_CH
    for i, c in enumerate(MLP):
        inp[f"W{i}"] = jax.random.normal(ks[4 + 2 * i], (c, last), dtype=jnp.float32) * (1.0 / np.sqrt(last))
        inp[f"b{i}"] = jnp.zeros((c,), dtype=jnp.float32)
        inp[f"gamma{i}"] = jnp.ones((c,), dtype=jnp.float32)
        inp[f"beta{i}"] = jnp.zeros((c,), dtype=jnp.float32)
        last = c
    return inp

def _three_nn(xyz1, xyz2):
    # squared pairwise distances [B, N, S] via expansion (avoids [B,N,S,3] temp)
    d = (jnp.sum(xyz1 ** 2, axis=-1)[:, :, None]
         + jnp.sum(xyz2 ** 2, axis=-1)[:, None, :]
         - 2.0 * jnp.einsum('bnd,bsd->bns', xyz1, xyz2))
    neg, idx = jax.lax.top_k(-d, 3)  # 3 smallest distances
    return -neg, idx

def _three_interpolate(points2, idx, weight):
    # points2: [B, D', S], idx: [B, N, 3], weight: [B, N, 3]
    p2 = jnp.transpose(points2, (0, 2, 1))  # [B, S, D']
    gathered = jax.vmap(lambda p, i: p[i])(p2, idx)  # [B, N, 3, D']
    interp = jnp.sum(gathered * weight[..., None], axis=2)  # [B, N, D']
    return jnp.transpose(interp, (0, 2, 1))  # [B, D', N]

def _conv_bn_relu(x, W, b, gamma, beta):
    # Conv1d kernel_size=1 == per-point matmul; BatchNorm1d in training mode (batch stats)
    y = jnp.einsum('oc,bcn->bon', W, x) + b[None, :, None]
    mean = jnp.mean(y, axis=(0, 2), keepdims=True)
    var = jnp.var(y, axis=(0, 2), keepdims=True)
    y = (y - mean) / jnp.sqrt(var + 1e-5)
    y = gamma[None, :, None] * y + beta[None, :, None]
    return jax.nn.relu(y)

def reference(xyz1, xyz2, points1, points2, W0, b0, gamma0, beta0, W1, b1, gamma1, beta1):
    dist, idx = _three_nn(xyz1, xyz2)
    dist_recip = 1.0 / (dist + 1e-8)
    weight = dist_recip / jnp.sum(dist_recip, axis=-1, keepdims=True)
    interp = _three_interpolate(points2, idx, weight)
    out = jnp.concatenate([points1, interp], axis=1)  # [B, 384, N]
    h = _conv_bn_relu(out, W0, b0, gamma0, beta0)
    h = _conv_bn_relu(h, W1, b1, gamma1, beta1)
    return h

if __name__ == "__main__":
    import jax
    _d = setup_inputs()
    print(jax.jit(kernel)(*tuple(_d.values())))

</pallas_src>

<mosaic_0001>
#map = affine_map<(d0, d1) -> (0, 0)>
#map1 = affine_map<(d0, d1) -> (0)>
module attributes {stable_mosaic.version = 14 : i64} {
  func.func @_sc_interp(%arg0: i32, %arg1: i32, %arg2: memref<8192x256xf32, #tpu.memory_space<hbm>>, %arg3: memref<32768xi32, #tpu.memory_space<hbm>>, %arg4: memref<32768xi32, #tpu.memory_space<hbm>>, %arg5: memref<32768xi32, #tpu.memory_space<hbm>>, %arg6: memref<32768xf32, #tpu.memory_space<hbm>>, %arg7: memref<32768xf32, #tpu.memory_space<hbm>>, %arg8: memref<32768xf32, #tpu.memory_space<hbm>>, %arg9: memref<32768x256xf32, #tpu.memory_space<hbm>>, %arg10: memref<1024xi32, #tpu.memory_space<vmem>>, %arg11: memref<1024xi32, #tpu.memory_space<vmem>>, %arg12: memref<1024xi32, #tpu.memory_space<vmem>>, %arg13: memref<1040xf32, #tpu.memory_space<vmem>>, %arg14: memref<1040xf32, #tpu.memory_space<vmem>>, %arg15: memref<1040xf32, #tpu.memory_space<vmem>>, %arg16: memref<64x256xf32, #tpu.memory_space<vmem>>, %arg17: memref<64x256xf32, #tpu.memory_space<vmem>>, %arg18: memref<64x256xf32, #tpu.memory_space<vmem>>, %arg19: memref<64x256xf32, #tpu.memory_space<vmem>>, %arg20: memref<64x256xf32, #tpu.memory_space<vmem>>, %arg21: memref<64x256xf32, #tpu.memory_space<vmem>>, %arg22: memref<64x256xf32, #tpu.memory_space<vmem>>, %arg23: memref<!tpu.dma_semaphore, #tpu.memory_space<semaphore_mem>>, %arg24: memref<!tpu.dma_semaphore, #tpu.memory_space<semaphore_mem>>) attributes {dimension_semantics = [#tpu.dimension_semantics<core_parallel>, #tpu.dimension_semantics<subcore_parallel>], iteration_bounds = array<i64: 2, 16>, scalar_prefetch = 0 : i64, scratch_operands = 15 : i64, tpu.core_type = #tpu.core_type<sc_vector_subcore>, window_params = [{transform_indices = #map}, {transform_indices = #map1}, {transform_indices = #map1}, {transform_indices = #map1}, {transform_indices = #map1}, {transform_indices = #map1}, {transform_indices = #map1}, {transform_indices = #map}]} {
    %mul3A = arith.constant 2 : i32
    %mul3A_0 = arith.muli %arg1, %mul3A : i32
    %add3A = arith.addi %mul3A_0, %arg0 : i32
    %mul3A_1 = arith.constant 1024 : i32
    %mul3A_2 = arith.muli %add3A, %mul3A_1 : i32
    "tpu.region"() ({
      %run_scoped3A = tpu.sem_alloc : memref<!tpu.dma_semaphore, #tpu.memory_space<semaphore_mem>>
      %dma_start3A_22 = tpu.memref_slice %arg3[%mul3A_2] : memref<32768xi32, #tpu.memory_space<hbm>> -> memref<1024xi32, #tpu.memory_space<hbm>>
      %dma_start3A_23 = tpu.memref_slice %arg3[%mul3A_2] : memref<32768xi32, #tpu.memory_space<hbm>> -> memref<1024xi32, #tpu.memory_space<hbm>>
      tpu.enqueue_dma source(%dma_start3A_23 : memref<1024xi32, #tpu.memory_space<hbm>>) target(%arg10 : memref<1024xi32, #tpu.memory_space<vmem>>) target_semaphore(%run_scoped3A : memref<!tpu.dma_semaphore, #tpu.memory_space<semaphore_mem>>)
      %dma_wait3A = tpu.memref_slice %arg3[%mul3A_2] : memref<32768xi32, #tpu.memory_space<hbm>> -> memref<1024xi32, #tpu.memory_space<hbm>>
      %dma_wait3A_24 = tpu.memref_slice %arg3[%mul3A_2] : memref<32768xi32, #tpu.memory_space<hbm>> -> memref<1024xi32, #tpu.memory_space<hbm>>
      tpu.wait_dma2 semaphore(%run_scoped3A : memref<!tpu.dma_semaphore, #tpu.memory_space<semaphore_mem>>) src(%dma_wait3A_24 : memref<1024xi32, #tpu.memory_space<hbm>>) dst(%arg10 : memref<1024xi32, #tpu.memory_space<vmem>>)
      tpu.yield
    }) : () -> ()
    "tpu.region"() ({
      %run_scoped3A = tpu.sem_alloc : memref<!tpu.dma_semaphore, #tpu.memory_space<semaphore_mem>>
      %dma_start3A_22 = tpu.memref_slice %arg4[%mul3A_2] : memref<32768xi32, #tpu.memory_space<hbm>> -> memref<1024xi32, #tpu.memory_space<hbm>>
      %dma_start3A_23 = tpu.memref_slice %arg4[%mul3A_2] : memref<32768xi32, #tpu.memory_space<hbm>> -> memref<1024xi32, #tpu.memory_space<hbm>>
      tpu.enqueue_dma source(%dma_start3A_23 : memref<1024xi32, #tpu.memory_space<hbm>>) target(%arg11 : memref<1024xi32, #tpu.memory_space<vmem>>) target_semaphore(%run_scoped3A : memref<!tpu.dma_semaphore, #tpu.memory_space<semaphore_mem>>)
      %dma_wait3A = tpu.memref_slice %arg4[%mul3A_2] : memref<32768xi32, #tpu.memory_space<hbm>> -> memref<1024xi32, #tpu.memory_space<hbm>>
      %dma_wait3A_24 = tpu.memref_slice %arg4[%mul3A_2] : memref<32768xi32, #tpu.memory_space<hbm>> -> memref<1024xi32, #tpu.memory_space<hbm>>
      tpu.wait_dma2 semaphore(%run_scoped3A : memref<!tpu.dma_semaphore, #tpu.memory_space<semaphore_mem>>) src(%dma_wait3A_24 : memref<1024xi32, #tpu.memory_space<hbm>>) dst(%arg11 : memref<1024xi32, #tpu.memory_space<vmem>>)
      tpu.yield
    }) : () -> ()
    "tpu.region"() ({
      %run_scoped3A = tpu.sem_alloc : memref<!tpu.dma_semaphore, #tpu.memory_space<semaphore_mem>>
      %dma_start3A_22 = tpu.memref_slice %arg5[%mul3A_2] : memref<32768xi32, #tpu.memory_space<hbm>> -> memref<1024xi32, #tpu.memory_space<hbm>>
      %dma_start3A_23 = tpu.memref_slice %arg5[%mul3A_2] : memref<32768xi32, #tpu.memory_space<hbm>> -> memref<1024xi32, #tpu.memory_space<hbm>>
      tpu.enqueue_dma source(%dma_start3A_23 : memref<1024xi32, #tpu.memory_space<hbm>>) target(%arg12 : memref<1024xi32, #tpu.memory_space<vmem>>) target_semaphore(%run_scoped3A : memref<!tpu.dma_semaphore, #tpu.memory_space<semaphore_mem>>)
      %dma_wait3A = tpu.memref_slice %arg5[%mul3A_2] : memref<32768xi32, #tpu.memory_space<hbm>> -> memref<1024xi32, #tpu.memory_space<hbm>>
      %dma_wait3A_24 = tpu.memref_slice %arg5[%mul3A_2] : memref<32768xi32, #tpu.memory_space<hbm>> -> memref<1024xi32, #tpu.memory_space<hbm>>
      tpu.wait_dma2 semaphore(%run_scoped3A : memref<!tpu.dma_semaphore, #tpu.memory_space<semaphore_mem>>) src(%dma_wait3A_24 : memref<1024xi32, #tpu.memory_space<hbm>>) dst(%arg12 : memref<1024xi32, #tpu.memory_space<vmem>>)
      tpu.yield
    }) : () -> ()
    "tpu.region"() ({
      %run_scoped3A = tpu.sem_alloc : memref<!tpu.dma_semaphore, #tpu.memory_space<semaphore_mem>>
      %dma_start3A_22 = arith.constant 0 : i32
      %dma_start3A_23 = tpu.memref_slice %arg13[%dma_start3A_22] : memref<1040xf32, #tpu.memory_space<vmem>> -> memref<1024xf32, #tpu.memory_space<vmem>>
      %dma_start3A_24 = tpu.memref_slice %arg6[%mul3A_2] : memref<32768xf32, #tpu.memory_space<hbm>> -> memref<1024xf32, #tpu.memory_space<hbm>>
      %dma_start3A_25 = arith.constant 0 : i32
      %dma_start3A_26 = tpu.memref_slice %arg13[%dma_start3A_25] : memref<1040xf32, #tpu.memory_space<vmem>> -> memref<1024xf32, #tpu.memory_space<vmem>>
      %dma_start3A_27 = tpu.memref_slice %arg6[%mul3A_2] : memref<32768xf32, #tpu.memory_space<hbm>> -> memref<1024xf32, #tpu.memory_space<hbm>>
      tpu.enqueue_dma source(%dma_start3A_27 : memref<1024xf32, #tpu.memory_space<hbm>>) target(%dma_start3A_26 : memref<1024xf32, #tpu.memory_space<vmem>>) target_semaphore(%run_scoped3A : memref<!tpu.dma_semaphore, #tpu.memory_space<semaphore_mem>>)
      %dma_wait3A = arith.constant 0 : i32
      %dma_wait3A_28 = tpu.memref_slice %arg13[%dma_wait3A] : memref<1040xf32, #tpu.memory_space<vmem>> -> memref<1024xf32, #tpu.memory_space<vmem>>
      %dma_wait3A_29 = tpu.memref_slice %arg6[%mul3A_2] : memref<32768xf32, #tpu.memory_space<hbm>> -> memref<1024xf32, #tpu.memory_space<hbm>>
      %dma_wait3A_30 = arith.constant 0 : i32
      %dma_wait3A_31 = tpu.memref_slice %arg13[%dma_wait3A_30] : memref<1040xf32, #tpu.memory_space<vmem>> -> memref<1024xf32, #tpu.memory_space<vmem>>
      %dma_wait3A_32 = tpu.memref_slice %arg6[%mul3A_2] : memref<32768xf32, #tpu.memory_space<hbm>> -> memref<1024xf32, #tpu.memory_space<hbm>>
      tpu.wait_dma2 semaphore(%run_scoped3A : memref<!tpu.dma_semaphore, #tpu.memory_space<semaphore_mem>>) src(%dma_wait3A_32 : memref<1024xf32, #tpu.memory_space<hbm>>) dst(%dma_wait3A_31 : memref<1024xf32, #tpu.memory_space<vmem>>)
      tpu.yield
    }) : () -> ()
    "tpu.region"() ({
      %run_scoped3A = tpu.sem_alloc : memref<!tpu.dma_semaphore, #tpu.memory_space<semaphore_mem>>
      %dma_start3A_22 = arith.constant 0 : i32
      %dma_start3A_23 = tpu.memref_slice %arg14[%dma_start3A_22] : memref<1040xf32, #tpu.memory_space<vmem>> -> memref<1024xf32, #tpu.memory_space<vmem>>
      %dma_start3A_24 = tpu.memref_slice %arg7[%mul3A_2] : memref<32768xf32, #tpu.memory_space<hbm>> -> memref<1024xf32, #tpu.memory_space<hbm>>
      %dma_start3A_25 = arith.constant 0 : i32
      %dma_start3A_26 = tpu.memref_slice %arg14[%dma_start3A_25] : memref<1040xf32, #tpu.memory_space<vmem>> -> memref<1024xf32, #tpu.memory_space<vmem>>
      %dma_start3A_27 = tpu.memref_slice %arg7[%mul3A_2] : memref<32768xf32, #tpu.memory_space<hbm>> -> memref<1024xf32, #tpu.memory_space<hbm>>
      tpu.enqueue_dma source(%dma_start3A_27 : memref<1024xf32, #tpu.memory_space<hbm>>) target(%dma_start3A_26 : memref<1024xf32, #tpu.memory_space<vmem>>) target_semaphore(%run_scoped3A : memref<!tpu.dma_semaphore, #tpu.memory_space<semaphore_mem>>)
      %dma_wait3A = arith.constant 0 : i32
      %dma_wait3A_28 = tpu.memref_slice %arg14[%dma_wait3A] : memref<1040xf32, #tpu.memory_space<vmem>> -> memref<1024xf32, #tpu.memory_space<vmem>>
      %dma_wait3A_29 = tpu.memref_slice %arg7[%mul3A_2] : memref<32768xf32, #tpu.memory_space<hbm>> -> memref<1024xf32, #tpu.memory_space<hbm>>
      %dma_wait3A_30 = arith.constant 0 : i32
      %dma_wait3A_31 = tpu.memref_slice %arg14[%dma_wait3A_30] : memref<1040xf32, #tpu.memory_space<vmem>> -> memref<1024xf32, #tpu.memory_space<vmem>>
      %dma_wait3A_32 = tpu.memref_slice %arg7[%mul3A_2] : memref<32768xf32, #tpu.memory_space<hbm>> -> memref<1024xf32, #tpu.memory_space<hbm>>
      tpu.wait_dma2 semaphore(%run_scoped3A : memref<!tpu.dma_semaphore, #tpu.memory_space<semaphore_mem>>) src(%dma_wait3A_32 : memref<1024xf32, #tpu.memory_space<hbm>>) dst(%dma_wait3A_31 : memref<1024xf32, #tpu.memory_space<vmem>>)
      tpu.yield
    }) : () -> ()
    "tpu.region"() ({
      %run_scoped3A = tpu.sem_alloc : memref<!tpu.dma_semaphore, #tpu.memory_space<semaphore_mem>>
      %dma_start3A_22 = arith.constant 0 : i32
      %dma_start3A_23 = tpu.memref_slice %arg15[%dma_start3A_22] : memref<1040xf32, #tpu.memory_space<vmem>> -> memref<1024xf32, #tpu.memory_space<vmem>>
      %dma_start3A_24 = tpu.memref_slice %arg8[%mul3A_2] : memref<32768xf32, #tpu.memory_space<hbm>> -> memref<1024xf32, #tpu.memory_space<hbm>>
      %dma_start3A_25 = arith.constant 0 : i32
      %dma_start3A_26 = tpu.memref_slice %arg15[%dma_start3A_25] : memref<1040xf32, #tpu.memory_space<vmem>> -> memref<1024xf32, #tpu.memory_space<vmem>>
      %dma_start3A_27 = tpu.memref_slice %arg8[%mul3A_2] : memref<32768xf32, #tpu.memory_space<hbm>> -> memref<1024xf32, #tpu.memory_space<hbm>>
      tpu.enqueue_dma source(%dma_start3A_27 : memref<1024xf32, #tpu.memory_space<hbm>>) target(%dma_start3A_26 : memref<1024xf32, #tpu.memory_space<vmem>>) target_semaphore(%run_scoped3A : memref<!tpu.dma_semaphore, #tpu.memory_space<semaphore_mem>>)
      %dma_wait3A = arith.constant 0 : i32
      %dma_wait3A_28 = tpu.memref_slice %arg15[%dma_wait3A] : memref<1040xf32, #tpu.memory_space<vmem>> -> memref<1024xf32, #tpu.memory_space<vmem>>
      %dma_wait3A_29 = tpu.memref_slice %arg8[%mul3A_2] : memref<32768xf32, #tpu.memory_space<hbm>> -> memref<1024xf32, #tpu.memory_space<hbm>>
      %dma_wait3A_30 = arith.constant 0 : i32
      %dma_wait3A_31 = tpu.memref_slice %arg15[%dma_wait3A_30] : memref<1040xf32, #tpu.memory_space<vmem>> -> memref<1024xf32, #tpu.memory_space<vmem>>
      %dma_wait3A_32 = tpu.memref_slice %arg8[%mul3A_2] : memref<32768xf32, #tpu.memory_space<hbm>> -> memref<1024xf32, #tpu.memory_space<hbm>>
      tpu.wait_dma2 semaphore(%run_scoped3A : memref<!tpu.dma_semaphore, #tpu.memory_space<semaphore_mem>>) src(%dma_wait3A_32 : memref<1024xf32, #tpu.memory_space<hbm>>) dst(%dma_wait3A_31 : memref<1024xf32, #tpu.memory_space<vmem>>)
      tpu.yield
    }) : () -> ()
    %dma_start3A = arith.constant 0 : i32
    %dma_start3A_3 = tpu.memref_slice %arg10[%dma_start3A] : memref<1024xi32, #tpu.memory_space<vmem>> -> memref<64xi32, #tpu.memory_space<vmem>>
    %dma_start3A_4 = arith.constant 0 : i32
    %dma_start3A_5 = arith.constant 0 : i32
    %dma_start3A_6 = tpu.memref_slice %arg2[%dma_start3A_4, %dma_start3A_5] : memref<8192x256xf32, #tpu.memory_space<hbm>> -> memref<8192x256xf32, #tpu.memory_space<hbm>>
    tpu.enqueue_indirect_dma source(%dma_start3A_6 : memref<8192x256xf32, #tpu.memory_space<hbm>>) target(%arg16 : memref<64x256xf32, #tpu.memory_space<vmem>>) offsets(%dma_start3A_3 : memref<64xi32, #tpu.memory_space<vmem>>) semaphore(%arg23 : memref<!tpu.dma_semaphore, #tpu.memory_space<semaphore_mem>>)
    %dma_start3A_7 = arith.constant 0 : i32
    %dma_start3A_8 = tpu.memref_slice %arg11[%dma_start3A_7] : memref<1024xi32, #tpu.memory_space<vmem>> -> memref<64xi32, #tpu.memory_space<vmem>>
    %dma_start3A_9 = arith.constant 0 : i32
    %dma_start3A_10 = arith.constant 0 : i32
    %dma_start3A_11 = tpu.memref_slice %arg2[%dma_start3A_9, %dma_start3A_10] : memref<8192x256xf32, #tpu.memory_space<hbm>> -> memref<8192x256xf32, #tpu.memory_space<hbm>>
    tpu.enqueue_indirect_dma source(%dma_start3A_11 : memref<8192x256xf32, #tpu.memory_space<hbm>>) target(%arg17 : memref<64x256xf32, #tpu.memory_space<vmem>>) offsets(%dma_start3A_8 : memref<64xi32, #tpu.memory_space<vmem>>) semaphore(%arg23 : memref<!tpu.dma_semaphore, #tpu.memory_space<semaphore_mem>>)
    %dma_start3A_12 = arith.constant 0 : i32
    %dma_start3A_13 = tpu.memref_slice %arg12[%dma_start3A_12] : memref<1024xi32, #tpu.memory_space<vmem>> -> memref<64xi32, #tpu.memory_space<vmem>>
    %dma_start3A_14 = arith.constant 0 : i32
    %dma_start3A_15 = arith.constant 0 : i32
    %dma_start3A_16 = tpu.memref_slice %arg2[%dma_start3A_14, %dma_start3A_15] : memref<8192x256xf32, #tpu.memory_space<hbm>> -> memref<8192x256xf32, #tpu.memory_space<hbm>>
    tpu.enqueue_indirect_dma source(%dma_start3A_16 : memref<8192x256xf32, #tpu.memory_space<hbm>>) target(%arg18 : memref<64x256xf32, #tpu.memory_space<vmem>>) offsets(%dma_start3A_13 : memref<64xi32, #tpu.memory_space<vmem>>) semaphore(%arg23 : memref<!tpu.dma_semaphore, #tpu.memory_space<semaphore_mem>>)
    %scan3A = arith.constant 0 : i32
    %scan3A_17 = arith.constant 0 : i32
    %scan3A_18 = arith.constant 8 : i32
    %scan3A_19 = arith.addi %scan3A_17, %scan3A_18 : i32
    %scan3A_20 = arith.constant 1 : i32
    scf.for %scan3A_22 = %scan3A_17 to %scan3A_19 step %scan3A_20  : i32 {
      %mul3A_23 = arith.constant 2 : i32
      %mul3A_24 = arith.muli %scan3A_22, %mul3A_23 : i32
      %add3A_25 = arith.constant 0 : i32
      %add3A_26 = arith.addi %mul3A_24, %add3A_25 : i32
      %add3A_27 = arith.constant 1 : i32
      %add3A_28 = arith.addi %add3A_26, %add3A_27 : i32
      %lt3A = arith.constant 16 : i32
      %lt3A_29 = arith.cmpi slt, %add3A_28, %lt3A : i32
      %convert_element_type3A = arith.extui %lt3A_29 : i1 to i32
      %cond3A = arith.constant 0 : i32
      %cond3A_30 = arith.cmpi ne, %convert_element_type3A, %cond3A : i32
      scf.if %cond3A_30 {
        %add3A_89 = arith.constant 1 : i32
        %add3A_90 = arith.addi %add3A_26, %add3A_89 : i32
        %mul3A_91 = arith.constant 64 : i32
        %mul3A_92 = arith.muli %add3A_90, %mul3A_91 : i32
        %dma_start3A_93 = tpu.memref_slice %arg10[%mul3A_92] : memref<1024xi32, #tpu.memory_space<vmem>> -> memref<64xi32, #tpu.memory_space<vmem>>
        %dma_start3A_94 = arith.constant 0 : i32
        %dma_start3A_95 = arith.constant 0 : i32
        %dma_start3A_96 = tpu.memref_slice %arg2[%dma_start3A_94, %dma_start3A_95] : memref<8192x256xf32, #tpu.memory_space<hbm>> -> memref<8192x256xf32, #tpu.memory_space<hbm>>
        tpu.enqueue_indirect_dma source(%dma_start3A_96 : memref<8192x256xf32, #tpu.memory_space<hbm>>) target(%arg19 : memref<64x256xf32, #tpu.memory_space<vmem>>) offsets(%dma_start3A_93 : memref<64xi32, #tpu.memory_space<vmem>>) semaphore(%arg24 : memref<!tpu.dma_semaphore, #tpu.memory_space<semaphore_mem>>)
        %dma_start3A_97 = tpu.memref_slice %arg11[%mul3A_92] : memref<1024xi32, #tpu.memory_space<vmem>> -> memref<64xi32, #tpu.memory_space<vmem>>
        %dma_start3A_98 = arith.constant 0 : i32
        %dma_start3A_99 = arith.constant 0 : i32
        %dma_start3A_100 = tpu.memref_slice %arg2[%dma_start3A_98, %dma_start3A_99] : memref<8192x256xf32, #tpu.memory_space<hbm>> -> memref<8192x256xf32, #tpu.memory_space<hbm>>
        tpu.enqueue_indirect_dma source(%dma_start3A_100 : memref<8192x256xf32, #tpu.memory_space<hbm>>) target(%arg20 : memref<64x256xf32, #tpu.memory_space<vmem>>) offsets(%dma_start3A_97 : memref<64xi32, #tpu.memory_space<vmem>>) semaphore(%arg24 : memref<!tpu.dma_semaphore, #tpu.memory_space<semaphore_mem>>)
        %dma_start3A_101 = tpu.memref_slice %arg12[%mul3A_92] : memref<1024xi32, #tpu.memory_space<vmem>> -> memref<64xi32, #tpu.memory_space<vmem>>
        %dma_start3A_102 = arith.constant 0 : i32
        %dma_start3A_103 = arith.constant 0 : i32
        %dma_start3A_104 = tpu.memref_slice %arg2[%dma_start3A_102, %dma_start3A_103] : memref<8192x256xf32, #tpu.memory_space<hbm>> -> memref<8192x256xf32, #tpu.memory_space<hbm>>
        tpu.enqueue_indirect_dma source(%dma_start3A_104 : memref<8192x256xf32, #tpu.memory_space<hbm>>) target(%arg21 : memref<64x256xf32, #tpu.memory_space<vmem>>) offsets(%dma_start3A_101 : memref<64xi32, #tpu.memory_space<vmem>>) semaphore(%arg24 : memref<!tpu.dma_semaphore, #tpu.memory_space<semaphore_mem>>)
      } else {
      }
      %dma_wait3A = arith.constant 0 : i32
      %dma_wait3A_31 = tpu.memref_slice %arg10[%dma_wait3A] : memref<1024xi32, #tpu.memory_space<vmem>> -> memref<64xi32, #tpu.memory_space<vmem>>
      %dma_wait3A_32 = arith.constant 0 : i32
      %dma_wait3A_33 = arith.constant 0 : i32
      %dma_wait3A_34 = tpu.memref_slice %arg2[%dma_wait3A_32, %dma_wait3A_33] : memref<8192x256xf32, #tpu.memory_space<hbm>> -> memref<8192x256xf32, #tpu.memory_space<hbm>>
      tpu.wait_indirect_dma semaphore(%arg23 : memref<!tpu.dma_semaphore, #tpu.memory_space<semaphore_mem>>) src(%dma_wait3A_34 : memref<8192x256xf32, #tpu.memory_space<hbm>>) dst(%arg16 : memref<64x256xf32, #tpu.memory_space<vmem>>)
      %dma_wait3A_35 = arith.constant 0 : i32
      %dma_wait3A_36 = tpu.memref_slice %arg11[%dma_wait3A_35] : memref<1024xi32, #tpu.memory_space<vmem>> -> memref<64xi32, #tpu.memory_space<vmem>>
      %dma_wait3A_37 = arith.constant 0 : i32
      %dma_wait3A_38 = arith.constant 0 : i32
      %dma_wait3A_39 = tpu.memref_slice %arg2[%dma_wait3A_37, %dma_wait3A_38] : memref<8192x256xf32, #tpu.memory_space<hbm>> -> memref<8192x256xf32, #tpu.memory_space<hbm>>
      tpu.wait_indirect_dma semaphore(%arg23 : memref<!tpu.dma_semaphore, #tpu.memory_space<semaphore_mem>>) src(%dma_wait3A_39 : memref<8192x256xf32, #tpu.memory_space<hbm>>) dst(%arg17 : memref<64x256xf32, #tpu.memory_space<vmem>>)
      %dma_wait3A_40 = arith.constant 0 : i32
      %dma_wait3A_41 = tpu.memref_slice %arg12[%dma_wait3A_40] : memref<1024xi32, #tpu.memory_space<vmem>> -> memref<64xi32, #tpu.memory_space<vmem>>
      %dma_wait3A_42 = arith.constant 0 : i32
      %dma_wait3A_43 = arith.constant 0 : i32
      %dma_wait3A_44 = tpu.memref_slice %arg2[%dma_wait3A_42, %dma_wait3A_43] : memref<8192x256xf32, #tpu.memory_space<hbm>> -> memref<8192x256xf32, #tpu.memory_space<hbm>>
      tpu.wait_indirect_dma semaphore(%arg23 : memref<!tpu.dma_semaphore, #tpu.memory_space<semaphore_mem>>) src(%dma_wait3A_44 : memref<8192x256xf32, #tpu.memory_space<hbm>>) dst(%arg18 : memref<64x256xf32, #tpu.memory_space<vmem>>)
      %scan3A_45 = arith.constant 0 : i32
      %scan3A_46 = arith.constant 0 : i32
      %scan3A_47 = arith.constant 64 : i32
      %scan3A_48 = arith.addi %scan3A_46, %scan3A_47 : i32
      %scan3A_49 = arith.constant 1 : i32
      scf.for %scan3A_89 = %scan3A_46 to %scan3A_48 step %scan3A_49  : i32 {
        %mul3A_90 = arith.constant 64 : i32
        %mul3A_91 = arith.muli %add3A_26, %mul3A_90 : i32
        %add3A_92 = arith.addi %mul3A_91, %scan3A_89 : i32
        %get3A = arith.index_cast %add3A_92 : i32 to index
        %get3A_93 = tpu.vector_load %arg13[%get3A] {strides = array<i32>} : memref<1040xf32, #tpu.memory_space<vmem>>, vector<16xf32>,
        %get3A_94 = vector.shape_cast %get3A_93 : vector<16xf32> to vector<16xf32>
        %slice3A = vector.extract_strided_slice %get3A_94 {offsets = [0], sizes = [1], strides = [1]} : vector<16xf32> to vector<1xf32>
        %squeeze3A = vector.extract %slice3A[0] : f32 from vector<1xf32>
        %mul3A_95 = arith.constant 64 : i32
        %mul3A_96 = arith.muli %add3A_26, %mul3A_95 : i32
        %add3A_97 = arith.addi %mul3A_96, %scan3A_89 : i32
        %get3A_98 = arith.index_cast %add3A_97 : i32 to index
        %get3A_99 = tpu.vector_load %arg14[%get3A_98] {strides = array<i32>} : memref<1040xf32, #tpu.memory_space<vmem>>, vector<16xf32>,
        %get3A_100 = vector.shape_cast %get3A_99 : vector<16xf32> to vector<16xf32>
        %slice3A_101 = vector.extract_strided_slice %get3A_100 {offsets = [0], sizes = [1], strides = [1]} : vector<16xf32> to vector<1xf32>
        %squeeze3A_102 = vector.extract %slice3A_101[0] : f32 from vector<1xf32>
        %mul3A_103 = arith.constant 64 : i32
        %mul3A_104 = arith.muli %add3A_26, %mul3A_103 : i32
        %add3A_105 = arith.addi %mul3A_104, %scan3A_89 : i32
        %get3A_106 = arith.index_cast %add3A_105 : i32 to index
        %get3A_107 = tpu.vector_load %arg15[%get3A_106] {strides = array<i32>} : memref<1040xf32, #tpu.memory_space<vmem>>, vector<16xf32>,
        %get3A_108 = vector.shape_cast %get3A_107 : vector<16xf32> to vector<16xf32>
        %slice3A_109 = vector.extract_strided_slice %get3A_108 {offsets = [0], sizes = [1], strides = [1]} : vector<16xf32> to vector<1xf32>
        %squeeze3A_110 = vector.extract %slice3A_109[0] : f32 from vector<1xf32>
        %get3A_111 = arith.index_cast %scan3A_89 : i32 to index
        %get3A_112 = arith.constant 0 : index
        %get3A_113 = tpu.vector_load %arg16[%get3A_111, %get3A_112] {strides = array<i32>} : memref<64x256xf32, #tpu.memory_space<vmem>>, vector<1x16xf32>,
        %get3A_114 = vector.shape_cast %get3A_113 : vector<1x16xf32> to vector<16xf32>
        %mul3A_115 = vector.broadcast %squeeze3A : f32 to vector<16xf32>
        %mul3A_116 = arith.mulf %get3A_114, %mul3A_115 : vector<16xf32>
        %get3A_117 = arith.index_cast %scan3A_89 : i32 to index
        %get3A_118 = arith.constant 0 : index
        %get3A_119 = tpu.vector_load %arg17[%get3A_117, %get3A_118] {strides = array<i32>} : memref<64x256xf32, #tpu.memory_space<vmem>>, vector<1x16xf32>,
        %get3A_120 = vector.shape_cast %get3A_119 : vector<1x16xf32> to vector<16xf32>
        %mul3A_121 = vector.broadcast %squeeze3A_102 : f32 to vector<16xf32>
        %mul3A_122 = arith.mulf %get3A_120, %mul3A_121 : vector<16xf32>
        %add3A_123 = arith.addf %mul3A_116, %mul3A_122 : vector<16xf32>
        %get3A_124 = arith.index_cast %scan3A_89 : i32 to index
        %get3A_125 = arith.constant 0 : index
        %get3A_126 = tpu.vector_load %arg18[%get3A_124, %get3A_125] {strides = array<i32>} : memref<64x256xf32, #tpu.memory_space<vmem>>, vector<1x16xf32>,
        %get3A_127 = vector.shape_cast %get3A_126 : vector<1x16xf32> to vector<16xf32>
        %mul3A_128 = vector.broadcast %squeeze3A_110 : f32 to vector<16xf32>
        %mul3A_129 = arith.mulf %get3A_127, %mul3A_128 : vector<16xf32>
        %add3A_130 = arith.addf %add3A_123, %mul3A_129 : vector<16xf32>
        %swap3A = arith.index_cast %scan3A_89 : i32 to index
        %swap3A_131 = arith.constant 0 : index
        %swap3A_132 = tpu.vector_load %arg22[%swap3A, %swap3A_131] {strides = array<i32>} : memref<64x256xf32, #tpu.memory_space<vmem>>, vector<1x16xf32>,
        %swap3A_133 = vector.shape_cast %swap3A_132 : vector<1x16xf32> to vector<16xf32>
        %swap3A_134 = vector.shape_cast %add3A_130 : vector<16xf32> to vector<1x16xf32>
        tpu.vector_store %arg22[%swap3A, %swap3A_131], %swap3A_134 {strides = array<i32>} : memref<64x256xf32, #tpu.memory_space<vmem>>, vector<1x16xf32>,
        %get3A_135 = arith.index_cast %scan3A_89 : i32 to index
        %get3A_136 = arith.constant 16 : index
        %get3A_137 = tpu.vector_load %arg16[%get3A_135, %get3A_136] {strides = array<i32>} : memref<64x256xf32, #tpu.memory_space<vmem>>, vector<1x16xf32>,
        %get3A_138 = vector.shape_cast %get3A_137 : vector<1x16xf32> to vector<16xf32>
        %mul3A_139 = vector.broadcast %squeeze3A : f32 to vector<16xf32>
        %mul3A_140 = arith.mulf %get3A_138, %mul3A_139 : vector<16xf32>
        %get3A_141 = arith.index_cast %scan3A_89 : i32 to index
        %get3A_142 = arith.constant 16 : index
        %get3A_143 = tpu.vector_load %arg17[%get3A_141, %get3A_142] {strides = array<i32>} : memref<64x256xf32, #tpu.memory_space<vmem>>, vector<1x16xf32>,
        %get3A_144 = vector.shape_cast %get3A_143 : vector<1x16xf32> to vector<16xf32>
        %mul3A_145 = vector.broadcast %squeeze3A_102 : f32 to vector<16xf32>
        %mul3A_146 = arith.mulf %get3A_144, %mul3A_145 : vector<16xf32>
        %add3A_147 = arith.addf %mul3A_140, %mul3A_146 : vector<16xf32>
        %get3A_148 = arith.index_cast %scan3A_89 : i32 to index
        %get3A_149 = arith.constant 16 : index
        %get3A_150 = tpu.vector_load %arg18[%get3A_148, %get3A_149] {strides = array<i32>} : memref<64x256xf32, #tpu.memory_space<vmem>>, vector<1x16xf32>,
        %get3A_151 = vector.shape_cast %get3A_150 : vector<1x16xf32> to vector<16xf32>
        %mul3A_152 = vector.broadcast %squeeze3A_110 : f32 to vector<16xf32>
        %mul3A_153 = arith.mulf %get3A_151, %mul3A_152 : vector<16xf32>
        %add3A_154 = arith.addf %add3A_147, %mul3A_153 : vector<16xf32>
        %swap3A_155 = arith.index_cast %scan3A_89 : i32 to index
        %swap3A_156 = arith.constant 16 : index
        %swap3A_157 = tpu.vector_load %arg22[%swap3A_155, %swap3A_156] {strides = array<i32>} : memref<64x256xf32, #tpu.memory_space<vmem>>, vector<1x16xf32>,
        %swap3A_158 = vector.shape_cast %swap3A_157 : vector<1x16xf32> to vector<16xf32>
        %swap3A_159 = vector.shape_cast %add3A_154 : vector<16xf32> to vector<1x16xf32>
        tpu.vector_store %arg22[%swap3A_155, %swap3A_156], %swap3A_159 {strides = array<i32>} : memref<64x256xf32, #tpu.memory_space<vmem>>, vector<1x16xf32>,
        %get3A_160 = arith.index_cast %scan3A_89 : i32 to index
        %get3A_161 = arith.constant 32 : index
        %get3A_162 = tpu.vector_load %arg16[%get3A_160, %get3A_161] {strides = array<i32>} : memref<64x256xf32, #tpu.memory_space<vmem>>, vector<1x16xf32>,
        %get3A_163 = vector.shape_cast %get3A_162 : vector<1x16xf32> to vector<16xf32>
        %mul3A_164 = vector.broadcast %squeeze3A : f32 to vector<16xf32>
        %mul3A_165 = arith.mulf %get3A_163, %mul3A_164 : vector<16xf32>
        %get3A_166 = arith.index_cast %scan3A_89 : i32 to index
        %get3A_167 = arith.constant 32 : index
        %get3A_168 = tpu.vector_load %arg17[%get3A_166, %get3A_167] {strides = array<i32>} : memref<64x256xf32, #tpu.memory_space<vmem>>, vector<1x16xf32>,
        %get3A_169 = vector.shape_cast %get3A_168 : vector<1x16xf32> to vector<16xf32>
        %mul3A_170 = vector.broadcast %squeeze3A_102 : f32 to vector<16xf32>
        %mul3A_171 = arith.mulf %get3A_169, %mul3A_170 : vector<16xf32>
        %add3A_172 = arith.addf %mul3A_165, %mul3A_171 : vector<16xf32>
        %get3A_173 = arith.index_cast %scan3A_89 : i32 to index
        %get3A_174 = arith.constant 32 : index
        %get3A_175 = tpu.vector_load %arg18[%get3A_173, %get3A_174] {strides = array<i32>} : memref<64x256xf32, #tpu.memory_space<vmem>>, vector<1x16xf32>,
        %get3A_176 = vector.shape_cast %get3A_175 : vector<1x16xf32> to vector<16xf32>
        %mul3A_177 = vector.broadcast %squeeze3A_110 : f32 to vector<16xf32>
        %mul3A_178 = arith.mulf %get3A_176, %mul3A_177 : vector<16xf32>
        %add3A_179 = arith.addf %add3A_172, %mul3A_178 : vector<16xf32>
        %swap3A_180 = arith.index_cast %scan3A_89 : i32 to index
        %swap3A_181 = arith.constant 32 : index
        %swap3A_182 = tpu.vector_load %arg22[%swap3A_180, %swap3A_181] {strides = array<i32>} : memref<64x256xf32, #tpu.memory_space<vmem>>, vector<1x16xf32>,
        %swap3A_183 = vector.shape_cast %swap3A_182 : vector<1x16xf32> to vector<16xf32>
        %swap3A_184 = vector.shape_cast %add3A_179 : vector<16xf32> to vector<1x16xf32>
        tpu.vector_store %arg22[%swap3A_180, %swap3A_181], %swap3A_184 {strides = array<i32>} : memref<64x256xf32, #tpu.memory_space<vmem>>, vector<1x16xf32>,
        %get3A_185 = arith.index_cast %scan3A_89 : i32 to index
        %get3A_186 = arith.constant 48 : index
        %get3A_187 = tpu.vector_load %arg16[%get3A_185, %get3A_186] {strides = array<i32>} : memref<64x256xf32, #tpu.memory_space<vmem>>, vector<1x16xf32>,
        %get3A_188 = vector.shape_cast %get3A_187 : vector<1x16xf32> to vector<16xf32>
        %mul3A_189 = vector.broadcast %squeeze3A : f32 to vector<16xf32>
        %mul3A_190 = arith.mulf %get3A_188, %mul3A_189 : vector<16xf32>
        %get3A_191 = arith.index_cast %scan3A_89 : i32 to index
        %get3A_192 = arith.constant 48 : index
        %get3A_193 = tpu.vector_load %arg17[%get3A_191, %get3A_192] {strides = array<i32>} : memref<64x256xf32, #tpu.memory_space<vmem>>, vector<1x16xf32>,
        %get3A_194 = vector.shape_cast %get3A_193 : vector<1x16xf32> to vector<16xf32>
        %mul3A_195 = vector.broadcast %squeeze3A_102 : f32 to vector<16xf32>
        %mul3A_196 = arith.mulf %get3A_194, %mul3A_195 : vector<16xf32>
        %add3A_197 = arith.addf %mul3A_190, %mul3A_196 : vector<16xf32>
        %get3A_198 = arith.index_cast %scan3A_89 : i32 to index
        %get3A_199 = arith.constant 48 : index
        %get3A_200 = tpu.vector_load %arg18[%get3A_198, %get3A_199] {strides = array<i32>} : memref<64x256xf32, #tpu.memory_space<vmem>>, vector<1x16xf32>,
        %get3A_201 = vector.shape_cast %get3A_200 : vector<1x16xf32> to vector<16xf32>
        %mul3A_202 = vector.broadcast %squeeze3A_110 : f32 to vector<16xf32>
        %mul3A_203 = arith.mulf %get3A_201, %mul3A_202 : vector<16xf32>
        %add3A_204 = arith.addf %add3A_197, %mul3A_203 : vector<16xf32>
        %swap3A_205 = arith.index_cast %scan3A_89 : i32 to index
        %swap3A_206 = arith.constant 48 : index
        %swap3A_207 = tpu.vector_load %arg22[%swap3A_205, %swap3A_206] {strides = array<i32>} : memref<64x256xf32, #tpu.memory_space<vmem>>, vector<1x16xf32>,
        %swap3A_208 = vector.shape_cast %swap3A_207 : vector<1x16xf32> to vector<16xf32>
        %swap3A_209 = vector.shape_cast %add3A_204 : vector<16xf32> to vector<1x16xf32>
        tpu.vector_store %arg22[%swap3A_205, %swap3A_206], %swap3A_209 {strides = array<i32>} : memref<64x256xf32, #tpu.memory_space<vmem>>, vector<1x16xf32>,
        %get3A_210 = arith.index_cast %scan3A_89 : i32 to index
        %get3A_211 = arith.constant 64 : index
        %get3A_212 = tpu.vector_load %arg16[%get3A_210, %get3A_211] {strides = array<i32>} : memref<64x256xf32, #tpu.memory_space<vmem>>, vector<1x16xf32>,
        %get3A_213 = vector.shape_cast %get3A_212 : vector<1x16xf32> to vector<16xf32>
        %mul3A_214 = vector.broadcast %squeeze3A : f32 to vector<16xf32>
        %mul3A_215 = arith.mulf %get3A_213, %mul3A_214 : vector<16xf32>
        %get3A_216 = arith.index_cast %scan3A_89 : i32 to index
        %get3A_217 = arith.constant 64 : index
        %get3A_218 = tpu.vector_load %arg17[%get3A_216, %get3A_217] {strides = array<i32>} : memref<64x256xf32, #tpu.memory_space<vmem>>, vector<1x16xf32>,
        %get3A_219 = vector.shape_cast %get3A_218 : vector<1x16xf32> to vector<16xf32>
        %mul3A_220 = vector.broadcast %squeeze3A_102 : f32 to vector<16xf32>
        %mul3A_221 = arith.mulf %get3A_219, %mul3A_220 : vector<16xf32>
        %add3A_222 = arith.addf %mul3A_215, %mul3A_221 : vector<16xf32>
        %get3A_223 = arith.index_cast %scan3A_89 : i32 to index
        %get3A_224 = arith.constant 64 : index
        %get3A_225 = tpu.vector_load %arg18[%get3A_223, %get3A_224] {strides = array<i32>} : memref<64x256xf32, #tpu.memory_space<vmem>>, vector<1x16xf32>,
        %get3A_226 = vector.shape_cast %get3A_225 : vector<1x16xf32> to vector<16xf32>
        %mul3A_227 = vector.broadcast %squeeze3A_110 : f32 to vector<16xf32>
        %mul3A_228 = arith.mulf %get3A_226, %mul3A_227 : vector<16xf32>
        %add3A_229 = arith.addf %add3A_222, %mul3A_228 : vector<16xf32>
        %swap3A_230 = arith.index_cast %scan3A_89 : i32 to index
        %swap3A_231 = arith.constant 64 : index
        %swap3A_232 = tpu.vector_load %arg22[%swap3A_230, %swap3A_231] {strides = array<i32>} : memref<64x256xf32, #tpu.memory_space<vmem>>, vector<1x16xf32>,
        %swap3A_233 = vector.shape_cast %swap3A_232 : vector<1x16xf32> to vector<16xf32>
        %swap3A_234 = vector.shape_cast %add3A_229 : vector<16xf32> to vector<1x16xf32>
        tpu.vector_store %arg22[%swap3A_230, %swap3A_231], %swap3A_234 {strides = array<i32>} : memref<64x256xf32, #tpu.memory_space<vmem>>, vector<1x16xf32>,
        %get3A_235 = arith.index_cast %scan3A_89 : i32 to index
        %get3A_236 = arith.constant 80 : index
        %get3A_237 = tpu.vector_load %arg16[%get3A_235, %get3A_236] {strides = array<i32>} : memref<64x256xf32, #tpu.memory_space<vmem>>, vector<1x16xf32>,
        %get3A_238 = vector.shape_cast %get3A_237 : vector<1x16xf32> to vector<16xf32>
        %mul3A_239 = vector.broadcast %squeeze3A : f32 to vector<16xf32>
        %mul3A_240 = arith.mulf %get3A_238, %mul3A_239 : vector<16xf32>
        %get3A_241 = arith.index_cast %scan3A_89 : i32 to index
        %get3A_242 = arith.constant 80 : index
        %get3A_243 = tpu.vector_load %arg17[%get3A_241, %get3A_242] {strides = array<i32>} : memref<64x256xf32, #tpu.memory_space<vmem>>, vector<1x16xf32>,
        %get3A_244 = vector.shape_cast %get3A_243 : vector<1x16xf32> to vector<16xf32>
        %mul3A_245 = vector.broadcast %squeeze3A_102 : f32 to vector<16xf32>
        %mul3A_246 = arith.mulf %get3A_244, %mul3A_245 : vector<16xf32>
        %add3A_247 = arith.addf %mul3A_240, %mul3A_246 : vector<16xf32>
        %get3A_248 = arith.index_cast %scan3A_89 : i32 to index
        %get3A_249 = arith.constant 80 : index
        %get3A_250 = tpu.vector_load %arg18[%get3A_248, %get3A_249] {strides = array<i32>} : memref<64x256xf32, #tpu.memory_space<vmem>>, vector<1x16xf32>,
        %get3A_251 = vector.shape_cast %get3A_250 : vector<1x16xf32> to vector<16xf32>
        %mul3A_252 = vector.broadcast %squeeze3A_110 : f32 to vector<16xf32>
        %mul3A_253 = arith.mulf %get3A_251, %mul3A_252 : vector<16xf32>
        %add3A_254 = arith.addf %add3A_247, %mul3A_253 : vector<16xf32>
        %swap3A_255 = arith.index_cast %scan3A_89 : i32 to index
        %swap3A_256 = arith.constant 80 : index
        %swap3A_257 = tpu.vector_load %arg22[%swap3A_255, %swap3A_256] {strides = array<i32>} : memref<64x256xf32, #tpu.memory_space<vmem>>, vector<1x16xf32>,
        %swap3A_258 = vector.shape_cast %swap3A_257 : vector<1x16xf32> to vector<16xf32>
        %swap3A_259 = vector.shape_cast %add3A_254 : vector<16xf32> to vector<1x16xf32>
        tpu.vector_store %arg22[%swap3A_255, %swap3A_256], %swap3A_259 {strides = array<i32>} : memref<64x256xf32, #tpu.memory_space<vmem>>, vector<1x16xf32>,
        %get3A_260 = arith.index_cast %scan3A_89 : i32 to index
        %get3A_261 = arith.constant 96 : index
        %get3A_262 = tpu.vector_load %arg16[%get3A_260, %get3A_261] {strides = array<i32>} : memref<64x256xf32, #tpu.memory_space<vmem>>, vector<1x16xf32>,
        %get3A_263 = vector.shape_cast %get3A_262 : vector<1x16xf32> to vector<16xf32>
        %mul3A_264 = vector.broadcast %squeeze3A : f32 to vector<16xf32>
        %mul3A_265 = arith.mulf %get3A_263, %mul3A_264 : vector<16xf32>
        %get3A_266 = arith.index_cast %scan3A_89 : i32 to index
        %get3A_267 = arith.constant 96 : index
        %get3A_268 = tpu.vector_load %arg17[%get3A_266, %get3A_267] {strides = array<i32>} : memref<64x256xf32, #tpu.memory_space<vmem>>, vector<1x16xf32>,
        %get3A_269 = vector.shape_cast %get3A_268 : vector<1x16xf32> to vector<16xf32>
        %mul3A_270 = vector.broadcast %squeeze3A_102 : f32 to vector<16xf32>
        %mul3A_271 = arith.mulf %get3A_269, %mul3A_270 : vector<16xf32>
        %add3A_272 = arith.addf %mul3A_265, %mul3A_271 : vector<16xf32>
        %get3A_273 = arith.index_cast %scan3A_89 : i32 to index
        %get3A_274 = arith.constant 96 : index
        %get3A_275 = tpu.vector_load %arg18[%get3A_273, %get3A_274] {strides = array<i32>} : memref<64x256xf32, #tpu.memory_space<vmem>>, vector<1x16xf32>,
        %get3A_276 = vector.shape_cast %get3A_275 : vector<1x16xf32> to vector<16xf32>
        %mul3A_277 = vector.broadcast %squeeze3A_110 : f32 to vector<16xf32>
        %mul3A_278 = arith.mulf %get3A_276, %mul3A_277 : vector<16xf32>
        %add3A_279 = arith.addf %add3A_272, %mul3A_278 : vector<16xf32>
        %swap3A_280 = arith.index_cast %scan3A_89 : i32 to index
        %swap3A_281 = arith.constant 96 : index
        %swap3A_282 = tpu.vector_load %arg22[%swap3A_280, %swap3A_281] {strides = array<i32>} : memref<64x256xf32, #tpu.memory_space<vmem>>, vector<1x16xf32>,
        %swap3A_283 = vector.shape_cast %swap3A_282 : vector<1x16xf32> to vector<16xf32>
        %swap3A_284 = vector.shape_cast %add3A_279 : vector<16xf32> to vector<1x16xf32>
        tpu.vector_store %arg22[%swap3A_280, %swap3A_281], %swap3A_284 {strides = array<i32>} : memref<64x256xf32, #tpu.memory_space<vmem>>, vector<1x16xf32>,
        %get3A_285 = arith.index_cast %scan3A_89 : i32 to index
        %get3A_286 = arith.constant 112 : index
        %get3A_287 = tpu.vector_load %arg16[%get3A_285, %get3A_286] {strides = array<i32>} : memref<64x256xf32, #tpu.memory_space<vmem>>, vector<1x16xf32>,
        %get3A_288 = vector.shape_cast %get3A_287 : vector<1x16xf32> to vector<16xf32>
        %mul3A_289 = vector.broadcast %squeeze3A : f32 to vector<16xf32>
        %mul3A_290 = arith.mulf %get3A_288, %mul3A_289 : vector<16xf32>
        %get3A_291 = arith.index_cast %scan3A_89 : i32 to index
        %get3A_292 = arith.constant 112 : index
        %get3A_293 = tpu.vector_load %arg17[%get3A_291, %get3A_292] {strides = array<i32>} : memref<64x256xf32, #tpu.memory_space<vmem>>, vector<1x16xf32>,
        %get3A_294 = vector.shape_cast %get3A_293 : vector<1x16xf32> to vector<16xf32>
        %mul3A_295 = vector.broadcast %squeeze3A_102 : f32 to vector<16xf32>
        %mul3A_296 = arith.mulf %get3A_294, %mul3A_295 : vector<16xf32>
        %add3A_297 = arith.addf %mul3A_290, %mul3A_296 : vector<16xf32>
        %get3A_298 = arith.index_cast %scan3A_89 : i32 to index
        %get3A_299 = arith.constant 112 : index
        %get3A_300 = tpu.vector_load %arg18[%get3A_298, %get3A_299] {strides = array<i32>} : memref<64x256xf32, #tpu.memory_space<vmem>>, vector<1x16xf32>,
        %get3A_301 = vector.shape_cast %get3A_300 : vector<1x16xf32> to vector<16xf32>
        %mul3A_302 = vector.broadcast %squeeze3A_110 : f32 to vector<16xf32>
        %mul3A_303 = arith.mulf %get3A_301, %mul3A_302 : vector<16xf32>
        %add3A_304 = arith.addf %add3A_297, %mul3A_303 : vector<16xf32>
        %swap3A_305 = arith.index_cast %scan3A_89 : i32 to index
        %swap3A_306 = arith.constant 112 : index
        %swap3A_307 = tpu.vector_load %arg22[%swap3A_305, %swap3A_306] {strides = array<i32>} : memref<64x256xf32, #tpu.memory_space<vmem>>, vector<1x16xf32>,
        %swap3A_308 = vector.shape_cast %swap3A_307 : vector<1x16xf32> to vector<16xf32>
        %swap3A_309 = vector.shape_cast %add3A_304 : vector<16xf32> to vector<1x16xf32>
        tpu.vector_store %arg22[%swap3A_305, %swap3A_306], %swap3A_309 {strides = array<i32>} : memref<64x256xf32, #tpu.memory_space<vmem>>, vector<1x16xf32>,
        %get3A_310 = arith.index_cast %scan3A_89 : i32 to index
        %get3A_311 = arith.constant 128 : index
        %get3A_312 = tpu.vector_load %arg16[%get3A_310, %get3A_311] {strides = array<i32>} : memref<64x256xf32, #tpu.memory_space<vmem>>, vector<1x16xf32>,
        %get3A_313 = vector.shape_cast %get3A_312 : vector<1x16xf32> to vector<16xf32>
        %mul3A_314 = vector.broadcast %squeeze3A : f32 to vector<16xf32>
        %mul3A_315 = arith.mulf %get3A_313, %mul3A_314 : vector<16xf32>
        %get3A_316 = arith.index_cast %scan3A_89 : i32 to index
        %get3A_317 = arith.constant 128 : index
        %get3A_318 = tpu.vector_load %arg17[%get3A_316, %get3A_317] {strides = array<i32>} : memref<64x256xf32, #tpu.memory_space<vmem>>, vector<1x16xf32>,
        %get3A_319 = vector.shape_cast %get3A_318 : vector<1x16xf32> to vector<16xf32>
        %mul3A_320 = vector.broadcast %squeeze3A_102 : f32 to vector<16xf32>
        %mul3A_321 = arith.mulf %get3A_319, %mul3A_320 : vector<16xf32>
        %add3A_322 = arith.addf %mul3A_315, %mul3A_321 : vector<16xf32>
        %get3A_323 = arith.index_cast %scan3A_89 : i32 to index
        %get3A_324 = arith.constant 128 : index
        %get3A_325 = tpu.vector_load %arg18[%get3A_323, %get3A_324] {strides = array<i32>} : memref<64x256xf32, #tpu.memory_space<vmem>>, vector<1x16xf32>,
        %get3A_326 = vector.shape_cast %get3A_325 : vector<1x16xf32> to vector<16xf32>
        %mul3A_327 = vector.broadcast %squeeze3A_110 : f32 to vector<16xf32>
        %mul3A_328 = arith.mulf %get3A_326, %mul3A_327 : vector<16xf32>
        %add3A_329 = arith.addf %add3A_322, %mul3A_328 : vector<16xf32>
        %swap3A_330 = arith.index_cast %scan3A_89 : i32 to index
        %swap3A_331 = arith.constant 128 : index
        %swap3A_332 = tpu.vector_load %arg22[%swap3A_330, %swap3A_331] {strides = array<i32>} : memref<64x256xf32, #tpu.memory_space<vmem>>, vector<1x16xf32>,
        %swap3A_333 = vector.shape_cast %swap3A_332 : vector<1x16xf32> to vector<16xf32>
        %swap3A_334 = vector.shape_cast %add3A_329 : vector<16xf32> to vector<1x16xf32>
        tpu.vector_store %arg22[%swap3A_330, %swap3A_331], %swap3A_334 {strides = array<i32>} : memref<64x256xf32, #tpu.memory_space<vmem>>, vector<1x16xf32>,
        %get3A_335 = arith.index_cast %scan3A_89 : i32 to index
        %get3A_336 = arith.constant 144 : index
        %get3A_337 = tpu.vector_load %arg16[%get3A_335, %get3A_336] {strides = array<i32>} : memref<64x256xf32, #tpu.memory_space<vmem>>, vector<1x16xf32>,
        %get3A_338 = vector.shape_cast %get3A_337 : vector<1x16xf32> to vector<16xf32>
        %mul3A_339 = vector.broadcast %squeeze3A : f32 to vector<16xf32>
        %mul3A_340 = arith.mulf %get3A_338, %mul3A_339 : vector<16xf32>
        %get3A_341 = arith.index_cast %scan3A_89 : i32 to index
        %get3A_342 = arith.constant 144 : index
        %get3A_343 = tpu.vector_load %arg17[%get3A_341, %get3A_342] {strides = array<i32>} : memref<64x256xf32, #tpu.memory_space<vmem>>, vector<1x16xf32>,
        %get3A_344 = vector.shape_cast %get3A_343 : vector<1x16xf32> to vector<16xf32>
        %mul3A_345 = vector.broadcast %squeeze3A_102 : f32 to vector<16xf32>
        %mul3A_346 = arith.mulf %get3A_344, %mul3A_345 : vector<16xf32>
        %add3A_347 = arith.addf %mul3A_340, %mul3A_346 : vector<16xf32>
        %get3A_348 = arith.index_cast %scan3A_89 : i32 to index
        %get3A_349 = arith.constant 144 : index
        %get3A_350 = tpu.vector_load %arg18[%get3A_348, %get3A_349] {strides = array<i32>} : memref<64x256xf32, #tpu.memory_space<vmem>>, vector<1x16xf32>,
        %get3A_351 = vector.shape_cast %get3A_350 : vector<1x16xf32> to vector<16xf32>
        %mul3A_352 = vector.broadcast %squeeze3A_110 : f32 to vector<16xf32>
        %mul3A_353 = arith.mulf %get3A_351, %mul3A_352 : vector<16xf32>
        %add3A_354 = arith.addf %add3A_347, %mul3A_353 : vector<16xf32>
        %swap3A_355 = arith.index_cast %scan3A_89 : i32 to index
        %swap3A_356 = arith.constant 144 : index
        %swap3A_357 = tpu.vector_load %arg22[%swap3A_355, %swap3A_356] {strides = array<i32>} : memref<64x256xf32, #tpu.memory_space<vmem>>, vector<1x16xf32>,
        %swap3A_358 = vector.shape_cast %swap3A_357 : vector<1x16xf32> to vector<16xf32>
        %swap3A_359 = vector.shape_cast %add3A_354 : vector<16xf32> to vector<1x16xf32>
        tpu.vector_store %arg22[%swap3A_355, %swap3A_356], %swap3A_359 {strides = array<i32>} : memref<64x256xf32, #tpu.memory_space<vmem>>, vector<1x16xf32>,
        %get3A_360 = arith.index_cast %scan3A_89 : i32 to index
        %get3A_361 = arith.constant 160 : index
        %get3A_362 = tpu.vector_load %arg16[%get3A_360, %get3A_361] {strides = array<i32>} : memref<64x256xf32, #tpu.memory_space<vmem>>, vector<1x16xf32>,
        %get3A_363 = vector.shape_cast %get3A_362 : vector<1x16xf32> to vector<16xf32>
        %mul3A_364 = vector.broadcast %squeeze3A : f32 to vector<16xf32>
        %mul3A_365 = arith.mulf %get3A_363, %mul3A_364 : vector<16xf32>
        %get3A_366 = arith.index_cast %scan3A_89 : i32 to index
        %get3A_367 = arith.constant 160 : index
        %get3A_368 = tpu.vector_load %arg17[%get3A_366, %get3A_367] {strides = array<i32>} : memref<64x256xf32, #tpu.memory_space<vmem>>, vector<1x16xf32>,
        %get3A_369 = vector.shape_cast %get3A_368 : vector<1x16xf32> to vector<16xf32>
        %mul3A_370 = vector.broadcast %squeeze3A_102 : f32 to vector<16xf32>
        %mul3A_371 = arith.mulf %get3A_369, %mul3A_370 : vector<16xf32>
        %add3A_372 = arith.addf %mul3A_365, %mul3A_371 : vector<16xf32>
        %get3A_373 = arith.index_cast %scan3A_89 : i32 to index
        %get3A_374 = arith.constant 160 : index
        %get3A_375 = tpu.vector_load %arg18[%get3A_373, %get3A_374] {strides = array<i32>} : memref<64x256xf32, #tpu.memory_space<vmem>>, vector<1x16xf32>,
        %get3A_376 = vector.shape_cast %get3A_375 : vector<1x16xf32> to vector<16xf32>
        %mul3A_377 = vector.broadcast %squeeze3A_110 : f32 to vector<16xf32>
        %mul3A_378 = arith.mulf %get3A_376, %mul3A_377 : vector<16xf32>
        %add3A_379 = arith.addf %add3A_372, %mul3A_378 : vector<16xf32>
        %swap3A_380 = arith.index_cast %scan3A_89 : i32 to index
        %swap3A_381 = arith.constant 160 : index
        %swap3A_382 = tpu.vector_load %arg22[%swap3A_380, %swap3A_381] {strides = array<i32>} : memref<64x256xf32, #tpu.memory_space<vmem>>, vector<1x16xf32>,
        %swap3A_383 = vector.shape_cast %swap3A_382 : vector<1x16xf32> to vector<16xf32>
        %swap3A_384 = vector.shape_cast %add3A_379 : vector<16xf32> to vector<1x16xf32>
        tpu.vector_store %arg22[%swap3A_380, %swap3A_381], %swap3A_384 {strides = array<i32>} : memref<64x256xf32, #tpu.memory_space<vmem>>, vector<1x16xf32>,
        %get3A_385 = arith.index_cast %scan3A_89 : i32 to index
        %get3A_386 = arith.constant 176 : index
        %get3A_387 = tpu.vector_load %arg16[%get3A_385, %get3A_386] {strides = array<i32>} : memref<64x256xf32, #tpu.memory_space<vmem>>, vector<1x16xf32>,
        %get3A_388 = vector.shape_cast %get3A_387 : vector<1x16xf32> to vector<16xf32>
        %mul3A_389 = vector.broadcast %squeeze3A : f32 to vector<16xf32>
        %mul3A_390 = arith.mulf %get3A_388, %mul3A_389 : vector<16xf32>
        %get3A_391 = arith.index_cast %scan3A_89 : i32 to index
        %get3A_392 = arith.constant 176 : index
        %get3A_393 = tpu.vector_load %arg17[%get3A_391, %get3A_392] {strides = array<i32>} : memref<64x256xf32, #tpu.memory_space<vmem>>, vector<1x16xf32>,
        %get3A_394 = vector.shape_cast %get3A_393 : vector<1x16xf32> to vector<16xf32>
        %mul3A_395 = vector.broadcast %squeeze3A_102 : f32 to vector<16xf32>
        %mul3A_396 = arith.mulf %get3A_394, %mul3A_395 : vector<16xf32>
        %add3A_397 = arith.addf %mul3A_390, %mul3A_396 : vector<16xf32>
        %get3A_398 = arith.index_cast %scan3A_89 : i32 to index
        %get3A_399 = arith.constant 176 : index
        %get3A_400 = tpu.vector_load %arg18[%get3A_398, %get3A_399] {strides = array<i32>} : memref<64x256xf32, #tpu.memory_space<vmem>>, vector<1x16xf32>,
        %get3A_401 = vector.shape_cast %get3A_400 : vector<1x16xf32> to vector<16xf32>
        %mul3A_402 = vector.broadcast %squeeze3A_110 : f32 to vector<16xf32>
        %mul3A_403 = arith.mulf %get3A_401, %mul3A_402 : vector<16xf32>
        %add3A_404 = arith.addf %add3A_397, %mul3A_403 : vector<16xf32>
        %swap3A_405 = arith.index_cast %scan3A_89 : i32 to index
        %swap3A_406 = arith.constant 176 : index
        %swap3A_407 = tpu.vector_load %arg22[%swap3A_405, %swap3A_406] {strides = array<i32>} : memref<64x256xf32, #tpu.memory_space<vmem>>, vector<1x16xf32>,
        %swap3A_408 = vector.shape_cast %swap3A_407 : vector<1x16xf32> to vector<16xf32>
        %swap3A_409 = vector.shape_cast %add3A_404 : vector<16xf32> to vector<1x16xf32>
        tpu.vector_store %arg22[%swap3A_405, %swap3A_406], %swap3A_409 {strides = array<i32>} : memref<64x256xf32, #tpu.memory_space<vmem>>, vector<1x16xf32>,
        %get3A_410 = arith.index_cast %scan3A_89 : i32 to index
        %get3A_411 = arith.constant 192 : index
        %get3A_412 = tpu.vector_load %arg16[%get3A_410, %get3A_411] {strides = array<i32>} : memref<64x256xf32, #tpu.memory_space<vmem>>, vector<1x16xf32>,
        %get3A_413 = vector.shape_cast %get3A_412 : vector<1x16xf32> to vector<16xf32>
        %mul3A_414 = vector.broadcast %squeeze3A : f32 to vector<16xf32>
        %mul3A_415 = arith.mulf %get3A_413, %mul3A_414 : vector<16xf32>
        %get3A_416 = arith.index_cast %scan3A_89 : i32 to index
        %get3A_417 = arith.constant 192 : index
        %get3A_418 = tpu.vector_load %arg17[%get3A_416, %get3A_417] {strides = array<i32>} : memref<64x256xf32, #tpu.memory_space<vmem>>, vector<1x16xf32>,
        %get3A_419 = vector.shape_cast %get3A_418 : vector<1x16xf32> to vector<16xf32>
        %mul3A_420 = vector.broadcast %squeeze3A_102 : f32 to vector<16xf32>
        %mul3A_421 = arith.mulf %get3A_419, %mul3A_420 : vector<16xf32>
        %add3A_422 = arith.addf %mul3A_415, %mul3A_421 : vector<16xf32>
        %get3A_423 = arith.index_cast %scan3A_89 : i32 to index
        %get3A_424 = arith.constant 192 : index
        %get3A_425 = tpu.vector_load %arg18[%get3A_423, %get3A_424] {strides = array<i32>} : memref<64x256xf32, #tpu.memory_space<vmem>>, vector<1x16xf32>,
        %get3A_426 = vector.shape_cast %get3A_425 : vector<1x16xf32> to vector<16xf32>
        %mul3A_427 = vector.broadcast %squeeze3A_110 : f32 to vector<16xf32>
        %mul3A_428 = arith.mulf %get3A_426, %mul3A_427 : vector<16xf32>
        %add3A_429 = arith.addf %add3A_422, %mul3A_428 : vector<16xf32>
        %swap3A_430 = arith.index_cast %scan3A_89 : i32 to index
        %swap3A_431 = arith.constant 192 : index
        %swap3A_432 = tpu.vector_load %arg22[%swap3A_430, %swap3A_431] {strides = array<i32>} : memref<64x256xf32, #tpu.memory_space<vmem>>, vector<1x16xf32>,
        %swap3A_433 = vector.shape_cast %swap3A_432 : vector<1x16xf32> to vector<16xf32>
        %swap3A_434 = vector.shape_cast %add3A_429 : vector<16xf32> to vector<1x16xf32>
        tpu.vector_store %arg22[%swap3A_430, %swap3A_431], %swap3A_434 {strides = array<i32>} : memref<64x256xf32, #tpu.memory_space<vmem>>, vector<1x16xf32>,
        %get3A_435 = arith.index_cast %scan3A_89 : i32 to index
        %get3A_436 = arith.constant 208 : index
        %get3A_437 = tpu.vector_load %arg16[%get3A_435, %get3A_436] {strides = array<i32>} : memref<64x256xf32, #tpu.memory_space<vmem>>, vector<1x16xf32>,
        %get3A_438 = vector.shape_cast %get3A_437 : vector<1x16xf32> to vector<16xf32>
        %mul3A_439 = vector.broadcast %squeeze3A : f32 to vector<16xf32>
        %mul3A_440 = arith.mulf %get3A_438, %mul3A_439 : vector<16xf32>
        %get3A_441 = arith.index_cast %scan3A_89 : i32 to index
        %get3A_442 = arith.constant 208 : index
        %get3A_443 = tpu.vector_load %arg17[%get3A_441, %get3A_442] {strides = array<i32>} : memref<64x256xf32, #tpu.memory_space<vmem>>, vector<1x16xf32>,
        %get3A_444 = vector.shape_cast %get3A_443 : vector<1x16xf32> to vector<16xf32>
        %mul3A_445 = vector.broadcast %squeeze3A_102 : f32 to vector<16xf32>
        %mul3A_446 = arith.mulf %get3A_444, %mul3A_445 : vector<16xf32>
        %add3A_447 = arith.addf %mul3A_440, %mul3A_446 : vector<16xf32>
        %get3A_448 = arith.index_cast %scan3A_89 : i32 to index
        %get3A_449 = arith.constant 208 : index
        %get3A_450 = tpu.vector_load %arg18[%get3A_448, %get3A_449] {strides = array<i32>} : memref<64x256xf32, #tpu.memory_space<vmem>>, vector<1x16xf32>,
        %get3A_451 = vector.shape_cast %get3A_450 : vector<1x16xf32> to vector<16xf32>
        %mul3A_452 = vector.broadcast %squeeze3A_110 : f32 to vector<16xf32>
        %mul3A_453 = arith.mulf %get3A_451, %mul3A_452 : vector<16xf32>
        %add3A_454 = arith.addf %add3A_447, %mul3A_453 : vector<16xf32>
        %swap3A_455 = arith.index_cast %scan3A_89 : i32 to index
        %swap3A_456 = arith.constant 208 : index
        %swap3A_457 = tpu.vector_load %arg22[%swap3A_455, %swap3A_456] {strides = array<i32>} : memref<64x256xf32, #tpu.memory_space<vmem>>, vector<1x16xf32>,
        %swap3A_458 = vector.shape_cast %swap3A_457 : vector<1x16xf32> to vector<16xf32>
        %swap3A_459 = vector.shape_cast %add3A_454 : vector<16xf32> to vector<1x16xf32>
        tpu.vector_store %arg22[%swap3A_455, %swap3A_456], %swap3A_459 {strides = array<i32>} : memref<64x256xf32, #tpu.memory_space<vmem>>, vector<1x16xf32>,
        %get3A_460 = arith.index_cast %scan3A_89 : i32 to index
        %get3A_461 = arith.constant 224 : index
        %get3A_462 = tpu.vector_load %arg16[%get3A_460, %get3A_461] {strides = array<i32>} : memref<64x256xf32, #tpu.memory_space<vmem>>, vector<1x16xf32>,
        %get3A_463 = vector.shape_cast %get3A_462 : vector<1x16xf32> to vector<16xf32>
        %mul3A_464 = vector.broadcast %squeeze3A : f32 to vector<16xf32>
        %mul3A_465 = arith.mulf %get3A_463, %mul3A_464 : vector<16xf32>
        %get3A_466 = arith.index_cast %scan3A_89 : i32 to index
        %get3A_467 = arith.constant 224 : index
        %get3A_468 = tpu.vector_load %arg17[%get3A_466, %get3A_467] {strides = array<i32>} : memref<64x256xf32, #tpu.memory_space<vmem>>, vector<1x16xf32>,
        %get3A_469 = vector.shape_cast %get3A_468 : vector<1x16xf32> to vector<16xf32>
        %mul3A_470 = vector.broadcast %squeeze3A_102 : f32 to vector<16xf32>
        %mul3A_471 = arith.mulf %get3A_469, %mul3A_470 : vector<16xf32>
        %add3A_472 = arith.addf %mul3A_465, %mul3A_471 : vector<16xf32>
        %get3A_473 = arith.index_cast %scan3A_89 : i32 to index
        %get3A_474 = arith.constant 224 : index
        %get3A_475 = tpu.vector_load %arg18[%get3A_473, %get3A_474] {strides = array<i32>} : memref<64x256xf32, #tpu.memory_space<vmem>>, vector<1x16xf32>,
        %get3A_476 = vector.shape_cast %get3A_475 : vector<1x16xf32> to vector<16xf32>
        %mul3A_477 = vector.broadcast %squeeze3A_110 : f32 to vector<16xf32>
        %mul3A_478 = arith.mulf %get3A_476, %mul3A_477 : vector<16xf32>
        %add3A_479 = arith.addf %add3A_472, %mul3A_478 : vector<16xf32>
        %swap3A_480 = arith.index_cast %scan3A_89 : i32 to index
        %swap3A_481 = arith.constant 224 : index
        %swap3A_482 = tpu.vector_load %arg22[%swap3A_480, %swap3A_481] {strides = array<i32>} : memref<64x256xf32, #tpu.memory_space<vmem>>, vector<1x16xf32>,
        %swap3A_483 = vector.shape_cast %swap3A_482 : vector<1x16xf32> to vector<16xf32>
        %swap3A_484 = vector.shape_cast %add3A_479 : vector<16xf32> to vector<1x16xf32>
        tpu.vector_store %arg22[%swap3A_480, %swap3A_481], %swap3A_484 {strides = array<i32>} : memref<64x256xf32, #tpu.memory_space<vmem>>, vector<1x16xf32>,
        %get3A_485 = arith.index_cast %scan3A_89 : i32 to index
        %get3A_486 = arith.constant 240 : index
        %get3A_487 = tpu.vector_load %arg16[%get3A_485, %get3A_486] {strides = array<i32>} : memref<64x256xf32, #tpu.memory_space<vmem>>, vector<1x16xf32>,
        %get3A_488 = vector.shape_cast %get3A_487 : vector<1x16xf32> to vector<16xf32>
        %mul3A_489 = vector.broadcast %squeeze3A : f32 to vector<16xf32>
        %mul3A_490 = arith.mulf %get3A_488, %mul3A_489 : vector<16xf32>
        %get3A_491 = arith.index_cast %scan3A_89 : i32 to index
        %get3A_492 = arith.constant 240 : index
        %get3A_493 = tpu.vector_load %arg17[%get3A_491, %get3A_492] {strides = array<i32>} : memref<64x256xf32, #tpu.memory_space<vmem>>, vector<1x16xf32>,
        %get3A_494 = vector.shape_cast %get3A_493 : vector<1x16xf32> to vector<16xf32>
        %mul3A_495 = vector.broadcast %squeeze3A_102 : f32 to vector<16xf32>
        %mul3A_496 = arith.mulf %get3A_494, %mul3A_495 : vector<16xf32>
        %add3A_497 = arith.addf %mul3A_490, %mul3A_496 : vector<16xf32>
        %get3A_498 = arith.index_cast %scan3A_89 : i32 to index
        %get3A_499 = arith.constant 240 : index
        %get3A_500 = tpu.vector_load %arg18[%get3A_498, %get3A_499] {strides = array<i32>} : memref<64x256xf32, #tpu.memory_space<vmem>>, vector<1x16xf32>,
        %get3A_501 = vector.shape_cast %get3A_500 : vector<1x16xf32> to vector<16xf32>
        %mul3A_502 = vector.broadcast %squeeze3A_110 : f32 to vector<16xf32>
        %mul3A_503 = arith.mulf %get3A_501, %mul3A_502 : vector<16xf32>
        %add3A_504 = arith.addf %add3A_497, %mul3A_503 : vector<16xf32>
        %swap3A_505 = arith.index_cast %scan3A_89 : i32 to index
        %swap3A_506 = arith.constant 240 : index
        %swap3A_507 = tpu.vector_load %arg22[%swap3A_505, %swap3A_506] {strides = array<i32>} : memref<64x256xf32, #tpu.memory_space<vmem>>, vector<1x16xf32>,
        %swap3A_508 = vector.shape_cast %swap3A_507 : vector<1x16xf32> to vector<16xf32>
        %swap3A_509 = vector.shape_cast %add3A_504 : vector<16xf32> to vector<1x16xf32>
        tpu.vector_store %arg22[%swap3A_505, %swap3A_506], %swap3A_509 {strides = array<i32>} : memref<64x256xf32, #tpu.memory_space<vmem>>, vector<1x16xf32>,
      }
      %scan3A_50 = arith.constant 64 : i32
      %mul3A_51 = arith.constant 64 : i32
      %mul3A_52 = arith.muli %add3A_26, %mul3A_51 : i32
      %add3A_53 = arith.addi %mul3A_2, %mul3A_52 : i32
      "tpu.region"() ({
        %run_scoped3A = tpu.sem_alloc : memref<!tpu.dma_semaphore, #tpu.memory_space<semaphore_mem>>
        %dma_start3A_89 = arith.constant 0 : i32
        %dma_start3A_90 = tpu.memref_slice %arg9[%add3A_53, %dma_start3A_89] : memref<32768x256xf32, #tpu.memory_space<hbm>> -> memref<64x256xf32, #tpu.memory_space<hbm>>
        %dma_start3A_91 = arith.constant 0 : i32
        %dma_start3A_92 = tpu.memref_slice %arg9[%add3A_53, %dma_start3A_91] : memref<32768x256xf32, #tpu.memory_space<hbm>> -> memref<64x256xf32, #tpu.memory_space<hbm>>
        tpu.enqueue_dma source(%arg22 : memref<64x256xf32, #tpu.memory_space<vmem>>) target(%dma_start3A_92 : memref<64x256xf32, #tpu.memory_space<hbm>>) target_semaphore(%run_scoped3A : memref<!tpu.dma_semaphore, #tpu.memory_space<semaphore_mem>>)
        %dma_wait3A_93 = arith.constant 0 : i32
        %dma_wait3A_94 = tpu.memref_slice %arg9[%add3A_53, %dma_wait3A_93] : memref<32768x256xf32, #tpu.memory_space<hbm>> -> memref<64x256xf32, #tpu.memory_space<hbm>>
        %dma_wait3A_95 = arith.constant 0 : i32
        %dma_wait3A_96 = tpu.memref_slice %arg9[%add3A_53, %dma_wait3A_95] : memref<32768x256xf32, #tpu.memory_space<hbm>> -> memref<64x256xf32, #tpu.memory_space<hbm>>
        tpu.wait_dma2 semaphore(%run_scoped3A : memref<!tpu.dma_semaphore, #tpu.memory_space<semaphore_mem>>) src(%arg22 : memref<64x256xf32, #tpu.memory_space<vmem>>) dst(%dma_wait3A_96 : memref<64x256xf32, #tpu.memory_space<hbm>>)
        tpu.yield
      }) : () -> ()
      %mul3A_54 = arith.constant 2 : i32
      %mul3A_55 = arith.muli %scan3A_22, %mul3A_54 : i32
      %add3A_56 = arith.constant 1 : i32
      %add3A_57 = arith.addi %mul3A_55, %add3A_56 : i32
      %add3A_58 = arith.constant 1 : i32
      %add3A_59 = arith.addi %add3A_57, %add3A_58 : i32
      %lt3A_60 = arith.constant 16 : i32
      %lt3A_61 = arith.cmpi slt, %add3A_59, %lt3A_60 : i32
      %convert_element_type3A_62 = arith.extui %lt3A_61 : i1 to i32
      %cond3A_63 = arith.constant 0 : i32
      %cond3A_64 = arith.cmpi ne, %convert_element_type3A_62, %cond3A_63 : i32
      scf.if %cond3A_64 {
        %add3A_89 = arith.constant 1 : i32
        %add3A_90 = arith.addi %add3A_57, %add3A_89 : i32
        %mul3A_91 = arith.constant 64 : i32
        %mul3A_92 = arith.muli %add3A_90, %mul3A_91 : i32
        %dma_start3A_93 = tpu.memref_slice %arg10[%mul3A_92] : memref<1024xi32, #tpu.memory_space<vmem>> -> memref<64xi32, #tpu.memory_space<vmem>>
        %dma_start3A_94 = arith.constant 0 : i32
        %dma_start3A_95 = arith.constant 0 : i32
        %dma_start3A_96 = tpu.memref_slice %arg2[%dma_start3A_94, %dma_start3A_95] : memref<8192x256xf32, #tpu.memory_space<hbm>> -> memref<8192x256xf32, #tpu.memory_space<hbm>>
        tpu.enqueue_indirect_dma source(%dma_start3A_96 : memref<8192x256xf32, #tpu.memory_space<hbm>>) target(%arg16 : memref<64x256xf32, #tpu.memory_space<vmem>>) offsets(%dma_start3A_93 : memref<64xi32, #tpu.memory_space<vmem>>) semaphore(%arg23 : memref<!tpu.dma_semaphore, #tpu.memory_space<semaphore_mem>>)
        %dma_start3A_97 = tpu.memref_slice %arg11[%mul3A_92] : memref<1024xi32, #tpu.memory_space<vmem>> -> memref<64xi32, #tpu.memory_space<vmem>>
        %dma_start3A_98 = arith.constant 0 : i32
        %dma_start3A_99 = arith.constant 0 : i32
        %dma_start3A_100 = tpu.memref_slice %arg2[%dma_start3A_98, %dma_start3A_99] : memref<8192x256xf32, #tpu.memory_space<hbm>> -> memref<8192x256xf32, #tpu.memory_space<hbm>>
        tpu.enqueue_indirect_dma source(%dma_start3A_100 : memref<8192x256xf32, #tpu.memory_space<hbm>>) target(%arg17 : memref<64x256xf32, #tpu.memory_space<vmem>>) offsets(%dma_start3A_97 : memref<64xi32, #tpu.memory_space<vmem>>) semaphore(%arg23 : memref<!tpu.dma_semaphore, #tpu.memory_space<semaphore_mem>>)
        %dma_start3A_101 = tpu.memref_slice %arg12[%mul3A_92] : memref<1024xi32, #tpu.memory_space<vmem>> -> memref<64xi32, #tpu.memory_space<vmem>>
        %dma_start3A_102 = arith.constant 0 : i32
        %dma_start3A_103 = arith.constant 0 : i32
        %dma_start3A_104 = tpu.memref_slice %arg2[%dma_start3A_102, %dma_start3A_103] : memref<8192x256xf32, #tpu.memory_space<hbm>> -> memref<8192x256xf32, #tpu.memory_space<hbm>>
        tpu.enqueue_indirect_dma source(%dma_start3A_104 : memref<8192x256xf32, #tpu.memory_space<hbm>>) target(%arg18 : memref<64x256xf32, #tpu.memory_space<vmem>>) offsets(%dma_start3A_101 : memref<64xi32, #tpu.memory_space<vmem>>) semaphore(%arg23 : memref<!tpu.dma_semaphore, #tpu.memory_space<semaphore_mem>>)
      } else {
      }
      %dma_wait3A_65 = arith.constant 0 : i32
      %dma_wait3A_66 = tpu.memref_slice %arg10[%dma_wait3A_65] : memref<1024xi32, #tpu.memory_space<vmem>> -> memref<64xi32, #tpu.memory_space<vmem>>
      %dma_wait3A_67 = arith.constant 0 : i32
      %dma_wait3A_68 = arith.constant 0 : i32
      %dma_wait3A_69 = tpu.memref_slice %arg2[%dma_wait3A_67, %dma_wait3A_68] : memref<8192x256xf32, #tpu.memory_space<hbm>> -> memref<8192x256xf32, #tpu.memory_space<hbm>>
      tpu.wait_indirect_dma semaphore(%arg24 : memref<!tpu.dma_semaphore, #tpu.memory_space<semaphore_mem>>) src(%dma_wait3A_69 : memref<8192x256xf32, #tpu.memory_space<hbm>>) dst(%arg19 : memref<64x256xf32, #tpu.memory_space<vmem>>)
      %dma_wait3A_70 = arith.constant 0 : i32
      %dma_wait3A_71 = tpu.memref_slice %arg11[%dma_wait3A_70] : memref<1024xi32, #tpu.memory_space<vmem>> -> memref<64xi32, #tpu.memory_space<vmem>>
      %dma_wait3A_72 = arith.constant 0 : i32
      %dma_wait3A_73 = arith.constant 0 : i32
      %dma_wait3A_74 = tpu.memref_slice %arg2[%dma_wait3A_72, %dma_wait3A_73] : memref<8192x256xf32, #tpu.memory_space<hbm>> -> memref<8192x256xf32, #tpu.memory_space<hbm>>
      tpu.wait_indirect_dma semaphore(%arg24 : memref<!tpu.dma_semaphore, #tpu.memory_space<semaphore_mem>>) src(%dma_wait3A_74 : memref<8192x256xf32, #tpu.memory_space<hbm>>) dst(%arg20 : memref<64x256xf32, #tpu.memory_space<vmem>>)
      %dma_wait3A_75 = arith.constant 0 : i32
      %dma_wait3A_76 = tpu.memref_slice %arg12[%dma_wait3A_75] : memref<1024xi32, #tpu.memory_space<vmem>> -> memref<64xi32, #tpu.memory_space<vmem>>
      %dma_wait3A_77 = arith.constant 0 : i32
      %dma_wait3A_78 = arith.constant 0 : i32
      %dma_wait3A_79 = tpu.memref_slice %arg2[%dma_wait3A_77, %dma_wait3A_78] : memref<8192x256xf32, #tpu.memory_space<hbm>> -> memref<8192x256xf32, #tpu.memory_space<hbm>>
      tpu.wait_indirect_dma semaphore(%arg24 : memref<!tpu.dma_semaphore, #tpu.memory_space<semaphore_mem>>) src(%dma_wait3A_79 : memref<8192x256xf32, #tpu.memory_space<hbm>>) dst(%arg21 : memref<64x256xf32, #tpu.memory_space<vmem>>)
      %scan3A_80 = arith.constant 0 : i32
      %scan3A_81 = arith.constant 0 : i32
      %scan3A_82 = arith.constant 64 : i32
      %scan3A_83 = arith.addi %scan3A_81, %scan3A_82 : i32
      %scan3A_84 = arith.constant 1 : i32
      scf.for %scan3A_89 = %scan3A_81 to %scan3A_83 step %scan3A_84  : i32 {
        %mul3A_90 = arith.constant 64 : i32
        %mul3A_91 = arith.muli %add3A_57, %mul3A_90 : i32
        %add3A_92 = arith.addi %mul3A_91, %scan3A_89 : i32
        %get3A = arith.index_cast %add3A_92 : i32 to index
        %get3A_93 = tpu.vector_load %arg13[%get3A] {strides = array<i32>} : memref<1040xf32, #tpu.memory_space<vmem>>, vector<16xf32>,
        %get3A_94 = vector.shape_cast %get3A_93 : vector<16xf32> to vector<16xf32>
        %slice3A = vector.extract_strided_slice %get3A_94 {offsets = [0], sizes = [1], strides = [1]} : vector<16xf32> to vector<1xf32>
        %squeeze3A = vector.extract %slice3A[0] : f32 from vector<1xf32>
        %mul3A_95 = arith.constant 64 : i32
        %mul3A_96 = arith.muli %add3A_57, %mul3A_95 : i32
        %add3A_97 = arith.addi %mul3A_96, %scan3A_89 : i32
        %get3A_98 = arith.index_cast %add3A_97 : i32 to index
        %get3A_99 = tpu.vector_load %arg14[%get3A_98] {strides = array<i32>} : memref<1040xf32, #tpu.memory_space<vmem>>, vector<16xf32>,
        %get3A_100 = vector.shape_cast %get3A_99 : vector<16xf32> to vector<16xf32>
        %slice3A_101 = vector.extract_strided_slice %get3A_100 {offsets = [0], sizes = [1], strides = [1]} : vector<16xf32> to vector<1xf32>
        %squeeze3A_102 = vector.extract %slice3A_101[0] : f32 from vector<1xf32>
        %mul3A_103 = arith.constant 64 : i32
        %mul3A_104 = arith.muli %add3A_57, %mul3A_103 : i32
        %add3A_105 = arith.addi %mul3A_104, %scan3A_89 : i32
        %get3A_106 = arith.index_cast %add3A_105 : i32 to index
        %get3A_107 = tpu.vector_load %arg15[%get3A_106] {strides = array<i32>} : memref<1040xf32, #tpu.memory_space<vmem>>, vector<16xf32>,
        %get3A_108 = vector.shape_cast %get3A_107 : vector<16xf32> to vector<16xf32>
        %slice3A_109 = vector.extract_strided_slice %get3A_108 {offsets = [0], sizes = [1], strides = [1]} : vector<16xf32> to vector<1xf32>
        %squeeze3A_110 = vector.extract %slice3A_109[0] : f32 from vector<1xf32>
        %get3A_111 = arith.index_cast %scan3A_89 : i32 to index
        %get3A_112 = arith.constant 0 : index
        %get3A_113 = tpu.vector_load %arg19[%get3A_111, %get3A_112] {strides = array<i32>} : memref<64x256xf32, #tpu.memory_space<vmem>>, vector<1x16xf32>,
        %get3A_114 = vector.shape_cast %get3A_113 : vector<1x16xf32> to vector<16xf32>
        %mul3A_115 = vector.broadcast %squeeze3A : f32 to vector<16xf32>
        %mul3A_116 = arith.mulf %get3A_114, %mul3A_115 : vector<16xf32>
        %get3A_117 = arith.index_cast %scan3A_89 : i32 to index
        %get3A_118 = arith.constant 0 : index
        %get3A_119 = tpu.vector_load %arg20[%get3A_117, %get3A_118] {strides = array<i32>} : memref<64x256xf32, #tpu.memory_space<vmem>>, vector<1x16xf32>,
        %get3A_120 = vector.shape_cast %get3A_119 : vector<1x16xf32> to vector<16xf32>
        %mul3A_121 = vector.broadcast %squeeze3A_102 : f32 to vector<16xf32>
        %mul3A_122 = arith.mulf %get3A_120, %mul3A_121 : vector<16xf32>
        %add3A_123 = arith.addf %mul3A_116, %mul3A_122 : vector<16xf32>
        %get3A_124 = arith.index_cast %scan3A_89 : i32 to index
        %get3A_125 = arith.constant 0 : index
        %get3A_126 = tpu.vector_load %arg21[%get3A_124, %get3A_125] {strides = array<i32>} : memref<64x256xf32, #tpu.memory_space<vmem>>, vector<1x16xf32>,
        %get3A_127 = vector.shape_cast %get3A_126 : vector<1x16xf32> to vector<16xf32>
        %mul3A_128 = vector.broadcast %squeeze3A_110 : f32 to vector<16xf32>
        %mul3A_129 = arith.mulf %get3A_127, %mul3A_128 : vector<16xf32>
        %add3A_130 = arith.addf %add3A_123, %mul3A_129 : vector<16xf32>
        %swap3A = arith.index_cast %scan3A_89 : i32 to index
        %swap3A_131 = arith.constant 0 : index
        %swap3A_132 = tpu.vector_load %arg22[%swap3A, %swap3A_131] {strides = array<i32>} : memref<64x256xf32, #tpu.memory_space<vmem>>, vector<1x16xf32>,
        %swap3A_133 = vector.shape_cast %swap3A_132 : vector<1x16xf32> to vector<16xf32>
        %swap3A_134 = vector.shape_cast %add3A_130 : vector<16xf32> to vector<1x16xf32>
        tpu.vector_store %arg22[%swap3A, %swap3A_131], %swap3A_134 {strides = array<i32>} : memref<64x256xf32, #tpu.memory_space<vmem>>, vector<1x16xf32>,
        %get3A_135 = arith.index_cast %scan3A_89 : i32 to index
        %get3A_136 = arith.constant 16 : index
        %get3A_137 = tpu.vector_load %arg19[%get3A_135, %get3A_136] {strides = array<i32>} : memref<64x256xf32, #tpu.memory_space<vmem>>, vector<1x16xf32>,
        %get3A_138 = vector.shape_cast %get3A_137 : vector<1x16xf32> to vector<16xf32>
        %mul3A_139 = vector.broadcast %squeeze3A : f32 to vector<16xf32>
        %mul3A_140 = arith.mulf %get3A_138, %mul3A_139 : vector<16xf32>
        %get3A_141 = arith.index_cast %scan3A_89 : i32 to index
        %get3A_142 = arith.constant 16 : index
        %get3A_143 = tpu.vector_load %arg20[%get3A_141, %get3A_142] {strides = array<i32>} : memref<64x256xf32, #tpu.memory_space<vmem>>, vector<1x16xf32>,
        %get3A_144 = vector.shape_cast %get3A_143 : vector<1x16xf32> to vector<16xf32>
        %mul3A_145 = vector.broadcast %squeeze3A_102 : f32 to vector<16xf32>
        %mul3A_146 = arith.mulf %get3A_144, %mul3A_145 : vector<16xf32>
        %add3A_147 = arith.addf %mul3A_140, %mul3A_146 : vector<16xf32>
        %get3A_148 = arith.index_cast %scan3A_89 : i32 to index
        %get3A_149 = arith.constant 16 : index
        %get3A_150 = tpu.vector_load %arg21[%get3A_148, %get3A_149] {strides = array<i32>} : memref<64x256xf32, #tpu.memory_space<vmem>>, vector<1x16xf32>,
        %get3A_151 = vector.shape_cast %get3A_150 : vector<1x16xf32> to vector<16xf32>
        %mul3A_152 = vector.broadcast %squeeze3A_110 : f32 to vector<16xf32>
        %mul3A_153 = arith.mulf %get3A_151, %mul3A_152 : vector<16xf32>
        %add3A_154 = arith.addf %add3A_147, %mul3A_153 : vector<16xf32>
        %swap3A_155 = arith.index_cast %scan3A_89 : i32 to index
        %swap3A_156 = arith.constant 16 : index
        %swap3A_157 = tpu.vector_load %arg22[%swap3A_155, %swap3A_156] {strides = array<i32>} : memref<64x256xf32, #tpu.memory_space<vmem>>, vector<1x16xf32>,
        %swap3A_158 = vector.shape_cast %swap3A_157 : vector<1x16xf32> to vector<16xf32>
        %swap3A_159 = vector.shape_cast %add3A_154 : vector<16xf32> to vector<1x16xf32>
        tpu.vector_store %arg22[%swap3A_155, %swap3A_156], %swap3A_159 {strides = array<i32>} : memref<64x256xf32, #tpu.memory_space<vmem>>, vector<1x16xf32>,
        %get3A_160 = arith.index_cast %scan3A_89 : i32 to index
        %get3A_161 = arith.constant 32 : index
        %get3A_162 = tpu.vector_load %arg19[%get3A_160, %get3A_161] {strides = array<i32>} : memref<64x256xf32, #tpu.memory_space<vmem>>, vector<1x16xf32>,
        %get3A_163 = vector.shape_cast %get3A_162 : vector<1x16xf32> to vector<16xf32>
        %mul3A_164 = vector.broadcast %squeeze3A : f32 to vector<16xf32>
        %mul3A_165 = arith.mulf %get3A_163, %mul3A_164 : vector<16xf32>
        %get3A_166 = arith.index_cast %scan3A_89 : i32 to index
        %get3A_167 = arith.constant 32 : index
        %get3A_168 = tpu.vector_load %arg20[%get3A_166, %get3A_167] {strides = array<i32>} : memref<64x256xf32, #tpu.memory_space<vmem>>, vector<1x16xf32>,
        %get3A_169 = vector.shape_cast %get3A_168 : vector<1x16xf32> to vector<16xf32>
        %mul3A_170 = vector.broadcast %squeeze3A_102 : f32 to vector<16xf32>
        %mul3A_171 = arith.mulf %get3A_169, %mul3A_170 : vector<16xf32>
        %add3A_172 = arith.addf %mul3A_165, %mul3A_171 : vector<16xf32>
        %get3A_173 = arith.index_cast %scan3A_89 : i32 to index
        %get3A_174 = arith.constant 32 : index
        %get3A_175 = tpu.vector_load %arg21[%get3A_173, %get3A_174] {strides = array<i32>} : memref<64x256xf32, #tpu.memory_space<vmem>>, vector<1x16xf32>,
        %get3A_176 = vector.shape_cast %get3A_175 : vector<1x16xf32> to vector<16xf32>
        %mul3A_177 = vector.broadcast %squeeze3A_110 : f32 to vector<16xf32>
        %mul3A_178 = arith.mulf %get3A_176, %mul3A_177 : vector<16xf32>
        %add3A_179 = arith.addf %add3A_172, %mul3A_178 : vector<16xf32>
        %swap3A_180 = arith.index_cast %scan3A_89 : i32 to index
        %swap3A_181 = arith.constant 32 : index
        %swap3A_182 = tpu.vector_load %arg22[%swap3A_180, %swap3A_181] {strides = array<i32>} : memref<64x256xf32, #tpu.memory_space<vmem>>, vector<1x16xf32>,
        %swap3A_183 = vector.shape_cast %swap3A_182 : vector<1x16xf32> to vector<16xf32>
        %swap3A_184 = vector.shape_cast %add3A_179 : vector<16xf32> to vector<1x16xf32>
        tpu.vector_store %arg22[%swap3A_180, %swap3A_181], %swap3A_184 {strides = array<i32>} : memref<64x256xf32, #tpu.memory_space<vmem>>, vector<1x16xf32>,
        %get3A_185 = arith.index_cast %scan3A_89 : i32 to index
        %get3A_186 = arith.constant 48 : index
        %get3A_187 = tpu.vector_load %arg19[%get3A_185, %get3A_186] {strides = array<i32>} : memref<64x256xf32, #tpu.memory_space<vmem>>, vector<1x16xf32>,
        %get3A_188 = vector.shape_cast %get3A_187 : vector<1x16xf32> to vector<16xf32>
        %mul3A_189 = vector.broadcast %squeeze3A : f32 to vector<16xf32>
        %mul3A_190 = arith.mulf %get3A_188, %mul3A_189 : vector<16xf32>
        %get3A_191 = arith.index_cast %scan3A_89 : i32 to index
        %get3A_192 = arith.constant 48 : index
        %get3A_193 = tpu.vector_load %arg20[%get3A_191, %get3A_192] {strides = array<i32>} : memref<64x256xf32, #tpu.memory_space<vmem>>, vector<1x16xf32>,
        %get3A_194 = vector.shape_cast %get3A_193 : vector<1x16xf32> to vector<16xf32>
        %mul3A_195 = vector.broadcast %squeeze3A_102 : f32 to vector<16xf32>
        %mul3A_196 = arith.mulf %get3A_194, %mul3A_195 : vector<16xf32>
        %add3A_197 = arith.addf %mul3A_190, %mul3A_196 : vector<16xf32>
        %get3A_198 = arith.index_cast %scan3A_89 : i32 to index
        %get3A_199 = arith.constant 48 : index
        %get3A_200 = tpu.vector_load %arg21[%get3A_198, %get3A_199] {strides = array<i32>} : memref<64x256xf32, #tpu.memory_space<vmem>>, vector<1x16xf32>,
        %get3A_201 = vector.shape_cast %get3A_200 : vector<1x16xf32> to vector<16xf32>
        %mul3A_202 = vector.broadcast %squeeze3A_110 : f32 to vector<16xf32>
        %mul3A_203 = arith.mulf %get3A_201, %mul3A_202 : vector<16xf32>
        %add3A_204 = arith.addf %add3A_197, %mul3A_203 : vector<16xf32>
        %swap3A_205 = arith.index_cast %scan3A_89 : i32 to index
        %swap3A_206 = arith.constant 48 : index
        %swap3A_207 = tpu.vector_load %arg22[%swap3A_205, %swap3A_206] {strides = array<i32>} : memref<64x256xf32, #tpu.memory_space<vmem>>, vector<1x16xf32>,
        %swap3A_208 = vector.shape_cast %swap3A_207 : vector<1x16xf32> to vector<16xf32>
        %swap3A_209 = vector.shape_cast %add3A_204 : vector<16xf32> to vector<1x16xf32>
        tpu.vector_store %arg22[%swap3A_205, %swap3A_206], %swap3A_209 {strides = array<i32>} : memref<64x256xf32, #tpu.memory_space<vmem>>, vector<1x16xf32>,
        %get3A_210 = arith.index_cast %scan3A_89 : i32 to index
        %get3A_211 = arith.constant 64 : index
        %get3A_212 = tpu.vector_load %arg19[%get3A_210, %get3A_211] {strides = array<i32>} : memref<64x256xf32, #tpu.memory_space<vmem>>, vector<1x16xf32>,
        %get3A_213 = vector.shape_cast %get3A_212 : vector<1x16xf32> to vector<16xf32>
        %mul3A_214 = vector.broadcast %squeeze3A : f32 to vector<16xf32>
        %mul3A_215 = arith.mulf %get3A_213, %mul3A_214 : vector<16xf32>
        %get3A_216 = arith.index_cast %scan3A_89 : i32 to index
        %get3A_217 = arith.constant 64 : index
        %get3A_218 = tpu.vector_load %arg20[%get3A_216, %get3A_217] {strides = array<i32>} : memref<64x256xf32, #tpu.memory_space<vmem>>, vector<1x16xf32>,
        %get3A_219 = vector.shape_cast %get3A_218 : vector<1x16xf32> to vector<16xf32>
        %mul3A_220 = vector.broadcast %squeeze3A_102 : f32 to vector<16xf32>
        %mul3A_221 = arith.mulf %get3A_219, %mul3A_220 : vector<16xf32>
        %add3A_222 = arith.addf %mul3A_215, %mul3A_221 : vector<16xf32>
        %get3A_223 = arith.index_cast %scan3A_89 : i32 to index
        %get3A_224 = arith.constant 64 : index
        %get3A_225 = tpu.vector_load %arg21[%get3A_223, %get3A_224] {strides = array<i32>} : memref<64x256xf32, #tpu.memory_space<vmem>>, vector<1x16xf32>,
        %get3A_226 = vector.shape_cast %get3A_225 : vector<1x16xf32> to vector<16xf32>
        %mul3A_227 = vector.broadcast %squeeze3A_110 : f32 to vector<16xf32>
        %mul3A_228 = arith.mulf %get3A_226, %mul3A_227 : vector<16xf32>
        %add3A_229 = arith.addf %add3A_222, %mul3A_228 : vector<16xf32>
        %swap3A_230 = arith.index_cast %scan3A_89 : i32 to index
        %swap3A_231 = arith.constant 64 : index
        %swap3A_232 = tpu.vector_load %arg22[%swap3A_230, %swap3A_231] {strides = array<i32>} : memref<64x256xf32, #tpu.memory_space<vmem>>, vector<1x16xf32>,
        %swap3A_233 = vector.shape_cast %swap3A_232 : vector<1x16xf32> to vector<16xf32>
        %swap3A_234 = vector.shape_cast %add3A_229 : vector<16xf32> to vector<1x16xf32>
        tpu.vector_store %arg22[%swap3A_230, %swap3A_231], %swap3A_234 {strides = array<i32>} : memref<64x256xf32, #tpu.memory_space<vmem>>, vector<1x16xf32>,
        %get3A_235 = arith.index_cast %scan3A_89 : i32 to index
        %get3A_236 = arith.constant 80 : index
        %get3A_237 = tpu.vector_load %arg19[%get3A_235, %get3A_236] {strides = array<i32>} : memref<64x256xf32, #tpu.memory_space<vmem>>, vector<1x16xf32>,
        %get3A_238 = vector.shape_cast %get3A_237 : vector<1x16xf32> to vector<16xf32>
        %mul3A_239 = vector.broadcast %squeeze3A : f32 to vector<16xf32>
        %mul3A_240 = arith.mulf %get3A_238, %mul3A_239 : vector<16xf32>
        %get3A_241 = arith.index_cast %scan3A_89 : i32 to index
        %get3A_242 = arith.constant 80 : index
        %get3A_243 = tpu.vector_load %arg20[%get3A_241, %get3A_242] {strides = array<i32>} : memref<64x256xf32, #tpu.memory_space<vmem>>, vector<1x16xf32>,
        %get3A_244 = vector.shape_cast %get3A_243 : vector<1x16xf32> to vector<16xf32>
        %mul3A_245 = vector.broadcast %squeeze3A_102 : f32 to vector<16xf32>
        %mul3A_246 = arith.mulf %get3A_244, %mul3A_245 : vector<16xf32>
        %add3A_247 = arith.addf %mul3A_240, %mul3A_246 : vector<16xf32>
        %get3A_248 = arith.index_cast %scan3A_89 : i32 to index
        %get3A_249 = arith.constant 80 : index
        %get3A_250 = tpu.vector_load %arg21[%get3A_248, %get3A_249] {strides = array<i32>} : memref<64x256xf32, #tpu.memory_space<vmem>>, vector<1x16xf32>,
        %get3A_251 = vector.shape_cast %get3A_250 : vector<1x16xf32> to vector<16xf32>
        %mul3A_252 = vector.broadcast %squeeze3A_110 : f32 to vector<16xf32>
        %mul3A_253 = arith.mulf %get3A_251, %mul3A_252 : vector<16xf32>
        %add3A_254 = arith.addf %add3A_247, %mul3A_253 : vector<16xf32>
        %swap3A_255 = arith.index_cast %scan3A_89 : i32 to index
        %swap3A_256 = arith.constant 80 : index
        %swap3A_257 = tpu.vector_load %arg22[%swap3A_255, %swap3A_256] {strides = array<i32>} : memref<64x256xf32, #tpu.memory_space<vmem>>, vector<1x16xf32>,
        %swap3A_258 = vector.shape_cast %swap3A_257 : vector<1x16xf32> to vector<16xf32>
        %swap3A_259 = vector.shape_cast %add3A_254 : vector<16xf32> to vector<1x16xf32>
        tpu.vector_store %arg22[%swap3A_255, %swap3A_256], %swap3A_259 {strides = array<i32>} : memref<64x256xf32, #tpu.memory_space<vmem>>, vector<1x16xf32>,
        %get3A_260 = arith.index_cast %scan3A_89 : i32 to index
        %get3A_261 = arith.constant 96 : index
        %get3A_262 = tpu.vector_load %arg19[%get3A_260, %get3A_261] {strides = array<i32>} : memref<64x256xf32, #tpu.memory_space<vmem>>, vector<1x16xf32>,
        %get3A_263 = vector.shape_cast %get3A_262 : vector<1x16xf32> to vector<16xf32>
        %mul3A_264 = vector.broadcast %squeeze3A : f32 to vector<16xf32>
        %mul3A_265 = arith.mulf %get3A_263, %mul3A_264 : vector<16xf32>
        %get3A_266 = arith.index_cast %scan3A_89 : i32 to index
        %get3A_267 = arith.constant 96 : index
        %get3A_268 = tpu.vector_load %arg20[%get3A_266, %get3A_267] {strides = array<i32>} : memref<64x256xf32, #tpu.memory_space<vmem>>, vector<1x16xf32>,
        %get3A_269 = vector.shape_cast %get3A_268 : vector<1x16xf32> to vector<16xf32>
        %mul3A_270 = vector.broadcast %squeeze3A_102 : f32 to vector<16xf32>
        %mul3A_271 = arith.mulf %get3A_269, %mul3A_270 : vector<16xf32>
        %add3A_272 = arith.addf %mul3A_265, %mul3A_271 : vector<16xf32>
        %get3A_273 = arith.index_cast %scan3A_89 : i32 to index
        %get3A_274 = arith.constant 96 : index
        %get3A_275 = tpu.vector_load %arg21[%get3A_273, %get3A_274] {strides = array<i32>} : memref<64x256xf32, #tpu.memory_space<vmem>>, vector<1x16xf32>,
        %get3A_276 = vector.shape_cast %get3A_275 : vector<1x16xf32> to vector<16xf32>
        %mul3A_277 = vector.broadcast %squeeze3A_110 : f32 to vector<16xf32>
        %mul3A_278 = arith.mulf %get3A_276, %mul3A_277 : vector<16xf32>
        %add3A_279 = arith.addf %add3A_272, %mul3A_278 : vector<16xf32>
        %swap3A_280 = arith.index_cast %scan3A_89 : i32 to index
        %swap3A_281 = arith.constant 96 : index
        %swap3A_282 = tpu.vector_load %arg22[%swap3A_280, %swap3A_281] {strides = array<i32>} : memref<64x256xf32, #tpu.memory_space<vmem>>, vector<1x16xf32>,
        %swap3A_283 = vector.shape_cast %swap3A_282 : vector<1x16xf32> to vector<16xf32>
        %swap3A_284 = vector.shape_cast %add3A_279 : vector<16xf32> to vector<1x16xf32>
        tpu.vector_store %arg22[%swap3A_280, %swap3A_281], %swap3A_284 {strides = array<i32>} : memref<64x256xf32, #tpu.memory_space<vmem>>, vector<1x16xf32>,
        %get3A_285 = arith.index_cast %scan3A_89 : i32 to index
        %get3A_286 = arith.constant 112 : index
        %get3A_287 = tpu.vector_load %arg19[%get3A_285, %get3A_286] {strides = array<i32>} : memref<64x256xf32, #tpu.memory_space<vmem>>, vector<1x16xf32>,
        %get3A_288 = vector.shape_cast %get3A_287 : vector<1x16xf32> to vector<16xf32>
        %mul3A_289 = vector.broadcast %squeeze3A : f32 to vector<16xf32>
        %mul3A_290 = arith.mulf %get3A_288, %mul3A_289 : vector<16xf32>
        %get3A_291 = arith.index_cast %scan3A_89 : i32 to index
        %get3A_292 = arith.constant 112 : index
        %get3A_293 = tpu.vector_load %arg20[%get3A_291, %get3A_292] {strides = array<i32>} : memref<64x256xf32, #tpu.memory_space<vmem>>, vector<1x16xf32>,
        %get3A_294 = vector.shape_cast %get3A_293 : vector<1x16xf32> to vector<16xf32>
        %mul3A_295 = vector.broadcast %squeeze3A_102 : f32 to vector<16xf32>
        %mul3A_296 = arith.mulf %get3A_294, %mul3A_295 : vector<16xf32>
        %add3A_297 = arith.addf %mul3A_290, %mul3A_296 : vector<16xf32>
        %get3A_298 = arith.index_cast %scan3A_89 : i32 to index
        %get3A_299 = arith.constant 112 : index
        %get3A_300 = tpu.vector_load %arg21[%get3A_298, %get3A_299] {strides = array<i32>} : memref<64x256xf32, #tpu.memory_space<vmem>>, vector<1x16xf32>,
        %get3A_301 = vector.shape_cast %get3A_300 : vector<1x16xf32> to vector<16xf32>
        %mul3A_302 = vector.broadcast %squeeze3A_110 : f32 to vector<16xf32>
        %mul3A_303 = arith.mulf %get3A_301, %mul3A_302 : vector<16xf32>
        %add3A_304 = arith.addf %add3A_297, %mul3A_303 : vector<16xf32>
        %swap3A_305 = arith.index_cast %scan3A_89 : i32 to index
        %swap3A_306 = arith.constant 112 : index
        %swap3A_307 = tpu.vector_load %arg22[%swap3A_305, %swap3A_306] {strides = array<i32>} : memref<64x256xf32, #tpu.memory_space<vmem>>, vector<1x16xf32>,
        %swap3A_308 = vector.shape_cast %swap3A_307 : vector<1x16xf32> to vector<16xf32>
        %swap3A_309 = vector.shape_cast %add3A_304 : vector<16xf32> to vector<1x16xf32>
        tpu.vector_store %arg22[%swap3A_305, %swap3A_306], %swap3A_309 {strides = array<i32>} : memref<64x256xf32, #tpu.memory_space<vmem>>, vector<1x16xf32>,
        %get3A_310 = arith.index_cast %scan3A_89 : i32 to index
        %get3A_311 = arith.constant 128 : index
        %get3A_312 = tpu.vector_load %arg19[%get3A_310, %get3A_311] {strides = array<i32>} : memref<64x256xf32, #tpu.memory_space<vmem>>, vector<1x16xf32>,
        %get3A_313 = vector.shape_cast %get3A_312 : vector<1x16xf32> to vector<16xf32>
        %mul3A_314 = vector.broadcast %squeeze3A : f32 to vector<16xf32>
        %mul3A_315 = arith.mulf %get3A_313, %mul3A_314 : vector<16xf32>
        %get3A_316 = arith.index_cast %scan3A_89 : i32 to index
        %get3A_317 = arith.constant 128 : index
        %get3A_318 = tpu.vector_load %arg20[%get3A_316, %get3A_317] {strides = array<i32>} : memref<64x256xf32, #tpu.memory_space<vmem>>, vector<1x16xf32>,
        %get3A_319 = vector.shape_cast %get3A_318 : vector<1x16xf32> to vector<16xf32>
        %mul3A_320 = vector.broadcast %squeeze3A_102 : f32 to vector<16xf32>
        %mul3A_321 = arith.mulf %get3A_319, %mul3A_320 : vector<16xf32>
        %add3A_322 = arith.addf %mul3A_315, %mul3A_321 : vector<16xf32>
        %get3A_323 = arith.index_cast %scan3A_89 : i32 to index
        %get3A_324 = arith.constant 128 : index
        %get3A_325 = tpu.vector_load %arg21[%get3A_323, %get3A_324] {strides = array<i32>} : memref<64x256xf32, #tpu.memory_space<vmem>>, vector<1x16xf32>,
        %get3A_326 = vector.shape_cast %get3A_325 : vector<1x16xf32> to vector<16xf32>
        %mul3A_327 = vector.broadcast %squeeze3A_110 : f32 to vector<16xf32>
        %mul3A_328 = arith.mulf %get3A_326, %mul3A_327 : vector<16xf32>
        %add3A_329 = arith.addf %add3A_322, %mul3A_328 : vector<16xf32>
        %swap3A_330 = arith.index_cast %scan3A_89 : i32 to index
        %swap3A_331 = arith.constant 128 : index
        %swap3A_332 = tpu.vector_load %arg22[%swap3A_330, %swap3A_331] {strides = array<i32>} : memref<64x256xf32, #tpu.memory_space<vmem>>, vector<1x16xf32>,
        %swap3A_333 = vector.shape_cast %swap3A_332 : vector<1x16xf32> to vector<16xf32>
        %swap3A_334 = vector.shape_cast %add3A_329 : vector<16xf32> to vector<1x16xf32>
        tpu.vector_store %arg22[%swap3A_330, %swap3A_331], %swap3A_334 {strides = array<i32>} : memref<64x256xf32, #tpu.memory_space<vmem>>, vector<1x16xf32>,
        %get3A_335 = arith.index_cast %scan3A_89 : i32 to index
        %get3A_336 = arith.constant 144 : index
        %get3A_337 = tpu.vector_load %arg19[%get3A_335, %get3A_336] {strides = array<i32>} : memref<64x256xf32, #tpu.memory_space<vmem>>, vector<1x16xf32>,
        %get3A_338 = vector.shape_cast %get3A_337 : vector<1x16xf32> to vector<16xf32>
        %mul3A_339 = vector.broadcast %squeeze3A : f32 to vector<16xf32>
        %mul3A_340 = arith.mulf %get3A_338, %mul3A_339 : vector<16xf32>
        %get3A_341 = arith.index_cast %scan3A_89 : i32 to index
        %get3A_342 = arith.constant 144 : index
        %get3A_343 = tpu.vector_load %arg20[%get3A_341, %get3A_342] {strides = array<i32>} : memref<64x256xf32, #tpu.memory_space<vmem>>, vector<1x16xf32>,
        %get3A_344 = vector.shape_cast %get3A_343 : vector<1x16xf32> to vector<16xf32>
        %mul3A_345 = vector.broadcast %squeeze3A_102 : f32 to vector<16xf32>
        %mul3A_346 = arith.mulf %get3A_344, %mul3A_345 : vector<16xf32>
        %add3A_347 = arith.addf %mul3A_340, %mul3A_346 : vector<16xf32>
        %get3A_348 = arith.index_cast %scan3A_89 : i32 to index
        %get3A_349 = arith.constant 144 : index
        %get3A_350 = tpu.vector_load %arg21[%get3A_348, %get3A_349] {strides = array<i32>} : memref<64x256xf32, #tpu.memory_space<vmem>>, vector<1x16xf32>,
        %get3A_351 = vector.shape_cast %get3A_350 : vector<1x16xf32> to vector<16xf32>
        %mul3A_352 = vector.broadcast %squeeze3A_110 : f32 to vector<16xf32>
        %mul3A_353 = arith.mulf %get3A_351, %mul3A_352 : vector<16xf32>
        %add3A_354 = arith.addf %add3A_347, %mul3A_353 : vector<16xf32>
        %swap3A_355 = arith.index_cast %scan3A_89 : i32 to index
        %swap3A_356 = arith.constant 144 : index
        %swap3A_357 = tpu.vector_load %arg22[%swap3A_355, %swap3A_356] {strides = array<i32>} : memref<64x256xf32, #tpu.memory_space<vmem>>, vector<1x16xf32>,
        %swap3A_358 = vector.shape_cast %swap3A_357 : vector<1x16xf32> to vector<16xf32>
        %swap3A_359 = vector.shape_cast %add3A_354 : vector<16xf32> to vector<1x16xf32>
        tpu.vector_store %arg22[%swap3A_355, %swap3A_356], %swap3A_359 {strides = array<i32>} : memref<64x256xf32, #tpu.memory_space<vmem>>, vector<1x16xf32>,
        %get3A_360 = arith.index_cast %scan3A_89 : i32 to index
        %get3A_361 = arith.constant 160 : index
        %get3A_362 = tpu.vector_load %arg19[%get3A_360, %get3A_361] {strides = array<i32>} : memref<64x256xf32, #tpu.memory_space<vmem>>, vector<1x16xf32>,
        %get3A_363 = vector.shape_cast %get3A_362 : vector<1x16xf32> to vector<16xf32>
        %mul3A_364 = vector.broadcast %squeeze3A : f32 to vector<16xf32>
        %mul3A_365 = arith.mulf %get3A_363, %mul3A_364 : vector<16xf32>
        %get3A_366 = arith.index_cast %scan3A_89 : i32 to index
        %get3A_367 = arith.constant 160 : index
        %get3A_368 = tpu.vector_load %arg20[%get3A_366, %get3A_367] {strides = array<i32>} : memref<64x256xf32, #tpu.memory_space<vmem>>, vector<1x16xf32>,
        %get3A_369 = vector.shape_cast %get3A_368 : vector<1x16xf32> to vector<16xf32>
        %mul3A_370 = vector.broadcast %squeeze3A_102 : f32 to vector<16xf32>
        %mul3A_371 = arith.mulf %get3A_369, %mul3A_370 : vector<16xf32>
        %add3A_372 = arith.addf %mul3A_365, %mul3A_371 : vector<16xf32>
        %get3A_373 = arith.index_cast %scan3A_89 : i32 to index
        %get3A_374 = arith.constant 160 : index
        %get3A_375 = tpu.vector_load %arg21[%get3A_373, %get3A_374] {strides = array<i32>} : memref<64x256xf32, #tpu.memory_space<vmem>>, vector<1x16xf32>,
        %get3A_376 = vector.shape_cast %get3A_375 : vector<1x16xf32> to vector<16xf32>
        %mul3A_377 = vector.broadcast %squeeze3A_110 : f32 to vector<16xf32>
        %mul3A_378 = arith.mulf %get3A_376, %mul3A_377 : vector<16xf32>
        %add3A_379 = arith.addf %add3A_372, %mul3A_378 : vector<16xf32>
        %swap3A_380 = arith.index_cast %scan3A_89 : i32 to index
        %swap3A_381 = arith.constant 160 : index
        %swap3A_382 = tpu.vector_load %arg22[%swap3A_380, %swap3A_381] {strides = array<i32>} : memref<64x256xf32, #tpu.memory_space<vmem>>, vector<1x16xf32>,
        %swap3A_383 = vector.shape_cast %swap3A_382 : vector<1x16xf32> to vector<16xf32>
        %swap3A_384 = vector.shape_cast %add3A_379 : vector<16xf32> to vector<1x16xf32>
        tpu.vector_store %arg22[%swap3A_380, %swap3A_381], %swap3A_384 {strides = array<i32>} : memref<64x256xf32, #tpu.memory_space<vmem>>, vector<1x16xf32>,
        %get3A_385 = arith.index_cast %scan3A_89 : i32 to index
        %get3A_386 = arith.constant 176 : index
        %get3A_387 = tpu.vector_load %arg19[%get3A_385, %get3A_386] {strides = array<i32>} : memref<64x256xf32, #tpu.memory_space<vmem>>, vector<1x16xf32>,
        %get3A_388 = vector.shape_cast %get3A_387 : vector<1x16xf32> to vector<16xf32>
        %mul3A_389 = vector.broadcast %squeeze3A : f32 to vector<16xf32>
        %mul3A_390 = arith.mulf %get3A_388, %mul3A_389 : vector<16xf32>
        %get3A_391 = arith.index_cast %scan3A_89 : i32 to index
        %get3A_392 = arith.constant 176 : index
        %get3A_393 = tpu.vector_load %arg20[%get3A_391, %get3A_392] {strides = array<i32>} : memref<64x256xf32, #tpu.memory_space<vmem>>, vector<1x16xf32>,
        %get3A_394 = vector.shape_cast %get3A_393 : vector<1x16xf32> to vector<16xf32>
        %mul3A_395 = vector.broadcast %squeeze3A_102 : f32 to vector<16xf32>
        %mul3A_396 = arith.mulf %get3A_394, %mul3A_395 : vector<16xf32>
        %add3A_397 = arith.addf %mul3A_390, %mul3A_396 : vector<16xf32>
        %get3A_398 = arith.index_cast %scan3A_89 : i32 to index
        %get3A_399 = arith.constant 176 : index
        %get3A_400 = tpu.vector_load %arg21[%get3A_398, %get3A_399] {strides = array<i32>} : memref<64x256xf32, #tpu.memory_space<vmem>>, vector<1x16xf32>,
        %get3A_401 = vector.shape_cast %get3A_400 : vector<1x16xf32> to vector<16xf32>
        %mul3A_402 = vector.broadcast %squeeze3A_110 : f32 to vector<16xf32>
        %mul3A_403 = arith.mulf %get3A_401, %mul3A_402 : vector<16xf32>
        %add3A_404 = arith.addf %add3A_397, %mul3A_403 : vector<16xf32>
        %swap3A_405 = arith.index_cast %scan3A_89 : i32 to index
        %swap3A_406 = arith.constant 176 : index
        %swap3A_407 = tpu.vector_load %arg22[%swap3A_405, %swap3A_406] {strides = array<i32>} : memref<64x256xf32, #tpu.memory_space<vmem>>, vector<1x16xf32>,
        %swap3A_408 = vector.shape_cast %swap3A_407 : vector<1x16xf32> to vector<16xf32>
        %swap3A_409 = vector.shape_cast %add3A_404 : vector<16xf32> to vector<1x16xf32>
        tpu.vector_store %arg22[%swap3A_405, %swap3A_406], %swap3A_409 {strides = array<i32>} : memref<64x256xf32, #tpu.memory_space<vmem>>, vector<1x16xf32>,
        %get3A_410 = arith.index_cast %scan3A_89 : i32 to index
        %get3A_411 = arith.constant 192 : index
        %get3A_412 = tpu.vector_load %arg19[%get3A_410, %get3A_411] {strides = array<i32>} : memref<64x256xf32, #tpu.memory_space<vmem>>, vector<1x16xf32>,
        %get3A_413 = vector.shape_cast %get3A_412 : vector<1x16xf32> to vector<16xf32>
        %mul3A_414 = vector.broadcast %squeeze3A : f32 to vector<16xf32>
        %mul3A_415 = arith.mulf %get3A_413, %mul3A_414 : vector<16xf32>
        %get3A_416 = arith.index_cast %scan3A_89 : i32 to index
        %get3A_417 = arith.constant 192 : index
        %get3A_418 = tpu.vector_load %arg20[%get3A_416, %get3A_417] {strides = array<i32>} : memref<64x256xf32, #tpu.memory_space<vmem>>, vector<1x16xf32>,
        %get3A_419 = vector.shape_cast %get3A_418 : vector<1x16xf32> to vector<16xf32>
        %mul3A_420 = vector.broadcast %squeeze3A_102 : f32 to vector<16xf32>
        %mul3A_421 = arith.mulf %get3A_419, %mul3A_420 : vector<16xf32>
        %add3A_422 = arith.addf %mul3A_415, %mul3A_421 : vector<16xf32>
        %get3A_423 = arith.index_cast %scan3A_89 : i32 to index
        %get3A_424 = arith.constant 192 : index
        %get3A_425 = tpu.vector_load %arg21[%get3A_423, %get3A_424] {strides = array<i32>} : memref<64x256xf32, #tpu.memory_space<vmem>>, vector<1x16xf32>,
        %get3A_426 = vector.shape_cast %get3A_425 : vector<1x16xf32> to vector<16xf32>
        %mul3A_427 = vector.broadcast %squeeze3A_110 : f32 to vector<16xf32>
        %mul3A_428 = arith.mulf %get3A_426, %mul3A_427 : vector<16xf32>
        %add3A_429 = arith.addf %add3A_422, %mul3A_428 : vector<16xf32>
        %swap3A_430 = arith.index_cast %scan3A_89 : i32 to index
        %swap3A_431 = arith.constant 192 : index
        %swap3A_432 = tpu.vector_load %arg22[%swap3A_430, %swap3A_431] {strides = array<i32>} : memref<64x256xf32, #tpu.memory_space<vmem>>, vector<1x16xf32>,
        %swap3A_433 = vector.shape_cast %swap3A_432 : vector<1x16xf32> to vector<16xf32>
        %swap3A_434 = vector.shape_cast %add3A_429 : vector<16xf32> to vector<1x16xf32>
        tpu.vector_store %arg22[%swap3A_430, %swap3A_431], %swap3A_434 {strides = array<i32>} : memref<64x256xf32, #tpu.memory_space<vmem>>, vector<1x16xf32>,
        %get3A_435 = arith.index_cast %scan3A_89 : i32 to index
        %get3A_436 = arith.constant 208 : index
        %get3A_437 = tpu.vector_load %arg19[%get3A_435, %get3A_436] {strides = array<i32>} : memref<64x256xf32, #tpu.memory_space<vmem>>, vector<1x16xf32>,
        %get3A_438 = vector.shape_cast %get3A_437 : vector<1x16xf32> to vector<16xf32>
        %mul3A_439 = vector.broadcast %squeeze3A : f32 to vector<16xf32>
        %mul3A_440 = arith.mulf %get3A_438, %mul3A_439 : vector<16xf32>
        %get3A_441 = arith.index_cast %scan3A_89 : i32 to index
        %get3A_442 = arith.constant 208 : index
        %get3A_443 = tpu.vector_load %arg20[%get3A_441, %get3A_442] {strides = array<i32>} : memref<64x256xf32, #tpu.memory_space<vmem>>, vector<1x16xf32>,
        %get3A_444 = vector.shape_cast %get3A_443 : vector<1x16xf32> to vector<16xf32>
        %mul3A_445 = vector.broadcast %squeeze3A_102 : f32 to vector<16xf32>
        %mul3A_446 = arith.mulf %get3A_444, %mul3A_445 : vector<16xf32>
        %add3A_447 = arith.addf %mul3A_440, %mul3A_446 : vector<16xf32>
        %get3A_448 = arith.index_cast %scan3A_89 : i32 to index
        %get3A_449 = arith.constant 208 : index
        %get3A_450 = tpu.vector_load %arg21[%get3A_448, %get3A_449] {strides = array<i32>} : memref<64x256xf32, #tpu.memory_space<vmem>>, vector<1x16xf32>,
        %get3A_451 = vector.shape_cast %get3A_450 : vector<1x16xf32> to vector<16xf32>
        %mul3A_452 = vector.broadcast %squeeze3A_110 : f32 to vector<16xf32>
        %mul3A_453 = arith.mulf %get3A_451, %mul3A_452 : vector<16xf32>
        %add3A_454 = arith.addf %add3A_447, %mul3A_453 : vector<16xf32>
        %swap3A_455 = arith.index_cast %scan3A_89 : i32 to index
        %swap3A_456 = arith.constant 208 : index
        %swap3A_457 = tpu.vector_load %arg22[%swap3A_455, %swap3A_456] {strides = array<i32>} : memref<64x256xf32, #tpu.memory_space<vmem>>, vector<1x16xf32>,
        %swap3A_458 = vector.shape_cast %swap3A_457 : vector<1x16xf32> to vector<16xf32>
        %swap3A_459 = vector.shape_cast %add3A_454 : vector<16xf32> to vector<1x16xf32>
        tpu.vector_store %arg22[%swap3A_455, %swap3A_456], %swap3A_459 {strides = array<i32>} : memref<64x256xf32, #tpu.memory_space<vmem>>, vector<1x16xf32>,
        %get3A_460 = arith.index_cast %scan3A_89 : i32 to index
        %get3A_461 = arith.constant 224 : index
        %get3A_462 = tpu.vector_load %arg19[%get3A_460, %get3A_461] {strides = array<i32>} : memref<64x256xf32, #tpu.memory_space<vmem>>, vector<1x16xf32>,
        %get3A_463 = vector.shape_cast %get3A_462 : vector<1x16xf32> to vector<16xf32>
        %mul3A_464 = vector.broadcast %squeeze3A : f32 to vector<16xf32>
        %mul3A_465 = arith.mulf %get3A_463, %mul3A_464 : vector<16xf32>
        %get3A_466 = arith.index_cast %scan3A_89 : i32 to index
        %get3A_467 = arith.constant 224 : index
        %get3A_468 = tpu.vector_load %arg20[%get3A_466, %get3A_467] {strides = array<i32>} : memref<64x256xf32, #tpu.memory_space<vmem>>, vector<1x16xf32>,
        %get3A_469 = vector.shape_cast %get3A_468 : vector<1x16xf32> to vector<16xf32>
        %mul3A_470 = vector.broadcast %squeeze3A_102 : f32 to vector<16xf32>
        %mul3A_471 = arith.mulf %get3A_469, %mul3A_470 : vector<16xf32>
        %add3A_472 = arith.addf %mul3A_465, %mul3A_471 : vector<16xf32>
        %get3A_473 = arith.index_cast %scan3A_89 : i32 to index
        %get3A_474 = arith.constant 224 : index
        %get3A_475 = tpu.vector_load %arg21[%get3A_473, %get3A_474] {strides = array<i32>} : memref<64x256xf32, #tpu.memory_space<vmem>>, vector<1x16xf32>,
        %get3A_476 = vector.shape_cast %get3A_475 : vector<1x16xf32> to vector<16xf32>
        %mul3A_477 = vector.broadcast %squeeze3A_110 : f32 to vector<16xf32>
        %mul3A_478 = arith.mulf %get3A_476, %mul3A_477 : vector<16xf32>
        %add3A_479 = arith.addf %add3A_472, %mul3A_478 : vector<16xf32>
        %swap3A_480 = arith.index_cast %scan3A_89 : i32 to index
        %swap3A_481 = arith.constant 224 : index
        %swap3A_482 = tpu.vector_load %arg22[%swap3A_480, %swap3A_481] {strides = array<i32>} : memref<64x256xf32, #tpu.memory_space<vmem>>, vector<1x16xf32>,
        %swap3A_483 = vector.shape_cast %swap3A_482 : vector<1x16xf32> to vector<16xf32>
        %swap3A_484 = vector.shape_cast %add3A_479 : vector<16xf32> to vector<1x16xf32>
        tpu.vector_store %arg22[%swap3A_480, %swap3A_481], %swap3A_484 {strides = array<i32>} : memref<64x256xf32, #tpu.memory_space<vmem>>, vector<1x16xf32>,
        %get3A_485 = arith.index_cast %scan3A_89 : i32 to index
        %get3A_486 = arith.constant 240 : index
        %get3A_487 = tpu.vector_load %arg19[%get3A_485, %get3A_486] {strides = array<i32>} : memref<64x256xf32, #tpu.memory_space<vmem>>, vector<1x16xf32>,
        %get3A_488 = vector.shape_cast %get3A_487 : vector<1x16xf32> to vector<16xf32>
        %mul3A_489 = vector.broadcast %squeeze3A : f32 to vector<16xf32>
        %mul3A_490 = arith.mulf %get3A_488, %mul3A_489 : vector<16xf32>
        %get3A_491 = arith.index_cast %scan3A_89 : i32 to index
        %get3A_492 = arith.constant 240 : index
        %get3A_493 = tpu.vector_load %arg20[%get3A_491, %get3A_492] {strides = array<i32>} : memref<64x256xf32, #tpu.memory_space<vmem>>, vector<1x16xf32>,
        %get3A_494 = vector.shape_cast %get3A_493 : vector<1x16xf32> to vector<16xf32>
        %mul3A_495 = vector.broadcast %squeeze3A_102 : f32 to vector<16xf32>
        %mul3A_496 = arith.mulf %get3A_494, %mul3A_495 : vector<16xf32>
        %add3A_497 = arith.addf %mul3A_490, %mul3A_496 : vector<16xf32>
        %get3A_498 = arith.index_cast %scan3A_89 : i32 to index
        %get3A_499 = arith.constant 240 : index
        %get3A_500 = tpu.vector_load %arg21[%get3A_498, %get3A_499] {strides = array<i32>} : memref<64x256xf32, #tpu.memory_space<vmem>>, vector<1x16xf32>,
        %get3A_501 = vector.shape_cast %get3A_500 : vector<1x16xf32> to vector<16xf32>
        %mul3A_502 = vector.broadcast %squeeze3A_110 : f32 to vector<16xf32>
        %mul3A_503 = arith.mulf %get3A_501, %mul3A_502 : vector<16xf32>
        %add3A_504 = arith.addf %add3A_497, %mul3A_503 : vector<16xf32>
        %swap3A_505 = arith.index_cast %scan3A_89 : i32 to index
        %swap3A_506 = arith.constant 240 : index
        %swap3A_507 = tpu.vector_load %arg22[%swap3A_505, %swap3A_506] {strides = array<i32>} : memref<64x256xf32, #tpu.memory_space<vmem>>, vector<1x16xf32>,
        %swap3A_508 = vector.shape_cast %swap3A_507 : vector<1x16xf32> to vector<16xf32>
        %swap3A_509 = vector.shape_cast %add3A_504 : vector<16xf32> to vector<1x16xf32>
        tpu.vector_store %arg22[%swap3A_505, %swap3A_506], %swap3A_509 {strides = array<i32>} : memref<64x256xf32, #tpu.memory_space<vmem>>, vector<1x16xf32>,
      }
      %scan3A_85 = arith.constant 64 : i32
      %mul3A_86 = arith.constant 64 : i32
      %mul3A_87 = arith.muli %add3A_57, %mul3A_86 : i32
      %add3A_88 = arith.addi %mul3A_2, %mul3A_87 : i32
      "tpu.region"() ({
        %run_scoped3A = tpu.sem_alloc : memref<!tpu.dma_semaphore, #tpu.memory_space<semaphore_mem>>
        %dma_start3A_89 = arith.constant 0 : i32
        %dma_start3A_90 = tpu.memref_slice %arg9[%add3A_88, %dma_start3A_89] : memref<32768x256xf32, #tpu.memory_space<hbm>> -> memref<64x256xf32, #tpu.memory_space<hbm>>
        %dma_start3A_91 = arith.constant 0 : i32
        %dma_start3A_92 = tpu.memref_slice %arg9[%add3A_88, %dma_start3A_91] : memref<32768x256xf32, #tpu.memory_space<hbm>> -> memref<64x256xf32, #tpu.memory_space<hbm>>
        tpu.enqueue_dma source(%arg22 : memref<64x256xf32, #tpu.memory_space<vmem>>) target(%dma_start3A_92 : memref<64x256xf32, #tpu.memory_space<hbm>>) target_semaphore(%run_scoped3A : memref<!tpu.dma_semaphore, #tpu.memory_space<semaphore_mem>>)
        %dma_wait3A_93 = arith.constant 0 : i32
        %dma_wait3A_94 = tpu.memref_slice %arg9[%add3A_88, %dma_wait3A_93] : memref<32768x256xf32, #tpu.memory_space<hbm>> -> memref<64x256xf32, #tpu.memory_space<hbm>>
        %dma_wait3A_95 = arith.constant 0 : i32
        %dma_wait3A_96 = tpu.memref_slice %arg9[%add3A_88, %dma_wait3A_95] : memref<32768x256xf32, #tpu.memory_space<hbm>> -> memref<64x256xf32, #tpu.memory_space<hbm>>
        tpu.wait_dma2 semaphore(%run_scoped3A : memref<!tpu.dma_semaphore, #tpu.memory_space<semaphore_mem>>) src(%arg22 : memref<64x256xf32, #tpu.memory_space<vmem>>) dst(%dma_wait3A_96 : memref<64x256xf32, #tpu.memory_space<hbm>>)
        tpu.yield
      }) : () -> ()
    }
    %scan3A_21 = arith.constant 8 : i32
    return
  }
}

module attributes {stable_mosaic.version = 14 : i64} {
  func.func @_stage_knn(%arg0: i32, %arg1: memref<1x4096x3xf32, #tpu.memory_space<vmem>>, %arg2: memref<1x3x1024xf32, #tpu.memory_space<vmem>>, %arg3: memref<1x4096x3xi32, #tpu.memory_space<vmem>>, %arg4: memref<1x4096x3xf32, #tpu.memory_space<vmem>>) attributes {dimension_semantics = [#tpu.dimension_semantics<arbitrary>], iteration_bounds = array<i64: 8>, scalar_prefetch = 0 : i64, scratch_operands = 0 : i64, tpu.core_type = #tpu.core_type<tc>, window_params = [{transform_indices = @transform_0, window_bounds = array<i64: 1, 4096, 3>}, {transform_indices = @transform_1, window_bounds = array<i64: 1, 3, 1024>}, {transform_indices = @transform_2, window_bounds = array<i64: 1, 4096, 3>}, {transform_indices = @transform_3, window_bounds = array<i64: 1, 4096, 3>}]} {
    %get3A = arith.constant 0 : index
    %get3A_0 = arith.constant 0 : index
    %get3A_1 = arith.constant 0 : index
    %get3A_2 = vector.load %arg1[%get3A, %get3A_0, %get3A_1] : memref<1x4096x3xf32, #tpu.memory_space<vmem>>, vector<1x4096x3xf32>
    %get3A_3 = vector.shape_cast %get3A_2 : vector<1x4096x3xf32> to vector<4096x3xf32>
    %get3A_4 = arith.constant 0 : index
    %get3A_5 = arith.constant 0 : index
    %get3A_6 = arith.constant 0 : index
    %get3A_7 = vector.load %arg2[%get3A_4, %get3A_5, %get3A_6] : memref<1x3x1024xf32, #tpu.memory_space<vmem>>, vector<1x3x1024xf32>
    %get3A_8 = vector.shape_cast %get3A_7 : vector<1x3x1024xf32> to vector<3x1024xf32>
    %mul3A = arith.mulf %get3A_3, %get3A_3 : vector<4096x3xf32>
    %reduce_sum3A = arith.constant dense<0.000000e+00> : vector<4096xf32>
    %reduce_sum3A_9 = vector.multi_reduction <add>, %mul3A, %reduce_sum3A [1] : vector<4096x3xf32> to vector<4096xf32>
    %broadcast_in_dim3A = vector.shape_cast %reduce_sum3A_9 : vector<4096xf32> to vector<4096x1xf32>
    %mul3A_10 = arith.mulf %get3A_8, %get3A_8 : vector<3x1024xf32>
    %reduce_sum3A_11 = arith.constant dense<0.000000e+00> : vector<1024xf32>
    %reduce_sum3A_12 = vector.multi_reduction <add>, %mul3A_10, %reduce_sum3A_11 [0] : vector<3x1024xf32> to vector<1024xf32>
    %broadcast_in_dim3A_13 = vector.shape_cast %reduce_sum3A_12 : vector<1024xf32> to vector<1x1024xf32>
    %dot_general3A = arith.constant dense<0.000000e+00> : vector<4096x1024xf32>
    %dot_general3A_14 = tpu.matmul %get3A_3, %get3A_8, %dot_general3A {dimension_numbers = #tpu.dot_dimension_numbers<[1], [0], [0], [1], [0, 0, 1, 1], [], []>, transpose_lhs_hint = false} : vector<4096x3xf32>, vector<3x1024xf32>, vector<4096x1024xf32> -> vector<4096x1024xf32>
    %add3A = vector.broadcast %broadcast_in_dim3A : vector<4096x1xf32> to vector<4096x1024xf32>
    %add3A_15 = vector.broadcast %broadcast_in_dim3A_13 : vector<1x1024xf32> to vector<4096x1024xf32>
    %add3A_16 = arith.addf %add3A, %add3A_15 : vector<4096x1024xf32>
    %mul3A_17 = arith.constant 2.000000e+00 : f32
    %mul3A_18 = vector.broadcast %mul3A_17 : f32 to vector<4096x1024xf32>
    %mul3A_19 = arith.mulf %mul3A_18, %dot_general3A_14 : vector<4096x1024xf32>
    %sub3A = arith.subf %add3A_16, %mul3A_19 : vector<4096x1024xf32>
    %reduce_min3A = arith.constant dense<0x7F800000> : vector<4096xf32>
    %reduce_min3A_20 = vector.multi_reduction <minimumf>, %sub3A, %reduce_min3A [1] : vector<4096x1024xf32> to vector<4096xf32>
    %broadcast_in_dim3A_21 = vector.shape_cast %reduce_min3A_20 : vector<4096xf32> to vector<4096x1xf32>
    %gt3A = vector.broadcast %broadcast_in_dim3A_21 : vector<4096x1xf32> to vector<4096x1024xf32>
    %gt3A_22 = arith.cmpf ogt, %sub3A, %gt3A : vector<4096x1024xf32>
    %jit3A = arith.constant 0x7F800000 : f32
    %broadcast_in_dim3A_23 = vector.broadcast %jit3A : f32 to vector<4096x1024xf32>
    %select_n3A = arith.select %gt3A_22, %sub3A, %broadcast_in_dim3A_23 : vector<4096x1024xi1>, vector<4096x1024xf32>
    %reduce_min3A_24 = arith.constant dense<0x7F800000> : vector<4096xf32>
    %reduce_min3A_25 = vector.multi_reduction <minimumf>, %select_n3A, %reduce_min3A_24 [1] : vector<4096x1024xf32> to vector<4096xf32>
    %broadcast_in_dim3A_26 = vector.shape_cast %reduce_min3A_25 : vector<4096xf32> to vector<4096x1xf32>
    %gt3A_27 = vector.broadcast %broadcast_in_dim3A_26 : vector<4096x1xf32> to vector<4096x1024xf32>
    %gt3A_28 = arith.cmpf ogt, %sub3A, %gt3A_27 : vector<4096x1024xf32>
    %jit3A_29 = arith.constant 0x7F800000 : f32
    %broadcast_in_dim3A_30 = vector.broadcast %jit3A_29 : f32 to vector<4096x1024xf32>
    %select_n3A_31 = arith.select %gt3A_28, %sub3A, %broadcast_in_dim3A_30 : vector<4096x1024xi1>, vector<4096x1024xf32>
    %reduce_min3A_32 = arith.constant dense<0x7F800000> : vector<4096xf32>
    %reduce_min3A_33 = vector.multi_reduction <minimumf>, %select_n3A_31, %reduce_min3A_32 [1] : vector<4096x1024xf32> to vector<4096xf32>
    %broadcast_in_dim3A_34 = vector.shape_cast %reduce_min3A_33 : vector<4096xf32> to vector<4096x1xf32>
    %iota3A = tpu.iota {dimensions = array<i32: 1>} : vector<4096x1024xi32>
    %mul3A_35 = arith.constant 1024 : i32
    %mul3A_36 = arith.muli %arg0, %mul3A_35 : i32
    %eq3A = vector.broadcast %broadcast_in_dim3A_21 : vector<4096x1xf32> to vector<4096x1024xf32>
    %eq3A_37 = arith.cmpf oeq, %sub3A, %eq3A : vector<4096x1024xf32>
    %jit3A_38 = arith.constant 1024 : i32
    %broadcast_in_dim3A_39 = vector.broadcast %jit3A_38 : i32 to vector<4096x1024xi32>
    %select_n3A_40 = arith.select %eq3A_37, %iota3A, %broadcast_in_dim3A_39 : vector<4096x1024xi1>, vector<4096x1024xi32>
    %reduce_min3A_41 = arith.constant dense<2147483647> : vector<4096xi32>
    %reduce_min3A_42 = vector.multi_reduction <minsi>, %select_n3A_40, %reduce_min3A_41 [1] : vector<4096x1024xi32> to vector<4096xi32>
    %broadcast_in_dim3A_43 = vector.shape_cast %reduce_min3A_42 : vector<4096xi32> to vector<4096x1xi32>
    %eq3A_44 = vector.broadcast %broadcast_in_dim3A_26 : vector<4096x1xf32> to vector<4096x1024xf32>
    %eq3A_45 = arith.cmpf oeq, %sub3A, %eq3A_44 : vector<4096x1024xf32>
    %jit3A_46 = arith.constant 1024 : i32
    %broadcast_in_dim3A_47 = vector.broadcast %jit3A_46 : i32 to vector<4096x1024xi32>
    %select_n3A_48 = arith.select %eq3A_45, %iota3A, %broadcast_in_dim3A_47 : vector<4096x1024xi1>, vector<4096x1024xi32>
    %reduce_min3A_49 = arith.constant dense<2147483647> : vector<4096xi32>
    %reduce_min3A_50 = vector.multi_reduction <minsi>, %select_n3A_48, %reduce_min3A_49 [1] : vector<4096x1024xi32> to vector<4096xi32>
    %broadcast_in_dim3A_51 = vector.shape_cast %reduce_min3A_50 : vector<4096xi32> to vector<4096x1xi32>
    %eq3A_52 = vector.broadcast %broadcast_in_dim3A_34 : vector<4096x1xf32> to vector<4096x1024xf32>
    %eq3A_53 = arith.cmpf oeq, %sub3A, %eq3A_52 : vector<4096x1024xf32>
    %jit3A_54 = arith.constant 1024 : i32
    %broadcast_in_dim3A_55 = vector.broadcast %jit3A_54 : i32 to vector<4096x1024xi32>
    %select_n3A_56 = arith.select %eq3A_53, %iota3A, %broadcast_in_dim3A_55 : vector<4096x1024xi1>, vector<4096x1024xi32>
    %reduce_min3A_57 = arith.constant dense<2147483647> : vector<4096xi32>
    %reduce_min3A_58 = vector.multi_reduction <minsi>, %select_n3A_56, %reduce_min3A_57 [1] : vector<4096x1024xi32> to vector<4096xi32>
    %broadcast_in_dim3A_59 = vector.shape_cast %reduce_min3A_58 : vector<4096xi32> to vector<4096x1xi32>
    %add3A_60 = vector.broadcast %mul3A_36 : i32 to vector<4096x1xi32>
    %add3A_61 = arith.addi %broadcast_in_dim3A_43, %add3A_60 : vector<4096x1xi32>
    %swap3A = arith.constant 0 : index
    %swap3A_62 = arith.constant 0 : index
    %swap3A_63 = arith.constant 0 : index
    %swap3A_64 = vector.load %arg3[%swap3A, %swap3A_62, %swap3A_63] : memref<1x4096x3xi32, #tpu.memory_space<vmem>>, vector<1x4096x1xi32>
    %swap3A_65 = vector.shape_cast %swap3A_64 : vector<1x4096x1xi32> to vector<4096x1xi32>
    %swap3A_66 = vector.shape_cast %add3A_61 : vector<4096x1xi32> to vector<1x4096x1xi32>
    tpu.vector_store %arg3[%swap3A, %swap3A_62, %swap3A_63], %swap3A_66 {strides = array<i32>} : memref<1x4096x3xi32, #tpu.memory_space<vmem>>, vector<1x4096x1xi32>,
    %add3A_67 = vector.broadcast %mul3A_36 : i32 to vector<4096x1xi32>
    %add3A_68 = arith.addi %broadcast_in_dim3A_51, %add3A_67 : vector<4096x1xi32>
    %swap3A_69 = arith.constant 0 : index
    %swap3A_70 = arith.constant 0 : index
    %swap3A_71 = arith.constant 1 : index
    %swap3A_72 = vector.load %arg3[%swap3A_69, %swap3A_70, %swap3A_71] : memref<1x4096x3xi32, #tpu.memory_space<vmem>>, vector<1x4096x1xi32>
    %swap3A_73 = vector.shape_cast %swap3A_72 : vector<1x4096x1xi32> to vector<4096x1xi32>
    %swap3A_74 = vector.shape_cast %add3A_68 : vector<4096x1xi32> to vector<1x4096x1xi32>
    tpu.vector_store %arg3[%swap3A_69, %swap3A_70, %swap3A_71], %swap3A_74 {strides = array<i32>} : memref<1x4096x3xi32, #tpu.memory_space<vmem>>, vector<1x4096x1xi32>,
    %add3A_75 = vector.broadcast %mul3A_36 : i32 to vector<4096x1xi32>
    %add3A_76 = arith.addi %broadcast_in_dim3A_59, %add3A_75 : vector<4096x1xi32>
    %swap3A_77 = arith.constant 0 : index
    %swap3A_78 = arith.constant 0 : index
    %swap3A_79 = arith.constant 2 : index
    %swap3A_80 = vector.load %arg3[%swap3A_77, %swap3A_78, %swap3A_79] : memref<1x4096x3xi32, #tpu.memory_space<vmem>>, vector<1x4096x1xi32>
    %swap3A_81 = vector.shape_cast %swap3A_80 : vector<1x4096x1xi32> to vector<4096x1xi32>
    %swap3A_82 = vector.shape_cast %add3A_76 : vector<4096x1xi32> to vector<1x4096x1xi32>
    tpu.vector_store %arg3[%swap3A_77, %swap3A_78, %swap3A_79], %swap3A_82 {strides = array<i32>} : memref<1x4096x3xi32, #tpu.memory_space<vmem>>, vector<1x4096x1xi32>,
    %add3A_83 = arith.constant 9.99999993E-9 : f32
    %add3A_84 = vector.broadcast %add3A_83 : f32 to vector<4096x1xf32>
    %add3A_85 = arith.addf %broadcast_in_dim3A_21, %add3A_84 : vector<4096x1xf32>
    %div3A = arith.constant 1.000000e+00 : f32
    %div3A_86 = vector.broadcast %div3A : f32 to vector<4096x1xf32>
    %div3A_87 = arith.divf %div3A_86, %add3A_85 : vector<4096x1xf32>
    %add3A_88 = arith.constant 9.99999993E-9 : f32
    %add3A_89 = vector.broadcast %add3A_88 : f32 to vector<4096x1xf32>
    %add3A_90 = arith.addf %broadcast_in_dim3A_26, %add3A_89 : vector<4096x1xf32>
    %div3A_91 = arith.constant 1.000000e+00 : f32
    %div3A_92 = vector.broadcast %div3A_91 : f32 to vector<4096x1xf32>
    %div3A_93 = arith.divf %div3A_92, %add3A_90 : vector<4096x1xf32>
    %add3A_94 = arith.constant 9.99999993E-9 : f32
    %add3A_95 = vector.broadcast %add3A_94 : f32 to vector<4096x1xf32>
    %add3A_96 = arith.addf %broadcast_in_dim3A_34, %add3A_95 : vector<4096x1xf32>
    %div3A_97 = arith.constant 1.000000e+00 : f32
    %div3A_98 = vector.broadcast %div3A_97 : f32 to vector<4096x1xf32>
    %div3A_99 = arith.divf %div3A_98, %add3A_96 : vector<4096x1xf32>
    %add3A_100 = arith.addf %div3A_87, %div3A_93 : vector<4096x1xf32>
    %add3A_101 = arith.addf %add3A_100, %div3A_99 : vector<4096x1xf32>
    %div3A_102 = arith.divf %div3A_87, %add3A_101 : vector<4096x1xf32>
    %swap3A_103 = arith.constant 0 : index
    %swap3A_104 = arith.constant 0 : index
    %swap3A_105 = arith.constant 0 : index
    %swap3A_106 = vector.load %arg4[%swap3A_103, %swap3A_104, %swap3A_105] : memref<1x4096x3xf32, #tpu.memory_space<vmem>>, vector<1x4096x1xf32>
    %swap3A_107 = vector.shape_cast %swap3A_106 : vector<1x4096x1xf32> to vector<4096x1xf32>
    %swap3A_108 = vector.shape_cast %div3A_102 : vector<4096x1xf32> to vector<1x4096x1xf32>
    tpu.vector_store %arg4[%swap3A_103, %swap3A_104, %swap3A_105], %swap3A_108 {strides = array<i32>} : memref<1x4096x3xf32, #tpu.memory_space<vmem>>, vector<1x4096x1xf32>,
    %div3A_109 = arith.divf %div3A_93, %add3A_101 : vector<4096x1xf32>
    %swap3A_110 = arith.constant 0 : index
    %swap3A_111 = arith.constant 0 : index
    %swap3A_112 = arith.constant 1 : index
    %swap3A_113 = vector.load %arg4[%swap3A_110, %swap3A_111, %swap3A_112] : memref<1x4096x3xf32, #tpu.memory_space<vmem>>, vector<1x4096x1xf32>
    %swap3A_114 = vector.shape_cast %swap3A_113 : vector<1x4096x1xf32> to vector<4096x1xf32>
    %swap3A_115 = vector.shape_cast %div3A_109 : vector<4096x1xf32> to vector<1x4096x1xf32>
    tpu.vector_store %arg4[%swap3A_110, %swap3A_111, %swap3A_112], %swap3A_115 {strides = array<i32>} : memref<1x4096x3xf32, #tpu.memory_space<vmem>>, vector<1x4096x1xf32>,
    %div3A_116 = arith.divf %div3A_99, %add3A_101 : vector<4096x1xf32>
    %swap3A_117 = arith.constant 0 : index
    %swap3A_118 = arith.constant 0 : index
    %swap3A_119 = arith.constant 2 : index
    %swap3A_120 = vector.load %arg4[%swap3A_117, %swap3A_118, %swap3A_119] : memref<1x4096x3xf32, #tpu.memory_space<vmem>>, vector<1x4096x1xf32>
    %swap3A_121 = vector.shape_cast %swap3A_120 : vector<1x4096x1xf32> to vector<4096x1xf32>
    %swap3A_122 = vector.shape_cast %div3A_116 : vector<4096x1xf32> to vector<1x4096x1xf32>
    tpu.vector_store %arg4[%swap3A_117, %swap3A_118, %swap3A_119], %swap3A_122 {strides = array<i32>} : memref<1x4096x3xf32, #tpu.memory_space<vmem>>, vector<1x4096x1xf32>,
    return
  }
  func.func @transform_0(%arg0: i32) -> (i32, i32, i32) {
    %c0_i32 = arith.constant 0 : i32
    %c0_i32_0 = arith.constant 0 : i32
    %c0_i32_1 = arith.constant 0 : i32
    return %arg0, %c0_i32, %c0_i32_0 : i32, i32, i32
  }
  func.func @transform_1(%arg0: i32) -> (i32, i32, i32) {
    %c0_i32 = arith.constant 0 : i32
    %c0_i32_0 = arith.constant 0 : i32
    %c0_i32_1 = arith.constant 0 : i32
    return %arg0, %c0_i32, %c0_i32_0 : i32, i32, i32
  }
  func.func @transform_2(%arg0: i32) -> (i32, i32, i32) {
    %c0_i32 = arith.constant 0 : i32
    %c0_i32_0 = arith.constant 0 : i32
    %c0_i32_1 = arith.constant 0 : i32
    return %arg0, %c0_i32, %c0_i32_0 : i32, i32, i32
  }
  func.func @transform_3(%arg0: i32) -> (i32, i32, i32) {
    %c0_i32 = arith.constant 0 : i32
    %c0_i32_0 = arith.constant 0 : i32
    %c0_i32_1 = arith.constant 0 : i32
    return %arg0, %c0_i32, %c0_i32_0 : i32, i32, i32
  }
}

module attributes {stable_mosaic.version = 14 : i64} {
  func.func @_stage_mlp0(%arg0: i32, %arg1: memref<1x128x4096xf32, #tpu.memory_space<vmem>>, %arg2: memref<1x4096x256xf32, #tpu.memory_space<vmem>>, %arg3: memref<256x384xf32, #tpu.memory_space<vmem>>, %arg4: memref<256x1xf32, #tpu.memory_space<vmem>>, %arg5: memref<1x256x4096xf32, #tpu.memory_space<vmem>>, %arg6: memref<256x1xf32, #tpu.memory_space<vmem>>, %arg7: memref<256x1xf32, #tpu.memory_space<vmem>>) attributes {dimension_semantics = [#tpu.dimension_semantics<arbitrary>], iteration_bounds = array<i64: 8>, scalar_prefetch = 0 : i64, scratch_operands = 0 : i64, tpu.core_type = #tpu.core_type<tc>, window_params = [{transform_indices = @transform_0, window_bounds = array<i64: 1, 128, 4096>}, {transform_indices = @transform_1, window_bounds = array<i64: 1, 4096, 256>}, {pipeline_mode = #tpu.pipeline_mode<synchronous>, transform_indices = @transform_2, window_bounds = array<i64: 256, 384>}, {pipeline_mode = #tpu.pipeline_mode<synchronous>, transform_indices = @transform_3, window_bounds = array<i64: 256, 1>}, {transform_indices = @transform_4, window_bounds = array<i64: 1, 256, 4096>}, {pipeline_mode = #tpu.pipeline_mode<synchronous>, transform_indices = @transform_5, window_bounds = array<i64: 256, 1>}, {pipeline_mode = #tpu.pipeline_mode<synchronous>, transform_indices = @transform_6, window_bounds = array<i64: 256, 1>}]} {
    %eq3A = arith.constant 0 : i32
    %eq3A_0 = arith.cmpi eq, %arg0, %eq3A : i32
    %convert_element_type3A = arith.extui %eq3A_0 : i1 to i32
    %cond3A = arith.constant 0 : i32
    %cond3A_1 = arith.cmpi ne, %convert_element_type3A, %cond3A : i32
    scf.if %cond3A_1 {
      %broadcast_in_dim3A_48 = arith.constant 0.000000e+00 : f32
      %broadcast_in_dim3A_49 = vector.broadcast %broadcast_in_dim3A_48 : f32 to vector<256x1xf32>
      %swap3A_50 = arith.constant 0 : index
      %swap3A_51 = arith.constant 0 : index
      %swap3A_52 = vector.load %arg6[%swap3A_50, %swap3A_51] : memref<256x1xf32, #tpu.memory_space<vmem>>, vector<256x1xf32>
      tpu.vector_store %arg6[%swap3A_50, %swap3A_51], %broadcast_in_dim3A_49 {strides = array<i32>} : memref<256x1xf32, #tpu.memory_space<vmem>>, vector<256x1xf32>,
      %broadcast_in_dim3A_53 = arith.constant 0.000000e+00 : f32
      %broadcast_in_dim3A_54 = vector.broadcast %broadcast_in_dim3A_53 : f32 to vector<256x1xf32>
      %swap3A_55 = arith.constant 0 : index
      %swap3A_56 = arith.constant 0 : index
      %swap3A_57 = vector.load %arg7[%swap3A_55, %swap3A_56] : memref<256x1xf32, #tpu.memory_space<vmem>>, vector<256x1xf32>
      tpu.vector_store %arg7[%swap3A_55, %swap3A_56], %broadcast_in_dim3A_54 {strides = array<i32>} : memref<256x1xf32, #tpu.memory_space<vmem>>, vector<256x1xf32>,
    } else {
    }
    %get3A = arith.constant 0 : index
    %get3A_2 = arith.constant 0 : index
    %get3A_3 = arith.constant 0 : index
    %get3A_4 = vector.load %arg2[%get3A, %get3A_2, %get3A_3] : memref<1x4096x256xf32, #tpu.memory_space<vmem>>, vector<1x4096x256xf32>
    %get3A_5 = vector.shape_cast %get3A_4 : vector<1x4096x256xf32> to vector<4096x256xf32>
    %get3A_6 = arith.constant 0 : index
    %get3A_7 = arith.constant 0 : index
    %get3A_8 = arith.constant 0 : index
    %get3A_9 = vector.load %arg1[%get3A_6, %get3A_7, %get3A_8] : memref<1x128x4096xf32, #tpu.memory_space<vmem>>, vector<1x128x4096xf32>
    %get3A_10 = vector.shape_cast %get3A_9 : vector<1x128x4096xf32> to vector<128x4096xf32>
    %get3A_11 = arith.constant 0 : index
    %get3A_12 = arith.constant 0 : index
    %get3A_13 = vector.load %arg3[%get3A_11, %get3A_12] : memref<256x384xf32, #tpu.memory_space<vmem>>, vector<256x128xf32>
    %get3A_14 = arith.constant 0 : index
    %get3A_15 = arith.constant 128 : index
    %get3A_16 = vector.load %arg3[%get3A_14, %get3A_15] : memref<256x384xf32, #tpu.memory_space<vmem>>, vector<256x256xf32>
    %dot_general3A = arith.constant dense<0.000000e+00> : vector<256x4096xf32>
    %dot_general3A_17 = tpu.matmul %get3A_13, %get3A_10, %dot_general3A {dimension_numbers = #tpu.dot_dimension_numbers<[1], [0], [0], [1], [0, 0, 1, 1], [], []>, transpose_lhs_hint = false} : vector<256x128xf32>, vector<128x4096xf32>, vector<256x4096xf32> -> vector<256x4096xf32>
    %dot_general3A_18 = arith.constant dense<0.000000e+00> : vector<256x4096xf32>
    %dot_general3A_19 = tpu.matmul %get3A_16, %get3A_5, %dot_general3A_18 {dimension_numbers = #tpu.dot_dimension_numbers<[1], [1], [0], [0], [0, 0, 1, 0], [], []>, transpose_lhs_hint = false} : vector<256x256xf32>, vector<4096x256xf32>, vector<256x4096xf32> -> vector<256x4096xf32>
    %add3A = arith.addf %dot_general3A_17, %dot_general3A_19 : vector<256x4096xf32>
    %get3A_20 = arith.constant 0 : index
    %get3A_21 = arith.constant 0 : index
    %get3A_22 = vector.load %arg4[%get3A_20, %get3A_21] : memref<256x1xf32, #tpu.memory_space<vmem>>, vector<256x1xf32>
    %add3A_23 = vector.broadcast %get3A_22 : vector<256x1xf32> to vector<256x4096xf32>
    %add3A_24 = arith.addf %add3A, %add3A_23 : vector<256x4096xf32>
    %swap3A = arith.constant 0 : index
    %swap3A_25 = arith.constant 0 : index
    %swap3A_26 = arith.constant 0 : index
    %swap3A_27 = vector.load %arg5[%swap3A, %swap3A_25, %swap3A_26] : memref<1x256x4096xf32, #tpu.memory_space<vmem>>, vector<1x256x4096xf32>
    %swap3A_28 = vector.shape_cast %swap3A_27 : vector<1x256x4096xf32> to vector<256x4096xf32>
    %swap3A_29 = vector.shape_cast %add3A_24 : vector<256x4096xf32> to vector<1x256x4096xf32>
    tpu.vector_store %arg5[%swap3A, %swap3A_25, %swap3A_26], %swap3A_29 {strides = array<i32>} : memref<1x256x4096xf32, #tpu.memory_space<vmem>>, vector<1x256x4096xf32>,
    %get3A_30 = arith.constant 0 : index
    %get3A_31 = arith.constant 0 : index
    %get3A_32 = vector.load %arg6[%get3A_30, %get3A_31] : memref<256x1xf32, #tpu.memory_space<vmem>>, vector<256x1xf32>
    %reduce_sum3A = arith.constant dense<0.000000e+00> : vector<256xf32>
    %reduce_sum3A_33 = vector.multi_reduction <add>, %add3A_24, %reduce_sum3A [1] : vector<256x4096xf32> to vector<256xf32>
    %broadcast_in_dim3A = vector.shape_cast %reduce_sum3A_33 : vector<256xf32> to vector<256x1xf32>
    %add3A_34 = arith.addf %get3A_32, %broadcast_in_dim3A : vector<256x1xf32>
    %swap3A_35 = arith.constant 0 : index
    %swap3A_36 = arith.constant 0 : index
    %swap3A_37 = vector.load %arg6[%swap3A_35, %swap3A_36] : memref<256x1xf32, #tpu.memory_space<vmem>>, vector<256x1xf32>
    tpu.vector_store %arg6[%swap3A_35, %swap3A_36], %add3A_34 {strides = array<i32>} : memref<256x1xf32, #tpu.memory_space<vmem>>, vector<256x1xf32>,
    %get3A_38 = arith.constant 0 : index
    %get3A_39 = arith.constant 0 : index
    %get3A_40 = vector.load %arg7[%get3A_38, %get3A_39] : memref<256x1xf32, #tpu.memory_space<vmem>>, vector<256x1xf32>
    %mul3A = arith.mulf %add3A_24, %add3A_24 : vector<256x4096xf32>
    %reduce_sum3A_41 = arith.constant dense<0.000000e+00> : vector<256xf32>
    %reduce_sum3A_42 = vector.multi_reduction <add>, %mul3A, %reduce_sum3A_41 [1] : vector<256x4096xf32> to vector<256xf32>
    %broadcast_in_dim3A_43 = vector.shape_cast %reduce_sum3A_42 : vector<256xf32> to vector<256x1xf32>
    %add3A_44 = arith.addf %get3A_40, %broadcast_in_dim3A_43 : vector<256x1xf32>
    %swap3A_45 = arith.constant 0 : index
    %swap3A_46 = arith.constant 0 : index
    %swap3A_47 = vector.load %arg7[%swap3A_45, %swap3A_46] : memref<256x1xf32, #tpu.memory_space<vmem>>, vector<256x1xf32>
    tpu.vector_store %arg7[%swap3A_45, %swap3A_46], %add3A_44 {strides = array<i32>} : memref<256x1xf32, #tpu.memory_space<vmem>>, vector<256x1xf32>,
    return
  }
  func.func @transform_0(%arg0: i32) -> (i32, i32, i32) {
    %c0_i32 = arith.constant 0 : i32
    %c0_i32_0 = arith.constant 0 : i32
    %c0_i32_1 = arith.constant 0 : i32
    return %arg0, %c0_i32, %c0_i32_0 : i32, i32, i32
  }
  func.func @transform_1(%arg0: i32) -> (i32, i32, i32) {
    %c0_i32 = arith.constant 0 : i32
    %c0_i32_0 = arith.constant 0 : i32
    %c0_i32_1 = arith.constant 0 : i32
    return %arg0, %c0_i32, %c0_i32_0 : i32, i32, i32
  }
  func.func @transform_2(%arg0: i32) -> (i32, i32) {
    %c0_i32 = arith.constant 0 : i32
    %c0_i32_0 = arith.constant 0 : i32
    %c0_i32_1 = arith.constant 0 : i32
    return %c0_i32, %c0_i32_0 : i32, i32
  }
  func.func @transform_3(%arg0: i32) -> (i32, i32) {
    %c0_i32 = arith.constant 0 : i32
    %c0_i32_0 = arith.constant 0 : i32
    %c0_i32_1 = arith.constant 0 : i32
    return %c0_i32, %c0_i32_0 : i32, i32
  }
  func.func @transform_4(%arg0: i32) -> (i32, i32, i32) {
    %c0_i32 = arith.constant 0 : i32
    %c0_i32_0 = arith.constant 0 : i32
    %c0_i32_1 = arith.constant 0 : i32
    return %arg0, %c0_i32, %c0_i32_0 : i32, i32, i32
  }
  func.func @transform_5(%arg0: i32) -> (i32, i32) {
    %c0_i32 = arith.constant 0 : i32
    %c0_i32_0 = arith.constant 0 : i32
    %c0_i32_1 = arith.constant 0 : i32
    return %c0_i32, %c0_i32_0 : i32, i32
  }
  func.func @transform_6(%arg0: i32) -> (i32, i32) {
    %c0_i32 = arith.constant 0 : i32
    %c0_i32_0 = arith.constant 0 : i32
    %c0_i32_1 = arith.constant 0 : i32
    return %c0_i32, %c0_i32_0 : i32, i32
  }
}

module attributes {stable_mosaic.version = 14 : i64} {
  func.func @_stage_mlp1(%arg0: i32, %arg1: memref<1x256x4096xf32, #tpu.memory_space<vmem>>, %arg2: memref<256x1xf32, #tpu.memory_space<vmem>>, %arg3: memref<256x1xf32, #tpu.memory_space<vmem>>, %arg4: memref<256x256xf32, #tpu.memory_space<vmem>>, %arg5: memref<256x1xf32, #tpu.memory_space<vmem>>, %arg6: memref<1x256x4096xf32, #tpu.memory_space<vmem>>, %arg7: memref<256x1xf32, #tpu.memory_space<vmem>>, %arg8: memref<256x1xf32, #tpu.memory_space<vmem>>) attributes {dimension_semantics = [#tpu.dimension_semantics<arbitrary>], iteration_bounds = array<i64: 8>, scalar_prefetch = 0 : i64, scratch_operands = 0 : i64, tpu.core_type = #tpu.core_type<tc>, window_params = [{transform_indices = @transform_0, window_bounds = array<i64: 1, 256, 4096>}, {pipeline_mode = #tpu.pipeline_mode<synchronous>, transform_indices = @transform_1, window_bounds = array<i64: 256, 1>}, {pipeline_mode = #tpu.pipeline_mode<synchronous>, transform_indices = @transform_2, window_bounds = array<i64: 256, 1>}, {pipeline_mode = #tpu.pipeline_mode<synchronous>, transform_indices = @transform_3, window_bounds = array<i64: 256, 256>}, {pipeline_mode = #tpu.pipeline_mode<synchronous>, transform_indices = @transform_4, window_bounds = array<i64: 256, 1>}, {transform_indices = @transform_5, window_bounds = array<i64: 1, 256, 4096>}, {pipeline_mode = #tpu.pipeline_mode<synchronous>, transform_indices = @transform_6, window_bounds = array<i64: 256, 1>}, {pipeline_mode = #tpu.pipeline_mode<synchronous>, transform_indices = @transform_7, window_bounds = array<i64: 256, 1>}]} {
    %eq3A = arith.constant 0 : i32
    %eq3A_0 = arith.cmpi eq, %arg0, %eq3A : i32
    %convert_element_type3A = arith.extui %eq3A_0 : i1 to i32
    %cond3A = arith.constant 0 : i32
    %cond3A_1 = arith.cmpi ne, %convert_element_type3A, %cond3A : i32
    scf.if %cond3A_1 {
      %broadcast_in_dim3A_49 = arith.constant 0.000000e+00 : f32
      %broadcast_in_dim3A_50 = vector.broadcast %broadcast_in_dim3A_49 : f32 to vector<256x1xf32>
      %swap3A_51 = arith.constant 0 : index
      %swap3A_52 = arith.constant 0 : index
      %swap3A_53 = vector.load %arg7[%swap3A_51, %swap3A_52] : memref<256x1xf32, #tpu.memory_space<vmem>>, vector<256x1xf32>
      tpu.vector_store %arg7[%swap3A_51, %swap3A_52], %broadcast_in_dim3A_50 {strides = array<i32>} : memref<256x1xf32, #tpu.memory_space<vmem>>, vector<256x1xf32>,
      %broadcast_in_dim3A_54 = arith.constant 0.000000e+00 : f32
      %broadcast_in_dim3A_55 = vector.broadcast %broadcast_in_dim3A_54 : f32 to vector<256x1xf32>
      %swap3A_56 = arith.constant 0 : index
      %swap3A_57 = arith.constant 0 : index
      %swap3A_58 = vector.load %arg8[%swap3A_56, %swap3A_57] : memref<256x1xf32, #tpu.memory_space<vmem>>, vector<256x1xf32>
      tpu.vector_store %arg8[%swap3A_56, %swap3A_57], %broadcast_in_dim3A_55 {strides = array<i32>} : memref<256x1xf32, #tpu.memory_space<vmem>>, vector<256x1xf32>,
    } else {
    }
    %get3A = arith.constant 0 : index
    %get3A_2 = arith.constant 0 : index
    %get3A_3 = arith.constant 0 : index
    %get3A_4 = vector.load %arg1[%get3A, %get3A_2, %get3A_3] : memref<1x256x4096xf32, #tpu.memory_space<vmem>>, vector<1x256x4096xf32>
    %get3A_5 = vector.shape_cast %get3A_4 : vector<1x256x4096xf32> to vector<256x4096xf32>
    %get3A_6 = arith.constant 0 : index
    %get3A_7 = arith.constant 0 : index
    %get3A_8 = vector.load %arg2[%get3A_6, %get3A_7] : memref<256x1xf32, #tpu.memory_space<vmem>>, vector<256x1xf32>
    %mul3A = vector.broadcast %get3A_8 : vector<256x1xf32> to vector<256x4096xf32>
    %mul3A_9 = arith.mulf %get3A_5, %mul3A : vector<256x4096xf32>
    %get3A_10 = arith.constant 0 : index
    %get3A_11 = arith.constant 0 : index
    %get3A_12 = vector.load %arg3[%get3A_10, %get3A_11] : memref<256x1xf32, #tpu.memory_space<vmem>>, vector<256x1xf32>
    %add3A = vector.broadcast %get3A_12 : vector<256x1xf32> to vector<256x4096xf32>
    %add3A_13 = arith.addf %mul3A_9, %add3A : vector<256x4096xf32>
    %max3A = arith.constant 0.000000e+00 : f32
    %max3A_14 = vector.broadcast %max3A : f32 to vector<256x4096xf32>
    %max3A_15 = arith.maximumf %add3A_13, %max3A_14 : vector<256x4096xf32>
    %get3A_16 = arith.constant 0 : index
    %get3A_17 = arith.constant 0 : index
    %get3A_18 = vector.load %arg4[%get3A_16, %get3A_17] : memref<256x256xf32, #tpu.memory_space<vmem>>, vector<256x256xf32>
    %dot_general3A = arith.constant dense<0.000000e+00> : vector<256x4096xf32>
    %dot_general3A_19 = tpu.matmul %get3A_18, %max3A_15, %dot_general3A {dimension_numbers = #tpu.dot_dimension_numbers<[1], [0], [0], [1], [0, 0, 1, 1], [], []>, transpose_lhs_hint = false} : vector<256x256xf32>, vector<256x4096xf32>, vector<256x4096xf32> -> vector<256x4096xf32>
    %get3A_20 = arith.constant 0 : index
    %get3A_21 = arith.constant 0 : index
    %get3A_22 = vector.load %arg5[%get3A_20, %get3A_21] : memref<256x1xf32, #tpu.memory_space<vmem>>, vector<256x1xf32>
    %add3A_23 = vector.broadcast %get3A_22 : vector<256x1xf32> to vector<256x4096xf32>
    %add3A_24 = arith.addf %dot_general3A_19, %add3A_23 : vector<256x4096xf32>
    %swap3A = arith.constant 0 : index
    %swap3A_25 = arith.constant 0 : index
    %swap3A_26 = arith.constant 0 : index
    %swap3A_27 = vector.load %arg6[%swap3A, %swap3A_25, %swap3A_26] : memref<1x256x4096xf32, #tpu.memory_space<vmem>>, vector<1x256x4096xf32>
    %swap3A_28 = vector.shape_cast %swap3A_27 : vector<1x256x4096xf32> to vector<256x4096xf32>
    %swap3A_29 = vector.shape_cast %add3A_24 : vector<256x4096xf32> to vector<1x256x4096xf32>
    tpu.vector_store %arg6[%swap3A, %swap3A_25, %swap3A_26], %swap3A_29 {strides = array<i32>} : memref<1x256x4096xf32, #tpu.memory_space<vmem>>, vector<1x256x4096xf32>,
    %get3A_30 = arith.constant 0 : index
    %get3A_31 = arith.constant 0 : index
    %get3A_32 = vector.load %arg7[%get3A_30, %get3A_31] : memref<256x1xf32, #tpu.memory_space<vmem>>, vector<256x1xf32>
    %reduce_sum3A = arith.constant dense<0.000000e+00> : vector<256xf32>
    %reduce_sum3A_33 = vector.multi_reduction <add>, %add3A_24, %reduce_sum3A [1] : vector<256x4096xf32> to vector<256xf32>
    %broadcast_in_dim3A = vector.shape_cast %reduce_sum3A_33 : vector<256xf32> to vector<256x1xf32>
    %add3A_34 = arith.addf %get3A_32, %broadcast_in_dim3A : vector<256x1xf32>
    %swap3A_35 = arith.constant 0 : index
    %swap3A_36 = arith.constant 0 : index
    %swap3A_37 = vector.load %arg7[%swap3A_35, %swap3A_36] : memref<256x1xf32, #tpu.memory_space<vmem>>, vector<256x1xf32>
    tpu.vector_store %arg7[%swap3A_35, %swap3A_36], %add3A_34 {strides = array<i32>} : memref<256x1xf32, #tpu.memory_space<vmem>>, vector<256x1xf32>,
    %get3A_38 = arith.constant 0 : index
    %get3A_39 = arith.constant 0 : index
    %get3A_40 = vector.load %arg8[%get3A_38, %get3A_39] : memref<256x1xf32, #tpu.memory_space<vmem>>, vector<256x1xf32>
    %mul3A_41 = arith.mulf %add3A_24, %add3A_24 : vector<256x4096xf32>
    %reduce_sum3A_42 = arith.constant dense<0.000000e+00> : vector<256xf32>
    %reduce_sum3A_43 = vector.multi_reduction <add>, %mul3A_41, %reduce_sum3A_42 [1] : vector<256x4096xf32> to vector<256xf32>
    %broadcast_in_dim3A_44 = vector.shape_cast %reduce_sum3A_43 : vector<256xf32> to vector<256x1xf32>
    %add3A_45 = arith.addf %get3A_40, %broadcast_in_dim3A_44 : vector<256x1xf32>
    %swap3A_46 = arith.constant 0 : index
    %swap3A_47 = arith.constant 0 : index
    %swap3A_48 = vector.load %arg8[%swap3A_46, %swap3A_47] : memref<256x1xf32, #tpu.memory_space<vmem>>, vector<256x1xf32>
    tpu.vector_store %arg8[%swap3A_46, %swap3A_47], %add3A_45 {strides = array<i32>} : memref<256x1xf32, #tpu.memory_space<vmem>>, vector<256x1xf32>,
    return
  }
  func.func @transform_0(%arg0: i32) -> (i32, i32, i32) {
    %c0_i32 = arith.constant 0 : i32
    %c0_i32_0 = arith.constant 0 : i32
    %c0_i32_1 = arith.constant 0 : i32
    return %arg0, %c0_i32, %c0_i32_0 : i32, i32, i32
  }
  func.func @transform_1(%arg0: i32) -> (i32, i32) {
    %c0_i32 = arith.constant 0 : i32
    %c0_i32_0 = arith.constant 0 : i32
    %c0_i32_1 = arith.constant 0 : i32
    return %c0_i32, %c0_i32_0 : i32, i32
  }
  func.func @transform_2(%arg0: i32) -> (i32, i32) {
    %c0_i32 = arith.constant 0 : i32
    %c0_i32_0 = arith.constant 0 : i32
    %c0_i32_1 = arith.constant 0 : i32
    return %c0_i32, %c0_i32_0 : i32, i32
  }
  func.func @transform_3(%arg0: i32) -> (i32, i32) {
    %c0_i32 = arith.constant 0 : i32
    %c0_i32_0 = arith.constant 0 : i32
    %c0_i32_1 = arith.constant 0 : i32
    return %c0_i32, %c0_i32_0 : i32, i32
  }
  func.func @transform_4(%arg0: i32) -> (i32, i32) {
    %c0_i32 = arith.constant 0 : i32
    %c0_i32_0 = arith.constant 0 : i32
    %c0_i32_1 = arith.constant 0 : i32
    return %c0_i32, %c0_i32_0 : i32, i32
  }
  func.func @transform_5(%arg0: i32) -> (i32, i32, i32) {
    %c0_i32 = arith.constant 0 : i32
    %c0_i32_0 = arith.constant 0 : i32
    %c0_i32_1 = arith.constant 0 : i32
    return %arg0, %c0_i32, %c0_i32_0 : i32, i32, i32
  }
  func.func @transform_6(%arg0: i32) -> (i32, i32) {
    %c0_i32 = arith.constant 0 : i32
    %c0_i32_0 = arith.constant 0 : i32
    %c0_i32_1 = arith.constant 0 : i32
    return %c0_i32, %c0_i32_0 : i32, i32
  }
  func.func @transform_7(%arg0: i32) -> (i32, i32) {
    %c0_i32 = arith.constant 0 : i32
    %c0_i32_0 = arith.constant 0 : i32
    %c0_i32_1 = arith.constant 0 : i32
    return %c0_i32, %c0_i32_0 : i32, i32
  }
}

module attributes {stable_mosaic.version = 14 : i64} {
  func.func @_stage_out(%arg0: i32, %arg1: memref<1x256x4096xf32, #tpu.memory_space<vmem>>, %arg2: memref<256x1xf32, #tpu.memory_space<vmem>>, %arg3: memref<256x1xf32, #tpu.memory_space<vmem>>, %arg4: memref<1x256x4096xf32, #tpu.memory_space<vmem>>) attributes {dimension_semantics = [#tpu.dimension_semantics<arbitrary>], iteration_bounds = array<i64: 8>, scalar_prefetch = 0 : i64, scratch_operands = 0 : i64, tpu.core_type = #tpu.core_type<tc>, window_params = [{transform_indices = @transform_0, window_bounds = array<i64: 1, 256, 4096>}, {pipeline_mode = #tpu.pipeline_mode<synchronous>, transform_indices = @transform_1, window_bounds = array<i64: 256, 1>}, {pipeline_mode = #tpu.pipeline_mode<synchronous>, transform_indices = @transform_2, window_bounds = array<i64: 256, 1>}, {transform_indices = @transform_3, window_bounds = array<i64: 1, 256, 4096>}]} {
    %get3A = arith.constant 0 : index
    %get3A_0 = arith.constant 0 : index
    %get3A_1 = arith.constant 0 : index
    %get3A_2 = vector.load %arg1[%get3A, %get3A_0, %get3A_1] : memref<1x256x4096xf32, #tpu.memory_space<vmem>>, vector<1x256x4096xf32>
    %get3A_3 = vector.shape_cast %get3A_2 : vector<1x256x4096xf32> to vector<256x4096xf32>
    %get3A_4 = arith.constant 0 : index
    %get3A_5 = arith.constant 0 : index
    %get3A_6 = vector.load %arg2[%get3A_4, %get3A_5] : memref<256x1xf32, #tpu.memory_space<vmem>>, vector<256x1xf32>
    %mul3A = vector.broadcast %get3A_6 : vector<256x1xf32> to vector<256x4096xf32>
    %mul3A_7 = arith.mulf %get3A_3, %mul3A : vector<256x4096xf32>
    %get3A_8 = arith.constant 0 : index
    %get3A_9 = arith.constant 0 : index
    %get3A_10 = vector.load %arg3[%get3A_8, %get3A_9] : memref<256x1xf32, #tpu.memory_space<vmem>>, vector<256x1xf32>
    %add3A = vector.broadcast %get3A_10 : vector<256x1xf32> to vector<256x4096xf32>
    %add3A_11 = arith.addf %mul3A_7, %add3A : vector<256x4096xf32>
    %max3A = arith.constant 0.000000e+00 : f32
    %max3A_12 = vector.broadcast %max3A : f32 to vector<256x4096xf32>
    %max3A_13 = arith.maximumf %add3A_11, %max3A_12 : vector<256x4096xf32>
    %swap3A = arith.constant 0 : index
    %swap3A_14 = arith.constant 0 : index
    %swap3A_15 = arith.constant 0 : index
    %swap3A_16 = vector.load %arg4[%swap3A, %swap3A_14, %swap3A_15] : memref<1x256x4096xf32, #tpu.memory_space<vmem>>, vector<1x256x4096xf32>
    %swap3A_17 = vector.shape_cast %swap3A_16 : vector<1x256x4096xf32> to vector<256x4096xf32>
    %swap3A_18 = vector.shape_cast %max3A_13 : vector<256x4096xf32> to vector<1x256x4096xf32>
    tpu.vector_store %arg4[%swap3A, %swap3A_14, %swap3A_15], %swap3A_18 {strides = array<i32>} : memref<1x256x4096xf32, #tpu.memory_space<vmem>>, vector<1x256x4096xf32>,
    return
  }
  func.func @transform_0(%arg0: i32) -> (i32, i32, i32) {
    %c0_i32 = arith.constant 0 : i32
    %c0_i32_0 = arith.constant 0 : i32
    %c0_i32_1 = arith.constant 0 : i32
    return %arg0, %c0_i32, %c0_i32_0 : i32, i32, i32
  }
  func.func @transform_1(%arg0: i32) -> (i32, i32) {
    %c0_i32 = arith.constant 0 : i32
    %c0_i32_0 = arith.constant 0 : i32
    %c0_i32_1 = arith.constant 0 : i32
    return %c0_i32, %c0_i32_0 : i32, i32
  }
  func.func @transform_2(%arg0: i32) -> (i32, i32) {
    %c0_i32 = arith.constant 0 : i32
    %c0_i32_0 = arith.constant 0 : i32
    %c0_i32_1 = arith.constant 0 : i32
    return %c0_i32, %c0_i32_0 : i32, i32
  }
  func.func @transform_3(%arg0: i32) -> (i32, i32, i32) {
    %c0_i32 = arith.constant 0 : i32
    %c0_i32_0 = arith.constant 0 : i32
    %c0_i32_1 = arith.constant 0 : i32
    return %arg0, %c0_i32, %c0_i32_0 : i32, i32, i32
  }
}

</mosaic_0001>

<sc_bundles>
// kernel: kernel.7.cloned.1.call-start
scs
__scs_entry_jumppad:
0x0: {  	(pc) =	sbr.rel $0x88, $3  }
0x1: {  	(tag) =	ssettag $0x0;
	lr =	simm.s32 $0x1  }
0x2: {  	[smem:$0x3F95] =	sst lr;
	_ =	strace $0xD0000000  }
0x3: {  	_ = 	snop  }
0x4: {  	_ = 	snop  }
0x5: {  	_ = 	snop  }
0x6: {  	_ = 	snop  }
0x7: {  	_ = 	snop  }
__scs_overlays_trampoline_lowered:
0x8: {  	[smem:$0x3FA4] =	sst s0  }
0x9: {  	[smem:$0x3FA5] =	sst s1  }
0xa: {  	[smem:$0x3FA6] =	sst s2  }
0xb: {  	[smem:$0x3FA7] =	sst s3  }
0xc: {  	[smem:$0x3FA8] =	sst s4  }
0xd: {  	[smem:$0x3FA9] =	sst s5  }
0xe: {  	[smem:$0x3FAA] =	sst s6  }
0xf: {  	[smem:$0x3FAB] =	sst s7  }
0x10: {  	[smem:$0x3FAC] =	sst s8  }
0x11: {  	[smem:$0x3FAD] =	sst s9;
	s0 =	simm.s32 @!p0 $0x0  }
0x12: {  	s1 =	sld [smem:$0x3F93];
	s0 =	simm.s32 @p0 $0x1  }
0x13: {  	[smem:$0x3FAE] =	sst s0;
	s0 =	simm.s32 @!p1 $0x0  }
0x14: {  	s2 =	sld [smem:$0x3F92];
	s0 =	simm.s32 @p1 $0x1  }
0x15: {  	[smem:$0x3FAF] =	sst s0;
	s0 =	simm.s32 @!p2 $0x0  }
0x16: {  	s3 =	sld [smem:$0x3FDB];
	s0 =	simm.s32 @p2 $0x1  }
0x17: {  	s4 =	simm.s32 $0x1BF5;
	[smem:$0x3FB1] =	sst s0  }
0x18: {  	s0 =	sld [smem:$0x3F94];
	_ =	swait.ge [sflag:s4], $0x0  }
0x19: {  	s7 =	sld [smem:$0x3F95]  }
0x1a: {  	s8 =	sadd.s32 $0xFFFFE003, lr  }
0x1b: {  	s9 =	sadd.s32 $0xFFFFFEF7, lr;
	s5 =	simm.s32 $0xFFFFFFFF;
	p2 =	slt.u32 s8, $0xFFFFF086  }
0x1c: {  	p1 =	slt.u32 s9, $0xF7A;
	s5 =	simm.s32 @!p2 $0x0  }
0x1d: {  	s5 =	simm.s32 @p1 $0x1;
	p0 =	seq.s32 s7, s2  }
0x1e: {  	s7 =	smul.u32 @!p0 $0xF7A, s2;
	p2 =	seq.s32 @!p0 s5, $0x0  }
0x1f: {  	s9 =	smul.u32 $0xF7A, s1;
	s8 =	simm.s32 @!p0 $0x1BF5;
	p2 =	por !p2, p0  }
0x20: {  	[sflag:s8] =	ssyncset.s32 @!p0 $0xFFFFF086;
	s6 =	sadd.s32 @!p0 s3, s7;
	s7 =	simm.s32 @!p0 $0x108  }
0x21: {  	s3 =	sadd.s32 s3, s9;
	s6 =	sadd.s32 @!p0 $0x88, s6;
	s7 =	simm.s32 @p2 $0x1082  }
0x22: {  	[simem:s7], [sflag:s8] =	dma.local @!p0 [hbm:s6], $0xF7A  }
0x23: {  	s9 =	sor.u32 $0xD0000000, s2;
	s6 =	simm.s32 $0x108;
	_ =	swait.ge @!p0 [sflag:s8], $0x0  }
0x24: {  	s3 =	sadd.s32 $0x88, s3;
	s6 =	simm.s32 @!p1 $0x1082;
	[sflag:s4] =	ssyncset.s32 $0xFFFFF086  }
0x25: {  	[simem:s6], [sflag:s4] =	dma.local [hbm:s3], $0xF7A  }
0x26: {  	[smem:$0x3F95] =	sst s1;
	(tag) =	ssettag s2;
	_ =	strace s9  }
0x27: {  	s1 =	sld [smem:$0x3FA5]  }
0x28: {  	s2 =	sld [smem:$0x3FA6]  }
0x29: {  	s4 =	sld [smem:$0x3FA8]  }
0x2a: {  	p0 =	seq.s32 s5, $0x0;
	s5 =	sld [smem:$0x3FA9]  }
0x2b: {  	s6 =	sld [smem:$0x3FAA]  }
0x2c: {  	s7 =	sld [smem:$0x3FAB]  }
0x2d: {  	s3 =	simm.s32 $0x108;
	s8 =	sld [smem:$0x3FAC]  }
0x2e: {  	s3 =	simm.s32 @!p0 $0x1082;
	s9 =	sld [smem:$0x3FAD]  }
0x2f: {  	lr =	sadd.s32 s0, s3;
	s0 =	sld [smem:$0x3FA4]  }
0x30: {  	s3 =	sld [smem:$0x3FA7]  }
0x31: {  	[smem:$0x3FB0] =	sst s10  }
0x32: {  	s10 =	sld [smem:$0x3FAE];
	_ =	sdelay $0x3  }
0x33: {  	p0 =	seq.s32 s10, $0x1;
	s10 =	sld [smem:$0x3FB0];
	_ =	sdelay $0x3  }
0x34: {  	[smem:$0x3FB0] =	sst s10  }
0x35: {  	s10 =	sld [smem:$0x3FAF];
	_ =	sdelay $0x3  }
0x36: {  	p1 =	seq.s32 s10, $0x1;
	s10 =	sld [smem:$0x3FB0];
	_ =	sdelay $0x3  }
0x37: {  	[smem:$0x3FB0] =	sst s10  }
0x38: {  	s10 =	sld [smem:$0x3FB1]  }
0x39: {  	_ = 	snop;
	(pc) =	sbr.ind lr, $3  }
0x3a: {  	_ = 	snop  }
0x3b: {  	_ = 	snop  }
0x3c: {  	p2 =	seq.s32 s10, $0x1;
	s10 =	sld [smem:$0x3FB0]  }
0x3d: {  	_ =	shalt  }
0x3e: {  	_ =	shalt  }
0x3f: {  	_ =	shalt  }
0x40: {  	_ =	shalt  }
0x41: {  	_ =	shalt  }
0x42: {  	_ =	shalt  }
0x43: {  	_ =	shalt  }
0x44: {  	_ =	shalt  }
0x45: {  	_ =	shalt  }
0x46: {  	_ =	shalt  }
0x47: {  	_ =	shalt  }
0x48: {  	_ =	shalt  }
0x49: {  	_ =	shalt  }
0x4a: {  	_ =	shalt  }
0x4b: {  	_ =	shalt  }
0x4c: {  	_ =	shalt  }
0x4d: {  	_ =	shalt  }
0x4e: {  	_ =	shalt  }
0x4f: {  	_ =	shalt  }
0x50: {  	_ =	shalt  }
0x51: {  	_ =	shalt  }
0x52: {  	_ =	shalt  }
0x53: {  	_ =	shalt  }
0x54: {  	_ =	shalt  }
0x55: {  	_ =	shalt  }
0x56: {  	_ =	shalt  }
0x57: {  	_ =	shalt  }
0x58: {  	_ =	shalt  }
0x59: {  	_ =	shalt  }
0x5a: {  	_ =	shalt  }
0x5b: {  	_ =	shalt  }
0x5c: {  	_ =	shalt  }
0x5d: {  	_ =	shalt  }
0x5e: {  	_ =	shalt  }
0x5f: {  	_ =	shalt  }
0x60: {  	_ =	shalt  }
0x61: {  	_ =	shalt  }
0x62: {  	_ =	shalt  }
0x63: {  	_ =	shalt  }
0x64: {  	_ =	shalt  }
0x65: {  	_ =	shalt  }
0x66: {  	_ =	shalt  }
0x67: {  	_ =	shalt  }
0x68: {  	_ =	shalt  }
0x69: {  	_ =	shalt  }
0x6a: {  	_ =	shalt  }
0x6b: {  	_ =	shalt  }
0x6c: {  	_ =	shalt  }
0x6d: {  	_ =	shalt  }
0x6e: {  	_ =	shalt  }
0x6f: {  	_ =	shalt  }
0x70: {  	_ =	shalt  }
0x71: {  	_ =	shalt  }
0x72: {  	_ =	shalt  }
0x73: {  	_ =	shalt  }
0x74: {  	_ =	shalt  }
0x75: {  	_ =	shalt  }
0x76: {  	_ =	shalt  }
0x77: {  	_ =	shalt  }
0x78: {  	_ =	shalt  }
0x79: {  	_ =	shalt  }
0x7a: {  	_ =	shalt  }
0x7b: {  	_ =	shalt  }
0x7c: {  	_ =	shalt  }
0x7d: {  	_ =	shalt  }
0x7e: {  	_ =	shalt  }
0x7f: {  	_ =	shalt  }
0x80: {  	_ =	shalt  }
0x81: {  	_ =	shalt  }
0x82: {  	_ =	shalt  }
0x83: {  	_ =	shalt  }
0x84: {  	_ =	shalt  }
0x85: {  	_ =	shalt  }
0x86: {  	_ =	shalt  }
0x87: {  	_ =	shalt  }
.Lfunc_end0:
.L_simem_size_0:
called_computation_lowered:
.L_overlay_start_0:
0x88: {  	s2 =	sld [smem:$0x3FD9]  }
0x89: {  	s3 =	sld [smem:$0x3FFE];
	_ =	sdelay $0x1  }
0x8a: {  	s1 =	srdreg.scid  }
0x8b: {  	s0 =	sand.u32 $0x1, s1  }
0x8c: {  	s17 =	sshll.u32 s0, $0xA;
	s2 =	sadd.s32 s3, s2  }
0x8d: {  	s2 =	sadd.s32 s2, s17  }
0x8e: {  	[smem:$0x3FBC] =	sst s2  }
0x8f: {  	_ = 	snop  }
0x90: {  	s2 =	sld [smem:$0x3FD0];
	(tm) =	ssettm $0x1  }
0x91: {  	s18 =	sld [smem:$0x3FFB];
	_ =	sdelay $0x3  }
0x92: {  	_ =	strace s18  }
0x93: {  	s3 =	sld [smem:$0x3FFC];
	_ =	sdelay $0x3  }
0x94: {  	_ =	strace s3  }
0x95: {  	s3 =	sld [smem:$0x3FFD];
	_ =	sdelay $0x3  }
0x96: {  	_ =	strace s3  }
0x97: {  	_ =	strace $0x8FFFFFFF  }
0x98: {  	s19 =	sld [smem:$0x3FDB];
	_ =	sdelay $0x1  }
0x99: {  	s4 =	simm.s32 $_scs_section_size  }
0x9a: {  	s5 =	simm.s32 $_size__tile_overlayer_lowered;
	s6 =	simm.s32 $_tile_overlayer_lowered  }
0x9b: {  	s22 =	simm.s32 $0x1BFF;
	s21 =	sshll.u32 s6, $0x1;
	s3 =	sadd.s32 s4, s19  }
0x9c: {  	s7 =	simm.s32 $0x0;
	s20 =	sshll.u32 s5, $0x1;
	s5 =	sadd.s32 s21, s3  }
0x9d: {  	[timem:s7], [sflag:s22] =	dma.local [hbm:s5], s20  }
0x9e: {  	_ =	swait.ge [sflag:s22], s20  }
0x9f: {  	s4 =	ssub.s32 $0x0, s20;
	[sflag:s22] =	ssyncset.done $0x0  }
0xa0: {  	[sflag:s22] =	ssyncadd.s32 s4;
	_ =	sdelay $0x1  }
0xa1: {  	s23 =	simm.s32 $0x1B8B  }
0xa2: {  	_ =	swait.ge [sflag:s23], $0x1  }
0xa3: {  	[sflag:s23] =	ssyncset.done $0x0  }
0xa4: {  	s25 =	simm.s32 $0x1B8E;
	s24 =	sld [smem:$0x3FFE];
	[sflag:s23] =	ssyncadd.s32 $0xFFFFFFFF  }
0xa5: {  	s26 =	simm.s32 $execute0_lowered;
	[smem:$0x3FD2] =	sst s25  }
0xa6: {  	s5 =	sshll.u32 s26, $0x1;
	_ =	strace $0x80000046;
	[dreg:$0x1] =	wrdreg $0xFFFFFFFF  }
0xa7: {  	s28 =	simm.s32 $_size_execute0_lowered;
	s3 =	sadd.s32 s3, s5;
	[dreg:$0x0] =	wrdreg $0x0  }
0xa8: {  	s5 =	sshll.u32 s28, $0x1;
	[dreg:$0x2] =	wrdreg s3  }
0xa9: {  	[dreg:$0x3] =	wrdreg s5  }
0xaa: {  	[dreg:$0x4] =	wrdreg $0xC0  }
0xab: {  	_ =	task [dreg:s7], $0x5FFFF  }
0xac: {  	[dreg:$0x1] =	wrdreg $0xFFFFFFFF  }
0xad: {  	[dreg:$0x0] =	wrdreg $0x60  }
0xae: {  	[dreg:$0x2] =	wrdreg s2  }
0xaf: {  	[dreg:$0x3] =	wrdreg s24  }
0xb0: {  	[dreg:$0x4] =	wrdreg $0x9  }
0xb1: {  	_ =	task.clear_ibuf [dreg:s7], $0x5FFFF;
	_ =	strace $0x90000046  }
0xb2: {  	s29 =	simm.s32 $0x9;
	_ =	strace $0x80000048  }
0xb3: {  	_ =	swait.ge [sflag:s29], $0x1  }
0xb4: {  	[sflag:s29] =	ssyncadd.s32 $0xFFFFFFFF  }
0xb5: {  	_ =	strace $0x90000048  }
0xb6: {  	_ =	sfence  }
0xb7: {  	s30 =	sld [smem:$0x0];
	_ =	sdelay $0x2  }
0xb8: {  	s31 =	sshll.u32 s1, $0xD;
	s1 =	sshrl.u32 s1, $0x2  }
0xb9: {  	s3 =	sand.u32 $0x4000, s31;
	s1 =	sadd.s32 s1, s30  }
0xba: {  	s0 =	sor.u32 s3, s0;
	s1 =	sshll.u32 s1, $0x11  }
0xbb: {  	s0 =	sor.u32 s1, s0  }
0xbc: {  	s0 =	sadd.s32 $0x8F2B, s0  }
0xbd: {  	[sflag:s0] =	ssyncadd.remote.s32 $0x1  }
0xbe: {  	_ =	sfence.sel $0xFFFF  }
0xbf: {  	[dreg:$0x0] =	wrdreg $0xFFFFFFFF;
	(pc) =	sbr.abs _section_cstart, $3  }
0xc0: {  	[dreg:$0x1] =	wrdreg $0xFFFFFFFF  }
0xc1: {  	_ =	task.clear_ibuf [dreg:s7], $0x2FFFF;
	_ =	strace $0x9FFFFFFF  }
0xc2: {  	(tm) =	ssettm $0x7FFFFFFF  }
0xc3: {  	_ =	shalt  }
tec
execute0_lowered:
.L_overlay_start_1:
0x0: {  	(tag) =	ssettag $0x1  }
0x1: {  	s1 =	rddreg [dreg:$0x0]  }
0x2: {  	s0 =	rddreg [dreg:$0x1]  }
0x3: {  	s2 =	srdreg.scid;
	s3 =	simm.s32 $0x0;
	s4 =	stileid.u32  }
0x4: {  	s12 =	simm.s32 $0x3;
	s31 =	simm.s32 $0x16980;
	s13 =	simm.s32 $0x18180  }
0x5: {  	s14 =	simm.s32 $0x18980;
	s7 =	simm.s32 $0x2;
	s2 =	sand.u32 $0x1, s2  }
0x6: {  	s4 =	sshll.u32 s4, $0xB;
	s5 =	sshll.u32 s2, $0xA;
	s2 =	ssub.s32 $0x2, s2  }
0x7: {  	s9 =	simm.s32 $0x0;
	s4 =	sor.u32 s5, s4;
	s6 =	sshrl.u32 s2, $0x1  }
0x8: {  	[smem:$0x7FF] =	sst s3;
	s5 =	sshrl.u32 s4, $0x3;
	s2 =	ssub.s32 s2, s6  }
0x9: {  	_ =	strace $0x80000047;
	s5 =	sadd.s32 s5, s0;
	s30 =	smax.u32 s2, $0x1  }
0xa: {  	s4 =	sshll.u32 s4, $0x5;
	s23 =	sadd.s32 $0x82200, s5;
	[dreg:$0x9] =	wrdreg s30  }
0xb: {  	s6 =	simm.s32 $0x19980;
	s24 =	sadd.s32 $0x83200, s5;
	[dreg:$0x3] =	wrdreg s23  }
0xc: {  	s0 =	sadd.s32 s4, s0;
	s25 =	sadd.s32 $0x84200, s5;
	[dreg:$0x4] =	wrdreg s24  }
0xd: {  	s2 =	simm.s32 $0x17980;
	s26 =	sadd.s32 $0x2200, s5;
	[dreg:$0x5] =	wrdreg s25  }
0xe: {  	v2 =	vlaneseq.u32;
	s4 =	simm.s32 $0x19180;
	s28 =	sadd.s32 $0x3200, s5;
	[dreg:$0x6] =	wrdreg s26  }
0xf: {  	vm0 =	vmmov $0xffff;
	v1 =	vshrl.u32 v2, $0x3;
	s29 =	sadd.s32 $0x4200, s5;
	s10 =	sadd.s32 $0x85200, s0;
	[dreg:$0x7] =	wrdreg s28  }
0x10: {  	v0 =	vand.u32 $0x7, v2;
	v2 =	vor.u32 $0x8, v2;
	v1 =	vmul.u32 $0x8, v1;
	s0 =	simm.s32 $0x17180;
	s5 =	simm.s32 $0x1;
	[dreg:$0x8] =	wrdreg s29  }
.LBB2_1:
0x11: {  	[dreg:$0xa] =	wrdreg s9  }
0x12: {  	s8 =	rddreg [dreg:$0x3]  }
0x13: {  	[tilespmem:s3], [sflag:$0x3] =	stream.linear.gather [hbm4b:s8+s3], $0x400, $0x38;
	[tilespmem:$0x1D980] =	vst v63  }
0x14: {  	_ =	swait.ge [sflag:s12], $0x400  }
0x15: {  	[sflag:s12] =	ssyncset.done $0x0  }
0x16: {  	s16 =	simm.s32 $0x400;
	s15 =	rddreg [dreg:$0x4];
	[sflag:s12] =	ssyncadd.s32 $0xFFFFFC00  }
0x17: {  	[tilespmem:s16], [sflag:$0x3] =	stream.linear.gather [hbm4b:s15+s3], $0x400, $0x38;
	[tilespmem:$0x1D980] =	vst v63  }
0x18: {  	_ =	swait.ge [sflag:s12], $0x400  }
0x19: {  	[sflag:s12] =	ssyncset.done $0x0  }
0x1a: {  	s18 =	simm.s32 $0x800;
	s17 =	rddreg [dreg:$0x5];
	[sflag:s12] =	ssyncadd.s32 $0xFFFFFC00  }
0x1b: {  	[tilespmem:s18], [sflag:$0x3] =	stream.linear.gather [hbm4b:s17+s3], $0x400, $0x38;
	[tilespmem:$0x1D980] =	vst v63  }
0x1c: {  	_ =	swait.ge [sflag:s12], $0x400  }
0x1d: {  	[sflag:s12] =	ssyncset.done $0x0  }
0x1e: {  	s8 =	simm.s32 $0xC00;
	s19 =	rddreg [dreg:$0x6];
	[sflag:s12] =	ssyncadd.s32 $0xFFFFFC00  }
0x1f: {  	[tilespmem:s8], [sflag:$0x3] =	stream.linear.gather [hbm4b:s19+s3], $0x400, $0x38;
	[tilespmem:$0x1D980] =	vst v63  }
0x20: {  	_ =	swait.ge [sflag:s12], $0x400  }
0x21: {  	[sflag:s12] =	ssyncset.done $0x0  }
0x22: {  	s9 =	simm.s32 $0x1080;
	s11 =	rddreg [dreg:$0x7];
	[sflag:s12] =	ssyncadd.s32 $0xFFFFFC00  }
0x23: {  	[tilespmem:s9], [sflag:$0x3] =	stream.linear.gather [hbm4b:s11+s3], $0x400, $0x38;
	[tilespmem:$0x1D980] =	vst v63  }
0x24: {  	_ =	swait.ge [sflag:s12], $0x400  }
0x25: {  	[sflag:s12] =	ssyncset.done $0x0  }
0x26: {  	s11 =	simm.s32 $0x1500;
	s15 =	rddreg [dreg:$0x8];
	[sflag:s12] =	ssyncadd.s32 $0xFFFFFC00  }
0x27: {  	[tilespmem:s11], [sflag:$0x3] =	stream.linear.gather [hbm4b:s15+s3], $0x400, $0x38;
	[tilespmem:$0x1D980] =	vst v63  }
0x28: {  	_ =	swait.ge [sflag:s12], $0x400  }
0x29: {  	[sflag:s12] =	ssyncset.done $0x0  }
0x2a: {  	[sflag:s12] =	ssyncadd.s32 $0xFFFFFC00  }
0x2b: {  	v3 =	vld [tilespmem:$0x0];
	_ =	sdelay $0x4  }
0x2c: {  	v4 =	vshll.u32 v3, $0x1  }
0x2d: {  	v3 =	vand.u32 $0x7, v3;
	v4 =	vand.u32 $0xFFFFFFF0, v4  }
0x2e: {  	v3 =	vor.u32 v3, v4  }
0x2f: {  	v4 =	vperm.xlane v3, v0;
	_ =	sdelay $0x1  }
0x30: {  	v3 =	vperm.xlane v3, v2;
	v4 =	vadd.s32 v1, v4;
	_ =	sdelay $0x1  }
0x31: {  	v3 =	vadd.s32 v1, v3;
	_ =	sdelay $0x1  }
0x32: {  	s20 =	simm.s32 $0x1980  }
0x33: {  	[tilespmem:s20], [sflag:$0x1] =	stream.indirect_vreg.gather [hbm4b:s1+s3], $0x80, v4, vm0, $0xb8;
	[tilespmem:$0x1D980] =	vst v63  }
0x34: {  	s21 =	simm.s32 $0x2180  }
0x35: {  	[tilespmem:s21], [sflag:$0x1] =	stream.indirect_vreg.gather [hbm4b:s1+s3], $0x80, v3, vm0, $0xb8;
	[tilespmem:$0x1D980] =	vst v63  }
0x36: {  	v3 =	vld [tilespmem:$0x10];
	_ =	sdelay $0x4  }
0x37: {  	v53 =	vshll.u32 v3, $0x1  }
0x38: {  	v3 =	vand.u32 $0x7, v3;
	v4 =	vand.u32 $0xFFFFFFF0, v53  }
0x39: {  	v3 =	vor.u32 v3, v4  }
0x3a: {  	v4 =	vperm.xlane v3, v0;
	_ =	sdelay $0x1  }
0x3b: {  	v3 =	vperm.xlane v3, v2;
	v4 =	vadd.s32 v1, v4;
	_ =	sdelay $0x1  }
0x3c: {  	v3 =	vadd.s32 v1, v3;
	_ =	sdelay $0x1  }
0x3d: {  	s22 =	simm.s32 $0x2980  }
0x3e: {  	[tilespmem:s22], [sflag:$0x1] =	stream.indirect_vreg.gather [hbm4b:s1+s3], $0x80, v4, vm0, $0xb8;
	[tilespmem:$0x1D980] =	vst v63  }
0x3f: {  	s23 =	simm.s32 $0x3180  }
0x40: {  	[tilespmem:s23], [sflag:$0x1] =	stream.indirect_vreg.gather [hbm4b:s1+s3], $0x80, v3, vm0, $0xb8;
	[tilespmem:$0x1D980] =	vst v63  }
0x41: {  	v3 =	vld [tilespmem:$0x20];
	_ =	sdelay $0x4  }
0x42: {  	v54 =	vshll.u32 v3, $0x1  }
0x43: {  	v3 =	vand.u32 $0x7, v3;
	v4 =	vand.u32 $0xFFFFFFF0, v54  }
0x44: {  	v3 =	vor.u32 v3, v4  }
0x45: {  	v4 =	vperm.xlane v3, v0;
	_ =	sdelay $0x1  }
0x46: {  	v3 =	vperm.xlane v3, v2;
	v4 =	vadd.s32 v1, v4;
	_ =	sdelay $0x1  }
0x47: {  	v3 =	vadd.s32 v1, v3;
	_ =	sdelay $0x1  }
0x48: {  	s24 =	simm.s32 $0x3980  }
0x49: {  	[tilespmem:s24], [sflag:$0x1] =	stream.indirect_vreg.gather [hbm4b:s1+s3], $0x80, v4, vm0, $0xb8;
	[tilespmem:$0x1D980] =	vst v63  }
0x4a: {  	s25 =	simm.s32 $0x4180  }
0x4b: {  	[tilespmem:s25], [sflag:$0x1] =	stream.indirect_vreg.gather [hbm4b:s1+s3], $0x80, v3, vm0, $0xb8;
	[tilespmem:$0x1D980] =	vst v63  }
0x4c: {  	v3 =	vld [tilespmem:$0x30];
	_ =	sdelay $0x4  }
0x4d: {  	v55 =	vshll.u32 v3, $0x1  }
0x4e: {  	v3 =	vand.u32 $0x7, v3;
	v4 =	vand.u32 $0xFFFFFFF0, v55  }
0x4f: {  	v3 =	vor.u32 v3, v4  }
0x50: {  	v4 =	vperm.xlane v3, v0;
	_ =	sdelay $0x1  }
0x51: {  	v3 =	vperm.xlane v3, v2;
	v4 =	vadd.s32 v1, v4;
	_ =	sdelay $0x1  }
0x52: {  	v3 =	vadd.s32 v1, v3;
	_ =	sdelay $0x1  }
0x53: {  	s26 =	simm.s32 $0x4980  }
0x54: {  	[tilespmem:s26], [sflag:$0x1] =	stream.indirect_vreg.gather [hbm4b:s1+s3], $0x80, v4, vm0, $0xb8;
	[tilespmem:$0x1D980] =	vst v63  }
0x55: {  	s28 =	simm.s32 $0x5180  }
0x56: {  	[tilespmem:s28], [sflag:$0x1] =	stream.indirect_vreg.gather [hbm4b:s1+s3], $0x80, v3, vm0, $0xb8;
	[tilespmem:$0x1D980] =	vst v63  }
0x57: {  	v3 =	vld [tilespmem:$0x400];
	_ =	sdelay $0x4  }
0x58: {  	v56 =	vshll.u32 v3, $0x1  }
0x59: {  	v3 =	vand.u32 $0x7, v3;
	v4 =	vand.u32 $0xFFFFFFF0, v56  }
0x5a: {  	v3 =	vor.u32 v3, v4  }
0x5b: {  	v4 =	vperm.xlane v3, v0;
	_ =	sdelay $0x1  }
0x5c: {  	v3 =	vperm.xlane v3, v2;
	v4 =	vadd.s32 v1, v4;
	_ =	sdelay $0x1  }
0x5d: {  	v3 =	vadd.s32 v1, v3;
	_ =	sdelay $0x1  }
0x5e: {  	s29 =	simm.s32 $0x5980  }
0x5f: {  	[tilespmem:s29], [sflag:$0x1] =	stream.indirect_vreg.gather [hbm4b:s1+s3], $0x80, v4, vm0, $0xb8;
	[tilespmem:$0x1D980] =	vst v63  }
0x60: {  	s30 =	simm.s32 $0x6180  }
0x61: {  	[tilespmem:s30], [sflag:$0x1] =	stream.indirect_vreg.gather [hbm4b:s1+s3], $0x80, v3, vm0, $0xb8;
	[tilespmem:$0x1D980] =	vst v63  }
0x62: {  	v3 =	vld [tilespmem:$0x410];
	_ =	sdelay $0x4  }
0x63: {  	v57 =	vshll.u32 v3, $0x1  }
0x64: {  	v3 =	vand.u32 $0x7, v3;
	v4 =	vand.u32 $0xFFFFFFF0, v57  }
0x65: {  	v3 =	vor.u32 v3, v4  }
0x66: {  	v4 =	vperm.xlane v3, v0;
	_ =	sdelay $0x1  }
0x67: {  	v3 =	vperm.xlane v3, v2;
	v4 =	vadd.s32 v1, v4;
	_ =	sdelay $0x1  }
0x68: {  	v3 =	vadd.s32 v1, v3;
	_ =	sdelay $0x1  }
0x69: {  	s16 =	simm.s32 $0x6980  }
0x6a: {  	[tilespmem:s16], [sflag:$0x1] =	stream.indirect_vreg.gather [hbm4b:s1+s3], $0x80, v4, vm0, $0xb8;
	[tilespmem:$0x1D980] =	vst v63  }
0x6b: {  	s17 =	simm.s32 $0x7180  }
0x6c: {  	[tilespmem:s17], [sflag:$0x1] =	stream.indirect_vreg.gather [hbm4b:s1+s3], $0x80, v3, vm0, $0xb8;
	[tilespmem:$0x1D980] =	vst v63  }
0x6d: {  	v3 =	vld [tilespmem:$0x420];
	_ =	sdelay $0x4  }
0x6e: {  	v58 =	vshll.u32 v3, $0x1  }
0x6f: {  	v3 =	vand.u32 $0x7, v3;
	v4 =	vand.u32 $0xFFFFFFF0, v58  }
0x70: {  	v3 =	vor.u32 v3, v4  }
0x71: {  	v4 =	vperm.xlane v3, v0;
	_ =	sdelay $0x1  }
0x72: {  	v3 =	vperm.xlane v3, v2;
	v4 =	vadd.s32 v1, v4;
	_ =	sdelay $0x1  }
0x73: {  	v3 =	vadd.s32 v1, v3;
	_ =	sdelay $0x1  }
0x74: {  	s18 =	simm.s32 $0x7980  }
0x75: {  	[tilespmem:s18], [sflag:$0x1] =	stream.indirect_vreg.gather [hbm4b:s1+s3], $0x80, v4, vm0, $0xb8;
	[tilespmem:$0x1D980] =	vst v63  }
0x76: {  	s19 =	simm.s32 $0x8180  }
0x77: {  	[tilespmem:s19], [sflag:$0x1] =	stream.indirect_vreg.gather [hbm4b:s1+s3], $0x80, v3, vm0, $0xb8;
	[tilespmem:$0x1D980] =	vst v63  }
0x78: {  	v3 =	vld [tilespmem:$0x430];
	_ =	sdelay $0x4  }
0x79: {  	v59 =	vshll.u32 v3, $0x1  }
0x7a: {  	v3 =	vand.u32 $0x7, v3;
	v4 =	vand.u32 $0xFFFFFFF0, v59  }
0x7b: {  	v3 =	vor.u32 v3, v4  }
0x7c: {  	v4 =	vperm.xlane v3, v0;
	_ =	sdelay $0x1  }
0x7d: {  	v3 =	vperm.xlane v3, v2;
	v4 =	vadd.s32 v1, v4;
	_ =	sdelay $0x1  }
0x7e: {  	v3 =	vadd.s32 v1, v3;
	_ =	sdelay $0x1  }
0x7f: {  	s20 =	simm.s32 $0x8980  }
0x80: {  	[tilespmem:s20], [sflag:$0x1] =	stream.indirect_vreg.gather [hbm4b:s1+s3], $0x80, v4, vm0, $0xb8;
	[tilespmem:$0x1D980] =	vst v63  }
0x81: {  	s21 =	simm.s32 $0x9180  }
0x82: {  	[tilespmem:s21], [sflag:$0x1] =	stream.indirect_vreg.gather [hbm4b:s1+s3], $0x80, v3, vm0, $0xb8;
	[tilespmem:$0x1D980] =	vst v63  }
0x83: {  	v3 =	vld [tilespmem:$0x800];
	_ =	sdelay $0x4  }
0x84: {  	v60 =	vshll.u32 v3, $0x1  }
0x85: {  	v3 =	vand.u32 $0x7, v3;
	v4 =	vand.u32 $0xFFFFFFF0, v60  }
0x86: {  	v3 =	vor.u32 v3, v4  }
0x87: {  	v4 =	vperm.xlane v3, v0;
	_ =	sdelay $0x1  }
0x88: {  	v3 =	vperm.xlane v3, v2;
	v4 =	vadd.s32 v1, v4;
	_ =	sdelay $0x1  }
0x89: {  	v3 =	vadd.s32 v1, v3;
	_ =	sdelay $0x1  }
0x8a: {  	s22 =	simm.s32 $0x9980  }
0x8b: {  	[tilespmem:s22], [sflag:$0x1] =	stream.indirect_vreg.gather [hbm4b:s1+s3], $0x80, v4, vm0, $0xb8;
	[tilespmem:$0x1D980] =	vst v63  }
0x8c: {  	s23 =	simm.s32 $0xA180  }
0x8d: {  	[tilespmem:s23], [sflag:$0x1] =	stream.indirect_vreg.gather [hbm4b:s1+s3], $0x80, v3, vm0, $0xb8;
	[tilespmem:$0x1D980] =	vst v63  }
0x8e: {  	v3 =	vld [tilespmem:$0x810];
	_ =	sdelay $0x4  }
0x8f: {  	v61 =	vshll.u32 v3, $0x1  }
0x90: {  	v3 =	vand.u32 $0x7, v3;
	v4 =	vand.u32 $0xFFFFFFF0, v61  }
0x91: {  	v3 =	vor.u32 v3, v4  }
0x92: {  	v4 =	vperm.xlane v3, v0;
	_ =	sdelay $0x1  }
0x93: {  	v3 =	vperm.xlane v3, v2;
	v4 =	vadd.s32 v1, v4;
	_ =	sdelay $0x1  }
0x94: {  	v3 =	vadd.s32 v1, v3;
	_ =	sdelay $0x1  }
0x95: {  	s24 =	simm.s32 $0xA980  }
0x96: {  	[tilespmem:s24], [sflag:$0x1] =	stream.indirect_vreg.gather [hbm4b:s1+s3], $0x80, v4, vm0, $0xb8;
	[tilespmem:$0x1D980] =	vst v63  }
0x97: {  	s25 =	simm.s32 $0xB180  }
0x98: {  	[tilespmem:s25], [sflag:$0x1] =	stream.indirect_vreg.gather [hbm4b:s1+s3], $0x80, v3, vm0, $0xb8;
	[tilespmem:$0x1D980] =	vst v63  }
0x99: {  	v3 =	vld [tilespmem:$0x820];
	_ =	sdelay $0x4  }
0x9a: {  	v62 =	vshll.u32 v3, $0x1  }
0x9b: {  	v3 =	vand.u32 $0x7, v3;
	v4 =	vand.u32 $0xFFFFFFF0, v62  }
0x9c: {  	v3 =	vor.u32 v3, v4  }
0x9d: {  	v4 =	vperm.xlane v3, v0;
	_ =	sdelay $0x1  }
0x9e: {  	v3 =	vperm.xlane v3, v2;
	v4 =	vadd.s32 v1, v4;
	_ =	sdelay $0x1  }
0x9f: {  	v3 =	vadd.s32 v1, v3;
	_ =	sdelay $0x1  }
0xa0: {  	s26 =	simm.s32 $0xB980  }
0xa1: {  	[tilespmem:s26], [sflag:$0x1] =	stream.indirect_vreg.gather [hbm4b:s1+s3], $0x80, v4, vm0, $0xb8;
	[tilespmem:$0x1D980] =	vst v63  }
0xa2: {  	s28 =	simm.s32 $0xC180  }
0xa3: {  	[tilespmem:s28], [sflag:$0x1] =	stream.indirect_vreg.gather [hbm4b:s1+s3], $0x80, v3, vm0, $0xb8;
	[tilespmem:$0x1D980] =	vst v63  }
0xa4: {  	v3 =	vld [tilespmem:$0x830];
	_ =	sdelay $0x4  }
0xa5: {  	v63 =	vshll.u32 v3, $0x1  }
0xa6: {  	v3 =	vand.u32 $0x7, v3;
	v4 =	vand.u32 $0xFFFFFFF0, v63  }
0xa7: {  	v3 =	vor.u32 v3, v4  }
0xa8: {  	v4 =	vperm.xlane v3, v0;
	_ =	sdelay $0x1  }
0xa9: {  	v3 =	vperm.xlane v3, v2;
	v4 =	vadd.s32 v1, v4;
	_ =	sdelay $0x1  }
0xaa: {  	v3 =	vadd.s32 v1, v3;
	_ =	sdelay $0x1  }
0xab: {  	s15 =	simm.s32 $0x1540;
	s29 =	simm.s32 $0xC980;
	s30 =	simm.s32 $0xD180  }
0xac: {  	[tilespmem:s29], [sflag:$0x1] =	stream.indirect_vreg.gather [hbm4b:s1+s3], $0x80, v4, vm0, $0xb8;
	[tilespmem:$0x1D980] =	vst v63  }
0xad: {  	s16 =	simm.s32 $0x10C0;
	s17 =	simm.s32 $0xC40;
	s18 =	simm.s32 $0x0  }
0xae: {  	[tilespmem:s30], [sflag:$0x1] =	stream.indirect_vreg.gather [hbm4b:s1+s3], $0x80, v3, vm0, $0xb8;
	[tilespmem:$0x1D980] =	vst v63  }
.LBB2_2:
0xaf: {  	s19 =	sshllo.u32 s18, $0x1  }
0xb0: {  	s21 =	sshll.u32 s19, $0x6  }
0xb1: {  	v3 =	vld [tilespmem:s21+$0x0];
	_ =	sdelay $0x4  }
0xb2: {  	v4 =	vshll.u32 v3, $0x1  }
0xb3: {  	v3 =	vand.u32 $0x7, v3;
	v4 =	vand.u32 $0xFFFFFFF0, v4  }
0xb4: {  	v3 =	vor.u32 v3, v4  }
0xb5: {  	v4 =	vperm.xlane v3, v0;
	_ =	sdelay $0x1  }
0xb6: {  	v3 =	vperm.xlane v3, v2;
	v4 =	vadd.s32 v1, v4;
	_ =	sdelay $0x1  }
0xb7: {  	v3 =	vadd.s32 v1, v3;
	_ =	sdelay $0x1  }
0xb8: {  	s20 =	simm.s32 $0x0;
	s22 =	simm.s32 $0xD980  }
0xb9: {  	[tilespmem:s22], [sflag:$0x2] =	stream.indirect_vreg.gather [hbm4b:s1+s20], $0x80, v4, vm0, $0xb8;
	[tilespmem:$0x1D980] =	vst v63  }
0xba: {  	s26 =	simm.s32 $0xE180  }
0xbb: {  	[tilespmem:s26], [sflag:$0x2] =	stream.indirect_vreg.gather [hbm4b:s1+s20], $0x80, v3, vm0, $0xb8;
	[tilespmem:$0x1D980] =	vst v63  }
0xbc: {  	v3 =	vld [tilespmem:s21+$0x10];
	_ =	sdelay $0x4  }
0xbd: {  	v4 =	vshll.u32 v3, $0x1  }
0xbe: {  	v3 =	vand.u32 $0x7, v3;
	v4 =	vand.u32 $0xFFFFFFF0, v4  }
0xbf: {  	v3 =	vor.u32 v3, v4  }
0xc0: {  	v4 =	vperm.xlane v3, v0;
	_ =	sdelay $0x1  }
0xc1: {  	v3 =	vperm.xlane v3, v2;
	v4 =	vadd.s32 v1, v4;
	_ =	sdelay $0x1  }
0xc2: {  	v3 =	vadd.s32 v1, v3;
	_ =	sdelay $0x1  }
0xc3: {  	s28 =	simm.s32 $0xE980  }
0xc4: {  	[tilespmem:s28], [sflag:$0x2] =	stream.indirect_vreg.gather [hbm4b:s1+s20], $0x80, v4, vm0, $0xb8;
	[tilespmem:$0x1D980] =	vst v63  }
0xc5: {  	s29 =	simm.s32 $0xF180  }
0xc6: {  	[tilespmem:s29], [sflag:$0x2] =	stream.indirect_vreg.gather [hbm4b:s1+s20], $0x80, v3, vm0, $0xb8;
	[tilespmem:$0x1D980] =	vst v63  }
0xc7: {  	v3 =	vld [tilespmem:s21+$0x20];
	_ =	sdelay $0x4  }
0xc8: {  	v4 =	vshll.u32 v3, $0x1  }
0xc9: {  	v3 =	vand.u32 $0x7, v3;
	v4 =	vand.u32 $0xFFFFFFF0, v4  }
0xca: {  	v3 =	vor.u32 v3, v4  }
0xcb: {  	v4 =	vperm.xlane v3, v0;
	_ =	sdelay $0x1  }
0xcc: {  	v3 =	vperm.xlane v3, v2;
	v4 =	vadd.s32 v1, v4;
	_ =	sdelay $0x1  }
0xcd: {  	v3 =	vadd.s32 v1, v3;
	_ =	sdelay $0x1  }
0xce: {  	s30 =	simm.s32 $0xF980  }
0xcf: {  	[tilespmem:s30], [sflag:$0x2] =	stream.indirect_vreg.gather [hbm4b:s1+s20], $0x80, v4, vm0, $0xb8;
	[tilespmem:$0x1D980] =	vst v63  }
0xd0: {  	s23 =	simm.s32 $0x10180  }
0xd1: {  	[tilespmem:s23], [sflag:$0x2] =	stream.indirect_vreg.gather [hbm4b:s1+s20], $0x80, v3, vm0, $0xb8;
	[tilespmem:$0x1D980] =	vst v63  }
0xd2: {  	v3 =	vld [tilespmem:s21+$0x30];
	_ =	sdelay $0x4  }
0xd3: {  	v4 =	vshll.u32 v3, $0x1  }
0xd4: {  	v3 =	vand.u32 $0x7, v3;
	v4 =	vand.u32 $0xFFFFFFF0, v4  }
0xd5: {  	v3 =	vor.u32 v3, v4  }
0xd6: {  	v4 =	vperm.xlane v3, v0;
	_ =	sdelay $0x1  }
0xd7: {  	v3 =	vperm.xlane v3, v2;
	v4 =	vadd.s32 v1, v4;
	_ =	sdelay $0x1  }
0xd8: {  	v3 =	vadd.s32 v1, v3;
	_ =	sdelay $0x1  }
0xd9: {  	s24 =	simm.s32 $0x10980  }
0xda: {  	[tilespmem:s24], [sflag:$0x2] =	stream.indirect_vreg.gather [hbm4b:s1+s20], $0x80, v4, vm0, $0xb8;
	[tilespmem:$0x1D980] =	vst v63  }
0xdb: {  	s25 =	simm.s32 $0x11180  }
0xdc: {  	[tilespmem:s25], [sflag:$0x2] =	stream.indirect_vreg.gather [hbm4b:s1+s20], $0x80, v3, vm0, $0xb8;
	[tilespmem:$0x1D980] =	vst v63  }
0xdd: {  	v3 =	vld [tilespmem:s21+$0x400];
	_ =	sdelay $0x4  }
0xde: {  	v4 =	vshll.u32 v3, $0x1  }
0xdf: {  	v3 =	vand.u32 $0x7, v3;
	v4 =	vand.u32 $0xFFFFFFF0, v4  }
0xe0: {  	v3 =	vor.u32 v3, v4  }
0xe1: {  	v4 =	vperm.xlane v3, v0;
	_ =	sdelay $0x1  }
0xe2: {  	v3 =	vperm.xlane v3, v2;
	v4 =	vadd.s32 v1, v4;
	_ =	sdelay $0x1  }
0xe3: {  	v3 =	vadd.s32 v1, v3;
	_ =	sdelay $0x1  }
0xe4: {  	s26 =	simm.s32 $0x11980  }
0xe5: {  	[tilespmem:s26], [sflag:$0x2] =	stream.indirect_vreg.gather [hbm4b:s1+s20], $0x80, v4, vm0, $0xb8;
	[tilespmem:$0x1D980] =	vst v63  }
0xe6: {  	s28 =	simm.s32 $0x12180  }
0xe7: {  	[tilespmem:s28], [sflag:$0x2] =	stream.indirect_vreg.gather [hbm4b:s1+s20], $0x80, v3, vm0, $0xb8;
	[tilespmem:$0x1D980] =	vst v63  }
0xe8: {  	v3 =	vld [tilespmem:s21+$0x410];
	_ =	sdelay $0x4  }
0xe9: {  	v4 =	vshll.u32 v3, $0x1  }
0xea: {  	v3 =	vand.u32 $0x7, v3;
	v4 =	vand.u32 $0xFFFFFFF0, v4  }
0xeb: {  	v3 =	vor.u32 v3, v4  }
0xec: {  	v4 =	vperm.xlane v3, v0;
	_ =	sdelay $0x1  }
0xed: {  	v3 =	vperm.xlane v3, v2;
	v4 =	vadd.s32 v1, v4;
	_ =	sdelay $0x1  }
0xee: {  	v3 =	vadd.s32 v1, v3;
	_ =	sdelay $0x1  }
0xef: {  	s29 =	simm.s32 $0x12980  }
0xf0: {  	[tilespmem:s29], [sflag:$0x2] =	stream.indirect_vreg.gather [hbm4b:s1+s20], $0x80, v4, vm0, $0xb8;
	[tilespmem:$0x1D980] =	vst v63  }
0xf1: {  	s30 =	simm.s32 $0x13180  }
0xf2: {  	[tilespmem:s30], [sflag:$0x2] =	stream.indirect_vreg.gather [hbm4b:s1+s20], $0x80, v3, vm0, $0xb8;
	[tilespmem:$0x1D980] =	vst v63  }
0xf3: {  	v3 =	vld [tilespmem:s21+$0x420];
	_ =	sdelay $0x4  }
0xf4: {  	v4 =	vshll.u32 v3, $0x1  }
0xf5: {  	v3 =	vand.u32 $0x7, v3;
	v4 =	vand.u32 $0xFFFFFFF0, v4  }
0xf6: {  	v3 =	vor.u32 v3, v4  }
0xf7: {  	v4 =	vperm.xlane v3, v0;
	_ =	sdelay $0x1  }
0xf8: {  	v3 =	vperm.xlane v3, v2;
	v4 =	vadd.s32 v1, v4;
	_ =	sdelay $0x1  }
0xf9: {  	v3 =	vadd.s32 v1, v3;
	_ =	sdelay $0x1  }
0xfa: {  	s23 =	simm.s32 $0x13980  }
0xfb: {  	[tilespmem:s23], [sflag:$0x2] =	stream.indirect_vreg.gather [hbm4b:s1+s20], $0x80, v4, vm0, $0xb8;
	[tilespmem:$0x1D980] =	vst v63  }
0xfc: {  	s24 =	simm.s32 $0x14180  }
0xfd: {  	[tilespmem:s24], [sflag:$0x2] =	stream.indirect_vreg.gather [hbm4b:s1+s20], $0x80, v3, vm0, $0xb8;
	[tilespmem:$0x1D980] =	vst v63  }
0xfe: {  	v3 =	vld [tilespmem:s21+$0x430];
	_ =	sdelay $0x4  }
0xff: {  	v4 =	vshll.u32 v3, $0x1  }
0x100: {  	v3 =	vand.u32 $0x7, v3;
	v4 =	vand.u32 $0xFFFFFFF0, v4  }
0x101: {  	v3 =	vor.u32 v3, v4  }
0x102: {  	v4 =	vperm.xlane v3, v0;
	_ =	sdelay $0x1  }
0x103: {  	v3 =	vperm.xlane v3, v2;
	v4 =	vadd.s32 v1, v4;
	_ =	sdelay $0x1  }
0x104: {  	v3 =	vadd.s32 v1, v3;
	_ =	sdelay $0x1  }
0x105: {  	s25 =	simm.s32 $0x14980  }
0x106: {  	[tilespmem:s25], [sflag:$0x2] =	stream.indirect_vreg.gather [hbm4b:s1+s20], $0x80, v4, vm0, $0xb8;
	[tilespmem:$0x1D980] =	vst v63  }
0x107: {  	s26 =	simm.s32 $0x15180  }
0x108: {  	[tilespmem:s26], [sflag:$0x2] =	stream.indirect_vreg.gather [hbm4b:s1+s20], $0x80, v3, vm0, $0xb8;
	[tilespmem:$0x1D980] =	vst v63  }
0x109: {  	v3 =	vld [tilespmem:s21+$0x800];
	_ =	sdelay $0x4  }
0x10a: {  	v4 =	vshll.u32 v3, $0x1  }
0x10b: {  	v3 =	vand.u32 $0x7, v3;
	v4 =	vand.u32 $0xFFFFFFF0, v4  }
0x10c: {  	v3 =	vor.u32 v3, v4  }
0x10d: {  	v4 =	vperm.xlane v3, v0;
	_ =	sdelay $0x1  }
0x10e: {  	v3 =	vperm.xlane v3, v2;
	v4 =	vadd.s32 v1, v4;
	_ =	sdelay $0x1  }
0x10f: {  	v3 =	vadd.s32 v1, v3;
	_ =	sdelay $0x1  }
0x110: {  	s28 =	simm.s32 $0x15980  }
0x111: {  	[tilespmem:s28], [sflag:$0x2] =	stream.indirect_vreg.gather [hbm4b:s1+s20], $0x80, v4, vm0, $0xb8;
	[tilespmem:$0x1D980] =	vst v63  }
0x112: {  	s29 =	simm.s32 $0x16180  }
0x113: {  	[tilespmem:s29], [sflag:$0x2] =	stream.indirect_vreg.gather [hbm4b:s1+s20], $0x80, v3, vm0, $0xb8;
	[tilespmem:$0x1D980] =	vst v63  }
0x114: {  	v3 =	vld [tilespmem:s21+$0x810];
	_ =	sdelay $0x4  }
0x115: {  	v4 =	vshll.u32 v3, $0x1  }
0x116: {  	v3 =	vand.u32 $0x7, v3;
	v4 =	vand.u32 $0xFFFFFFF0, v4  }
0x117: {  	v3 =	vor.u32 v3, v4  }
0x118: {  	v4 =	vperm.xlane v3, v0;
	_ =	sdelay $0x1  }
0x119: {  	v3 =	vperm.xlane v3, v2;
	v4 =	vadd.s32 v1, v4;
	_ =	sdelay $0x1  }
0x11a: {  	v3 =	vadd.s32 v1, v3;
	_ =	sdelay $0x2  }
0x11b: {  	[tilespmem:s31], [sflag:$0x2] =	stream.indirect_vreg.gather [hbm4b:s1+s20], $0x80, v4, vm0, $0xb8;
	[tilespmem:$0x1D980] =	vst v63  }
0x11c: {  	_ = 	snop  }
0x11d: {  	[tilespmem:s0], [sflag:$0x2] =	stream.indirect_vreg.gather [hbm4b:s1+s20], $0x80, v3, vm0, $0xb8;
	[tilespmem:$0x1D980] =	vst v63  }
0x11e: {  	v3 =	vld [tilespmem:s21+$0x820];
	_ =	sdelay $0x4  }
0x11f: {  	v4 =	vshll.u32 v3, $0x1  }
0x120: {  	v3 =	vand.u32 $0x7, v3;
	v4 =	vand.u32 $0xFFFFFFF0, v4  }
0x121: {  	v3 =	vor.u32 v3, v4  }
0x122: {  	v4 =	vperm.xlane v3, v0;
	_ =	sdelay $0x1  }
0x123: {  	v3 =	vperm.xlane v3, v2;
	v4 =	vadd.s32 v1, v4;
	_ =	sdelay $0x1  }
0x124: {  	v3 =	vadd.s32 v1, v3;
	_ =	sdelay $0x2  }
0x125: {  	[tilespmem:s2], [sflag:$0x2] =	stream.indirect_vreg.gather [hbm4b:s1+s20], $0x80, v4, vm0, $0xb8;
	[tilespmem:$0x1D980] =	vst v63  }
0x126: {  	_ = 	snop  }
0x127: {  	[tilespmem:s13], [sflag:$0x2] =	stream.indirect_vreg.gather [hbm4b:s1+s20], $0x80, v3, vm0, $0xb8;
	[tilespmem:$0x1D980] =	vst v63  }
0x128: {  	v3 =	vld [tilespmem:s21+$0x830];
	_ =	sdelay $0x4  }
0x129: {  	v4 =	vshll.u32 v3, $0x1  }
0x12a: {  	v3 =	vand.u32 $0x7, v3;
	v4 =	vand.u32 $0xFFFFFFF0, v4  }
0x12b: {  	v3 =	vor.u32 v3, v4  }
0x12c: {  	v4 =	vperm.xlane v3, v0;
	_ =	sdelay $0x1  }
0x12d: {  	v3 =	vperm.xlane v3, v2;
	v4 =	vadd.s32 v1, v4;
	_ =	sdelay $0x1  }
0x12e: {  	v3 =	vadd.s32 v1, v3;
	_ =	sdelay $0x2  }
0x12f: {  	[tilespmem:s14], [sflag:$0x2] =	stream.indirect_vreg.gather [hbm4b:s1+s20], $0x80, v4, vm0, $0xb8;
	[tilespmem:$0x1D980] =	vst v63  }
0x130: {  	_ = 	snop  }
0x131: {  	[tilespmem:s4], [sflag:$0x2] =	stream.indirect_vreg.gather [hbm4b:s1+s20], $0x80, v3, vm0, $0xb8;
	[tilespmem:$0x1D980] =	vst v63  }
0x132: {  	_ =	swait.ge [sflag:s5], $0x4000  }
0x133: {  	[sflag:s5] =	ssyncset.done $0x0  }
0x134: {  	[sflag:s5] =	ssyncadd.s32 $0xFFFFC000  }
0x135: {  	_ =	swait.ge [sflag:s5], $0x4000  }
0x136: {  	[sflag:s5] =	ssyncset.done $0x0  }
0x137: {  	[sflag:s5] =	ssyncadd.s32 $0xFFFFC000  }
0x138: {  	_ =	swait.ge [sflag:s5], $0x4000  }
0x139: {  	s30 =	sand.u32 $0x3800, s20;
	s20 =	sand.u32 $0x380, s20;
	[sflag:s5] =	ssyncset.done $0x0  }
0x13a: {  	s21 =	sor.u32 s20, s30;
	[sflag:s5] =	ssyncadd.s32 $0xFFFFC000  }
0x13b: {  	v29 =	vld [tilespmem:s21+$0x1980]  }
0x13c: {  	v33 =	vld [tilespmem:s21+$0x5980]  }
0x13d: {  	v3 =	vld [tilespmem:s21+$0x1990]  }
0x13e: {  	v9 =	vld [tilespmem:s21+$0x5990]  }
0x13f: {  	v11 =	vld [tilespmem:s21+$0x19A0]  }
0x140: {  	v5 =	vld [tilespmem:s21+$0x59A0]  }
0x141: {  	v34 =	vld [tilespmem:s21+$0x19B0]  }
0x142: {  	v36 =	vld [tilespmem:s21+$0x59B0]  }
0x143: {  	v23 =	vld [tilespmem:s21+$0x19C0]  }
0x144: {  	v7 =	vld [tilespmem:s21+$0x59C0]  }
0x145: {  	v25 =	vld [tilespmem:s21+$0x19D0]  }
0x146: {  	v19 =	vld [tilespmem:s21+$0x59D0]  }
0x147: {  	v22 =	vld [tilespmem:s21+$0x19E0]  }
0x148: {  	v38 =	vld [tilespmem:s21+$0x59E0]  }
0x149: {  	v27 =	vld [tilespmem:s21+$0x19F0]  }
0x14a: {  	v28 =	vld [tilespmem:s21+$0x1D80]  }
0x14b: {  	v13 =	vld [tilespmem:s21+$0x9DE0]  }
0x14c: {  	v4 =	vld [tilespmem:s21+$0x99D0]  }
0x14d: {  	v6 =	vld [tilespmem:s21+$0x99B0]  }
0x14e: {  	v10 =	vld [tilespmem:s21+$0x9DD0]  }
0x14f: {  	v8 =	vld [tilespmem:s21+$0x9DA0]  }
0x150: {  	v16 =	vld [tilespmem:s21+$0x9DB0]  }
0x151: {  	v14 =	vld [tilespmem:s21+$0x5DA0]  }
0x152: {  	v20 =	vld [tilespmem:s21+$0x9980]  }
0x153: {  	v26 =	vld [tilespmem:s21+$0x99F0]  }
0x154: {  	v18 =	vld [tilespmem:s21+$0x1D90]  }
0x155: {  	v17 =	vld [tilespmem:s21+$0x99A0]  }
0x156: {  	v32 =	vld [tilespmem:s21+$0x99E0]  }
0x157: {  	v24 =	vld [tilespmem:s21+$0x9D90]  }
0x158: {  	v31 =	vld [tilespmem:s21+$0x9990]  }
0x159: {  	v35 =	vld [tilespmem:s21+$0x9DC0]  }
0x15a: {  	v47 =	vld [tilespmem:s21+$0x5DC0]  }
0x15b: {  	v12 =	vld [tilespmem:s21+$0x9DF0]  }
0x15c: {  	v42 =	vld [tilespmem:s21+$0x1DC0]  }
0x15d: {  	v39 =	vld [tilespmem:s21+$0x5DF0]  }
0x15e: {  	v37 =	vld [tilespmem:s21+$0x5DD0]  }
0x15f: {  	v21 =	vld.msk [tilespmem:s9+$0x0 ss:$0x0], $0xffff  }
0x160: {  	v30 =	vld.msk [tilespmem:s8+$0x0 ss:$0x0], $0xffff  }
0x161: {  	v43 =	vld [tilespmem:s21+$0x59F0]  }
0x162: {  	v44 =	vld [tilespmem:s21+$0x1DE0]  }
0x163: {  	v15 =	vld.msk [tilespmem:s11+$0x0 ss:$0x0], $0xffff  }
0x164: {  	v50 =	vld [tilespmem:s21+$0x5D90]  }
0x165: {  	v63 =	vld [tilespmem:s21+$0x1DA0];
	v51 =	vmul.f32 v33, v21;
	v40 =	vmul.f32 v37, v21  }
0x166: {  	v52 =	vld [tilespmem:s21+$0x1DB0];
	v41 =	vmul.f32 v34, v30;
	v37 =	vmul.f32 v43, v21  }
0x167: {  	v48 =	vld [tilespmem:s21+$0x1DF0];
	v53 =	vmul.f32 v29, v30;
	v43 =	vmul.f32 v38, v21  }
0x168: {  	v46 =	vmul.f32 v44, v30;
	v34 =	vld [tilespmem:s21+$0x5DE0];
	v45 =	vmul.f32 v39, v21  }
0x169: {  	v39 =	vmul.f32 v36, v21;
	v36 =	vld [tilespmem:s21+$0x5D80];
	v49 =	vmul.f32 v42, v30  }
0x16a: {  	s22 =	sadd.s32 $0x1, s8;
	s23 =	simm.s32 $0x80;
	s24 =	sadd.s32 $0x1, s11;
	v44 =	vld [tilespmem:s21+$0x9D80];
	v29 =	vmul.f32 v50, v21;
	v33 =	vmul.f32 v63, v30  }
0x16b: {  	s25 =	sadd.s32 $0x1, s9;
	s26 =	simm.s32 $0x100;
	s20 =	sshll.u32 s18, $0x7;
	v42 =	vmul.f32 v52, v30;
	v50 =	vmul.f32 v47, v21;
	v47 =	vld [tilespmem:s21+$0x1DD0];
	v38 =	vadd.f32 v51, v53  }
.LBB2_3:
0x16c: {  	s29 =	smov.u32 s26  }
0x16d: {  	s28 =	sand.u32 $0x3800, s26;
	s30 =	sand.u32 $0x380, s23;
	v51 =	vmul.f32 v23, v30;
	v23 =	vld [tilespmem:s21+$0x5DB0];
	v48 =	vmul.f32 v48, v30;
	s29 =	sadd.s32 $0x100, s26  }
0x16e: {  	p0 =	sne.s32 s26, $0x3F00;
	v25 =	vmul.f32 v25, v30;
	s28 =	sor.u32 s30, s28;
	v49 =	vadd.f32 v50, v49;
	v50 =	vmul.f32 v34, v21;
	v52 =	vld [tilespmem:s21+$0x99C0]  }
0x16f: {  	v53 =	vmul.f32 v11, v30;
	v54 =	vmul.f32 v36, v21;
	v34 =	vld [tilespmem:s28+$0x1980]  }
0x170: {  	v19 =	vmul.f32 v19, v21;
	v22 =	vmul.f32 v22, v30;
	v46 =	vadd.f32 v50, v46;
	v36 =	vld [tilespmem:s28+$0x5980]  }
0x171: {  	v27 =	vmul.f32 v27, v30;
	v45 =	vadd.f32 v45, v48;
	v47 =	vmul.f32 v47, v30;
	v50 =	vld [tilespmem:s28+$0x1990]  }
0x172: {  	v55 =	vadd.f32 v39, v41;
	v28 =	vmul.f32 v28, v30;
	v56 =	vmul.f32 v13, v15;
	v48 =	vld [tilespmem:s28+$0x5990]  }
0x173: {  	v57 =	vadd.f32 v19, v25;
	v13 =	vmul.f32 v23, v21;
	v11 =	vld [tilespmem:s28+$0x19A0];
	v52 =	vmul.f32 v52, v15  }
0x174: {  	v25 =	vmul.f32 v44, v15;
	v19 =	vadd.f32 v54, v28;
	v23 =	vmul.f32 v35, v15;
	v58 =	vld [tilespmem:s28+$0x59A0]  }
0x175: {  	v31 =	vmul.f32 v31, v15;
	v28 =	vmul.f32 v9, v21;
	v35 =	vadd.f32 v40, v47;
	v41 =	vld [tilespmem:s28+$0x19B0]  }
0x176: {  	v5 =	vmul.f32 v5, v21;
	v24 =	vmul.f32 v24, v15;
	v47 =	vadd.f32 v23, v49;
	v39 =	vld [tilespmem:s28+$0x59B0]  }
0x177: {  	v32 =	vmul.f32 v32, v15;
	v22 =	vadd.f32 v43, v22;
	v40 =	vmul.f32 v3, v30;
	v3 =	vmovc v50;
	v23 =	vld [tilespmem:s28+$0x19C0]  }
0x178: {  	v17 =	vmul.f32 v17, v15;
	v18 =	vmul.f32 v18, v30;
	v44 =	vadd.f32 v25, v19;
	v43 =	vld [tilespmem:s28+$0x59C0];
	[tilespmem:s21+$0x19DC0] =	vst v47  }
0x179: {  	v26 =	vmul.f32 v26, v15;
	v27 =	vadd.f32 v37, v27;
	v30 =	vadd.f32 v32, v22;
	v9 =	vmovc v48;
	v25 =	vld [tilespmem:s28+$0x19D0]  }
0x17a: {  	v20 =	vmul.f32 v20, v15;
	v14 =	vmul.f32 v14, v21;
	v32 =	vadd.f32 v5, v53;
	v19 =	vld [tilespmem:s28+$0x59D0];
	[tilespmem:s21+$0x19D80] =	vst v44  }
0x17b: {  	v16 =	vmul.f32 v16, v15;
	v47 =	vmul.f32 v7, v21;
	v21 =	vadd.f32 v26, v27;
	v22 =	vld [tilespmem:s28+$0x19E0];
	[tilespmem:s21+$0x199E0] =	vst v30  }
0x17c: {  	v20 =	vadd.f32 v20, v38;
	v26 =	vmul.f32 v8, v15;
	v8 =	vadd.f32 v13, v42;
	v5 =	vmovc v58;
	v44 =	vld [tilespmem:s28+$0x59E0]  }
0x17d: {  	v10 =	vmul.f32 v10, v15;
	v37 =	vadd.f32 v47, v51;
	v30 =	vadd.f32 v28, v40;
	v27 =	vld [tilespmem:s28+$0x19F0];
	v7 =	vmovc v43  }
0x17e: {  	v14 =	vadd.f32 v14, v33;
	v28 =	vld [tilespmem:s28+$0x1D80];
	[tilespmem:s21+$0x19980] =	vst v20;
	v20 =	vmul.f32 v6, v15;
	v6 =	vadd.f32 v16, v8  }
0x17f: {  	v10 =	vadd.f32 v10, v35;
	v30 =	vadd.f32 v31, v30;
	v8 =	vmul.f32 v4, v15;
	v13 =	vld [tilespmem:s28+$0x9DE0];
	[tilespmem:s21+$0x199F0] =	vst v21  }
0x180: {  	v12 =	vmul.f32 v12, v15;
	v18 =	vadd.f32 v29, v18;
	v16 =	vadd.f32 v52, v37;
	v4 =	vld [tilespmem:s28+$0x99D0];
	[tilespmem:s21+$0x19DB0] =	vst v6  }
0x181: {  	v15 =	vadd.f32 v17, v32;
	v17 =	vadd.f32 v8, v57;
	v6 =	vld [tilespmem:s28+$0x99B0];
	[tilespmem:s21+$0x19DD0] =	vst v10  }
0x182: {  	v21 =	vadd.f32 v24, v18;
	v24 =	vadd.f32 v56, v46;
	v10 =	vld [tilespmem:s28+$0x9DD0];
	[tilespmem:s21+$0x199C0] =	vst v16  }
0x183: {  	v12 =	vadd.f32 v12, v45;
	v18 =	vadd.f32 v20, v55;
	v8 =	vld [tilespmem:s28+$0x9DA0];
	[tilespmem:s21+$0x199D0] =	vst v17  }
0x184: {  	v17 =	vadd.f32 v26, v14;
	v16 =	vld [tilespmem:s28+$0x9DB0];
	[tilespmem:s21+$0x19990] =	vst v30  }
0x185: {  	v14 =	vld [tilespmem:s28+$0x5DA0];
	[tilespmem:s21+$0x199B0] =	vst v18  }
0x186: {  	v20 =	vld [tilespmem:s28+$0x9980];
	[tilespmem:s21+$0x19DA0] =	vst v17  }
0x187: {  	v26 =	vld [tilespmem:s28+$0x99F0];
	[tilespmem:s21+$0x19DF0] =	vst v12  }
0x188: {  	v18 =	vld [tilespmem:s28+$0x1D90];
	[tilespmem:s21+$0x19DE0] =	vst v24  }
0x189: {  	v17 =	vld [tilespmem:s28+$0x99A0];
	[tilespmem:s21+$0x19D90] =	vst v21  }
0x18a: {  	v32 =	vld [tilespmem:s28+$0x99E0];
	[tilespmem:s21+$0x199A0] =	vst v15;
	s21 =	smov.u32 s28  }
0x18b: {  	v24 =	vld [tilespmem:s21+$0x9D90]  }
0x18c: {  	v31 =	vld [tilespmem:s21+$0x9990]  }
0x18d: {  	v35 =	vld [tilespmem:s21+$0x9DC0]  }
0x18e: {  	v47 =	vld [tilespmem:s21+$0x5DC0]  }
0x18f: {  	v12 =	vld [tilespmem:s21+$0x9DF0]  }
0x190: {  	v29 =	vld [tilespmem:s21+$0x1DC0]  }
0x191: {  	v33 =	vld [tilespmem:s21+$0x5DF0]  }
0x192: {  	v37 =	vld [tilespmem:s21+$0x5DD0]  }
0x193: {  	v21 =	vld.msk [tilespmem:s25+$0x0 ss:$0x0], $0xffff  }
0x194: {  	v30 =	vld.msk [tilespmem:s22+$0x0 ss:$0x0], $0xffff  }
0x195: {  	v38 =	vld [tilespmem:s21+$0x59F0]  }
0x196: {  	v42 =	vld [tilespmem:s21+$0x1DE0]  }
0x197: {  	v15 =	vld.msk [tilespmem:s24+$0x0 ss:$0x0], $0xffff  }
0x198: {  	v50 =	vld [tilespmem:s21+$0x5D90]  }
0x199: {  	v36 =	vmul.f32 v36, v21;
	v40 =	vmul.f32 v37, v21;
	v51 =	vld [tilespmem:s21+$0x1DA0]  }
0x19a: {  	v41 =	vmul.f32 v41, v30;
	v37 =	vmul.f32 v38, v21;
	v52 =	vld [tilespmem:s21+$0x1DB0]  }
.Ltmp0:
0x19b: {  	v43 =	vmul.f32 v44, v21;
	v38 =	vmul.f32 v34, v30;
	v48 =	vld [tilespmem:s21+$0x1DF0];
	(pc) =	sbr.rel @p0 .LBB2_3-.Ltmp0, $4  }
0x19c: {  	v45 =	vmul.f32 v33, v21;
	v46 =	vmul.f32 v42, v30;
	v34 =	vld [tilespmem:s21+$0x5DE0]  }
0x19d: {  	v39 =	vmul.f32 v39, v21;
	v49 =	vmul.f32 v29, v30;
	v38 =	vadd.f32 v36, v38;
	v36 =	vld [tilespmem:s21+$0x5D80]  }
0x19e: {  	s23 =	sadd.s32 $0x80, s23;
	s22 =	sadd.s32 $0x1, s22;
	v29 =	vmul.f32 v50, v21;
	v44 =	vld [tilespmem:s21+$0x9D80];
	v33 =	vmul.f32 v51, v30  }
0x19f: {  	s26 =	smov.u32 s29;
	s25 =	sadd.s32 $0x1, s25;
	s24 =	sadd.s32 $0x1, s24;
	v50 =	vmul.f32 v47, v21;
	v42 =	vmul.f32 v52, v30;
	v47 =	vld [tilespmem:s21+$0x1DD0]  }
0x1a0: {  	v23 =	vmul.f32 v23, v30  }
0x1a1: {  	v48 =	vmul.f32 v48, v30;
	v25 =	vmul.f32 v25, v30  }
0x1a2: {  	v11 =	vmul.f32 v11, v30;
	v19 =	vmul.f32 v19, v21  }
0x1a3: {  	v22 =	vmul.f32 v22, v30;
	v27 =	vmul.f32 v27, v30  }
0x1a4: {  	v28 =	vmul.f32 v28, v30;
	v32 =	vmul.f32 v32, v15  }
0x1a5: {  	v9 =	vmul.f32 v9, v21;
	v20 =	vmul.f32 v20, v15  }
0x1a6: {  	v26 =	vmul.f32 v26, v15;
	v7 =	vmul.f32 v7, v21  }
0x1a7: {  	v16 =	vmul.f32 v16, v15;
	v3 =	vmul.f32 v3, v30  }
0x1a8: {  	v56 =	vmul.f32 v31, v15;
	v57 =	vadd.f32 v39, v41;
	v6 =	vmul.f32 v6, v15  }
0x1a9: {  	v49 =	vadd.f32 v50, v49;
	v50 =	vmul.f32 v35, v15;
	v45 =	vadd.f32 v45, v48  }
0x1aa: {  	v36 =	vmul.f32 v36, v21;
	v22 =	vadd.f32 v43, v22;
	v20 =	vadd.f32 v20, v38  }
0x1ab: {  	v4 =	vmul.f32 v4, v15;
	v27 =	vadd.f32 v37, v27;
	v6 =	vadd.f32 v6, v57  }
0x1ac: {  	v51 =	vld [tilespmem:s21+$0x99C0];
	v14 =	vmul.f32 v14, v21;
	v48 =	vadd.f32 v36, v28;
	v28 =	vadd.f32 v50, v49;
	[tilespmem:s21+$0x19980] =	vst v20  }
0x1ad: {  	v8 =	vmul.f32 v8, v15;
	v3 =	vadd.f32 v9, v3;
	v22 =	vadd.f32 v32, v22;
	[tilespmem:s21+$0x199B0] =	vst v6  }
0x1ae: {  	v52 =	vld [tilespmem:s21+$0x5DB0];
	v12 =	vmul.f32 v12, v15;
	v19 =	vadd.f32 v19, v25;
	v55 =	vadd.f32 v26, v27;
	[tilespmem:s21+$0x19DC0] =	vst v28  }
0x1af: {  	v34 =	vmul.f32 v34, v21;
	v58 =	vadd.f32 v14, v33;
	v3 =	vadd.f32 v56, v3;
	[tilespmem:s21+$0x199E0] =	vst v22  }
0x1b0: {  	v60 =	vmul.f32 v13, v15;
	v62 =	vmul.f32 v47, v30;
	v4 =	vadd.f32 v4, v19;
	[tilespmem:s21+$0x199F0] =	vst v55  }
0x1b1: {  	v34 =	vadd.f32 v34, v46;
	v63 =	vmul.f32 v51, v15;
	[tilespmem:s21+$0x19990] =	vst v3;
	v3 =	vadd.f32 v8, v58  }
0x1b2: {  	v51 =	vmul.f32 v44, v15;
	v54 =	vadd.f32 v40, v62;
	[tilespmem:s21+$0x199D0] =	vst v4;
	v62 =	vadd.f32 v12, v45  }
0x1b3: {  	v7 =	vadd.f32 v7, v23;
	v52 =	vmul.f32 v52, v21;
	v4 =	vadd.f32 v60, v34;
	[tilespmem:s21+$0x19DA0] =	vst v3  }
0x1b4: {  	v10 =	vmul.f32 v10, v15;
	v5 =	vmul.f32 v5, v21;
	v25 =	vadd.f32 v51, v48;
	[tilespmem:s21+$0x19DF0] =	vst v62  }
0x1b5: {  	v59 =	vmul.f32 v18, v30;
	v53 =	vadd.f32 v52, v42;
	v7 =	vadd.f32 v63, v7;
	[tilespmem:s21+$0x19DE0] =	vst v4  }
0x1b6: {  	v5 =	vadd.f32 v5, v11;
	v63 =	vmul.f32 v17, v15;
	v10 =	vadd.f32 v10, v54;
	[tilespmem:s21+$0x19D80] =	vst v25  }
0x1b7: {  	v61 =	vmul.f32 v24, v15;
	v16 =	vadd.f32 v16, v53;
	[tilespmem:s21+$0x199C0] =	vst v7;
	v7 =	vadd.f32 v29, v59  }
0x1b8: {  	v5 =	vadd.f32 v63, v5;
	[tilespmem:s21+$0x19DD0] =	vst v10  }
0x1b9: {  	[tilespmem:s21+$0x19DB0] =	vst v16;
	v3 =	vadd.f32 v61, v7  }
0x1ba: {  	s22 =	sshll.u32 s18, $0xC;
	p0 =	seq.s32 s18, $0x7;
	[tilespmem:s21+$0x199A0] =	vst v5  }
.Ltmp1:
0x1bb: {  	s30 =	sadd.s32 s22, s10;
	[tilespmem:s21+$0x19D90] =	vst v3;
	(pc) =	sbr.rel @p0 .LBB2_6-.Ltmp1, $4  }
0x1bc: {  	[hbm4b:s30+s3] =	stream.linear.scatter [tilespmem:s6], [sflag:$0x3], $0x4000, $0x38;
	[tilespmem:$0x1D980] =	vst v63  }
0x1bd: {  	_ =	swait.ge [sflag:s12], $0x4000  }
0x1be: {  	[sflag:s12] =	ssyncset.done $0x0  }
0x1bf: {  	[sflag:s12] =	ssyncadd.s32 $0xFFFFC000  }
0x1c0: {  	v3 =	vld [tilespmem:s20+$0x80];
	_ =	sdelay $0x4  }
0x1c1: {  	v4 =	vshll.u32 v3, $0x1  }
0x1c2: {  	v3 =	vand.u32 $0x7, v3;
	v4 =	vand.u32 $0xFFFFFFF0, v4  }
0x1c3: {  	v3 =	vor.u32 v3, v4  }
0x1c4: {  	v4 =	vperm.xlane v3, v0;
	_ =	sdelay $0x1  }
0x1c5: {  	v3 =	vperm.xlane v3, v2;
	v4 =	vadd.s32 v1, v4;
	_ =	sdelay $0x1  }
0x1c6: {  	v3 =	vadd.s32 v1, v3;
	_ =	sdelay $0x1  }
0x1c7: {  	s21 =	simm.s32 $0x1980  }
0x1c8: {  	[tilespmem:s21], [sflag:$0x1] =	stream.indirect_vreg.gather [hbm4b:s1+s3], $0x80, v4, vm0, $0xb8;
	[tilespmem:$0x1D980] =	vst v63  }
0x1c9: {  	s23 =	simm.s32 $0x2180  }
0x1ca: {  	[tilespmem:s23], [sflag:$0x1] =	stream.indirect_vreg.gather [hbm4b:s1+s3], $0x80, v3, vm0, $0xb8;
	[tilespmem:$0x1D980] =	vst v63  }
0x1cb: {  	v3 =	vld [tilespmem:s20+$0x90];
	_ =	sdelay $0x4  }
0x1cc: {  	v53 =	vshll.u32 v3, $0x1  }
0x1cd: {  	v3 =	vand.u32 $0x7, v3;
	v4 =	vand.u32 $0xFFFFFFF0, v53  }
0x1ce: {  	v3 =	vor.u32 v3, v4  }
0x1cf: {  	v4 =	vperm.xlane v3, v0;
	_ =	sdelay $0x1  }
0x1d0: {  	v3 =	vperm.xlane v3, v2;
	v4 =	vadd.s32 v1, v4;
	_ =	sdelay $0x1  }
0x1d1: {  	v3 =	vadd.s32 v1, v3;
	_ =	sdelay $0x1  }
0x1d2: {  	s24 =	simm.s32 $0x2980  }
0x1d3: {  	[tilespmem:s24], [sflag:$0x1] =	stream.indirect_vreg.gather [hbm4b:s1+s3], $0x80, v4, vm0, $0xb8;
	[tilespmem:$0x1D980] =	vst v63  }
0x1d4: {  	s25 =	simm.s32 $0x3180  }
0x1d5: {  	[tilespmem:s25], [sflag:$0x1] =	stream.indirect_vreg.gather [hbm4b:s1+s3], $0x80, v3, vm0, $0xb8;
	[tilespmem:$0x1D980] =	vst v63  }
0x1d6: {  	v3 =	vld [tilespmem:s20+$0xA0];
	_ =	sdelay $0x4  }
0x1d7: {  	v54 =	vshll.u32 v3, $0x1  }
0x1d8: {  	v3 =	vand.u32 $0x7, v3;
	v4 =	vand.u32 $0xFFFFFFF0, v54  }
0x1d9: {  	v3 =	vor.u32 v3, v4  }
0x1da: {  	v4 =	vperm.xlane v3, v0;
	_ =	sdelay $0x1  }
0x1db: {  	v3 =	vperm.xlane v3, v2;
	v4 =	vadd.s32 v1, v4;
	_ =	sdelay $0x1  }
0x1dc: {  	v3 =	vadd.s32 v1, v3;
	_ =	sdelay $0x1  }
0x1dd: {  	s26 =	simm.s32 $0x3980  }
0x1de: {  	[tilespmem:s26], [sflag:$0x1] =	stream.indirect_vreg.gather [hbm4b:s1+s3], $0x80, v4, vm0, $0xb8;
	[tilespmem:$0x1D980] =	vst v63  }
0x1df: {  	s28 =	simm.s32 $0x4180  }
0x1e0: {  	[tilespmem:s28], [sflag:$0x1] =	stream.indirect_vreg.gather [hbm4b:s1+s3], $0x80, v3, vm0, $0xb8;
	[tilespmem:$0x1D980] =	vst v63  }
0x1e1: {  	v3 =	vld [tilespmem:s20+$0xB0];
	_ =	sdelay $0x4  }
0x1e2: {  	v55 =	vshll.u32 v3, $0x1  }
0x1e3: {  	v3 =	vand.u32 $0x7, v3;
	v4 =	vand.u32 $0xFFFFFFF0, v55  }
0x1e4: {  	v3 =	vor.u32 v3, v4  }
0x1e5: {  	v4 =	vperm.xlane v3, v0;
	_ =	sdelay $0x1  }
0x1e6: {  	v3 =	vperm.xlane v3, v2;
	v4 =	vadd.s32 v1, v4;
	_ =	sdelay $0x1  }
0x1e7: {  	v3 =	vadd.s32 v1, v3;
	_ =	sdelay $0x1  }
0x1e8: {  	s29 =	simm.s32 $0x4980  }
0x1e9: {  	[tilespmem:s29], [sflag:$0x1] =	stream.indirect_vreg.gather [hbm4b:s1+s3], $0x80, v4, vm0, $0xb8;
	[tilespmem:$0x1D980] =	vst v63  }
0x1ea: {  	s30 =	simm.s32 $0x5180  }
0x1eb: {  	[tilespmem:s30], [sflag:$0x1] =	stream.indirect_vreg.gather [hbm4b:s1+s3], $0x80, v3, vm0, $0xb8;
	[tilespmem:$0x1D980] =	vst v63  }
0x1ec: {  	v3 =	vld [tilespmem:s20+$0x480];
	_ =	sdelay $0x4  }
0x1ed: {  	v56 =	vshll.u32 v3, $0x1  }
0x1ee: {  	v3 =	vand.u32 $0x7, v3;
	v4 =	vand.u32 $0xFFFFFFF0, v56  }
0x1ef: {  	v3 =	vor.u32 v3, v4  }
0x1f0: {  	v4 =	vperm.xlane v3, v0;
	_ =	sdelay $0x1  }
0x1f1: {  	v3 =	vperm.xlane v3, v2;
	v4 =	vadd.s32 v1, v4;
	_ =	sdelay $0x1  }
0x1f2: {  	v3 =	vadd.s32 v1, v3;
	_ =	sdelay $0x1  }
0x1f3: {  	s22 =	simm.s32 $0x5980  }
0x1f4: {  	[tilespmem:s22], [sflag:$0x1] =	stream.indirect_vreg.gather [hbm4b:s1+s3], $0x80, v4, vm0, $0xb8;
	[tilespmem:$0x1D980] =	vst v63  }
0x1f5: {  	s23 =	simm.s32 $0x6180  }
0x1f6: {  	[tilespmem:s23], [sflag:$0x1] =	stream.indirect_vreg.gather [hbm4b:s1+s3], $0x80, v3, vm0, $0xb8;
	[tilespmem:$0x1D980] =	vst v63  }
0x1f7: {  	v3 =	vld [tilespmem:s20+$0x490];
	_ =	sdelay $0x4  }
0x1f8: {  	v57 =	vshll.u32 v3, $0x1  }
0x1f9: {  	v3 =	vand.u32 $0x7, v3;
	v4 =	vand.u32 $0xFFFFFFF0, v57  }
0x1fa: {  	v3 =	vor.u32 v3, v4  }
0x1fb: {  	v4 =	vperm.xlane v3, v0;
	_ =	sdelay $0x1  }
0x1fc: {  	v3 =	vperm.xlane v3, v2;
	v4 =	vadd.s32 v1, v4;
	_ =	sdelay $0x1  }
0x1fd: {  	v3 =	vadd.s32 v1, v3;
	_ =	sdelay $0x1  }
0x1fe: {  	s24 =	simm.s32 $0x6980  }
0x1ff: {  	[tilespmem:s24], [sflag:$0x1] =	stream.indirect_vreg.gather [hbm4b:s1+s3], $0x80, v4, vm0, $0xb8;
	[tilespmem:$0x1D980] =	vst v63  }
0x200: {  	s25 =	simm.s32 $0x7180  }
0x201: {  	[tilespmem:s25], [sflag:$0x1] =	stream.indirect_vreg.gather [hbm4b:s1+s3], $0x80, v3, vm0, $0xb8;
	[tilespmem:$0x1D980] =	vst v63  }
0x202: {  	v3 =	vld [tilespmem:s20+$0x4A0];
	_ =	sdelay $0x4  }
0x203: {  	v58 =	vshll.u32 v3, $0x1  }
0x204: {  	v3 =	vand.u32 $0x7, v3;
	v4 =	vand.u32 $0xFFFFFFF0, v58  }
0x205: {  	v3 =	vor.u32 v3, v4  }
0x206: {  	v4 =	vperm.xlane v3, v0;
	_ =	sdelay $0x1  }
0x207: {  	v3 =	vperm.xlane v3, v2;
	v4 =	vadd.s32 v1, v4;
	_ =	sdelay $0x1  }
0x208: {  	v3 =	vadd.s32 v1, v3;
	_ =	sdelay $0x1  }
0x209: {  	s26 =	simm.s32 $0x7980  }
0x20a: {  	[tilespmem:s26], [sflag:$0x1] =	stream.indirect_vreg.gather [hbm4b:s1+s3], $0x80, v4, vm0, $0xb8;
	[tilespmem:$0x1D980] =	vst v63  }
0x20b: {  	s28 =	simm.s32 $0x8180  }
0x20c: {  	[tilespmem:s28], [sflag:$0x1] =	stream.indirect_vreg.gather [hbm4b:s1+s3], $0x80, v3, vm0, $0xb8;
	[tilespmem:$0x1D980] =	vst v63  }
0x20d: {  	v3 =	vld [tilespmem:s20+$0x4B0];
	_ =	sdelay $0x4  }
0x20e: {  	v59 =	vshll.u32 v3, $0x1  }
0x20f: {  	v3 =	vand.u32 $0x7, v3;
	v4 =	vand.u32 $0xFFFFFFF0, v59  }
0x210: {  	v3 =	vor.u32 v3, v4  }
0x211: {  	v4 =	vperm.xlane v3, v0;
	_ =	sdelay $0x1  }
0x212: {  	v3 =	vperm.xlane v3, v2;
	v4 =	vadd.s32 v1, v4;
	_ =	sdelay $0x1  }
0x213: {  	v3 =	vadd.s32 v1, v3;
	_ =	sdelay $0x1  }
0x214: {  	s29 =	simm.s32 $0x8980  }
0x215: {  	[tilespmem:s29], [sflag:$0x1] =	stream.indirect_vreg.gather [hbm4b:s1+s3], $0x80, v4, vm0, $0xb8;
	[tilespmem:$0x1D980] =	vst v63  }
0x216: {  	s30 =	simm.s32 $0x9180  }
0x217: {  	[tilespmem:s30], [sflag:$0x1] =	stream.indirect_vreg.gather [hbm4b:s1+s3], $0x80, v3, vm0, $0xb8;
	[tilespmem:$0x1D980] =	vst v63  }
0x218: {  	v3 =	vld [tilespmem:s20+$0x880];
	_ =	sdelay $0x4  }
0x219: {  	v60 =	vshll.u32 v3, $0x1  }
0x21a: {  	v3 =	vand.u32 $0x7, v3;
	v4 =	vand.u32 $0xFFFFFFF0, v60  }
0x21b: {  	v3 =	vor.u32 v3, v4  }
0x21c: {  	v4 =	vperm.xlane v3, v0;
	_ =	sdelay $0x1  }
0x21d: {  	v3 =	vperm.xlane v3, v2;
	v4 =	vadd.s32 v1, v4;
	_ =	sdelay $0x1  }
0x21e: {  	v3 =	vadd.s32 v1, v3;
	_ =	sdelay $0x1  }
0x21f: {  	s22 =	simm.s32 $0x9980  }
0x220: {  	[tilespmem:s22], [sflag:$0x1] =	stream.indirect_vreg.gather [hbm4b:s1+s3], $0x80, v4, vm0, $0xb8;
	[tilespmem:$0x1D980] =	vst v63  }
0x221: {  	s23 =	simm.s32 $0xA180  }
0x222: {  	[tilespmem:s23], [sflag:$0x1] =	stream.indirect_vreg.gather [hbm4b:s1+s3], $0x80, v3, vm0, $0xb8;
	[tilespmem:$0x1D980] =	vst v63  }
0x223: {  	v3 =	vld [tilespmem:s20+$0x890];
	_ =	sdelay $0x4  }
0x224: {  	v61 =	vshll.u32 v3, $0x1  }
0x225: {  	v3 =	vand.u32 $0x7, v3;
	v4 =	vand.u32 $0xFFFFFFF0, v61  }
0x226: {  	v3 =	vor.u32 v3, v4  }
0x227: {  	v4 =	vperm.xlane v3, v0;
	_ =	sdelay $0x1  }
0x228: {  	v3 =	vperm.xlane v3, v2;
	v4 =	vadd.s32 v1, v4;
	_ =	sdelay $0x1  }
0x229: {  	v3 =	vadd.s32 v1, v3;
	_ =	sdelay $0x1  }
0x22a: {  	s24 =	simm.s32 $0xA980  }
0x22b: {  	[tilespmem:s24], [sflag:$0x1] =	stream.indirect_vreg.gather [hbm4b:s1+s3], $0x80, v4, vm0, $0xb8;
	[tilespmem:$0x1D980] =	vst v63  }
0x22c: {  	s25 =	simm.s32 $0xB180  }
0x22d: {  	[tilespmem:s25], [sflag:$0x1] =	stream.indirect_vreg.gather [hbm4b:s1+s3], $0x80, v3, vm0, $0xb8;
	[tilespmem:$0x1D980] =	vst v63  }
0x22e: {  	v3 =	vld [tilespmem:s20+$0x8A0];
	_ =	sdelay $0x4  }
0x22f: {  	v62 =	vshll.u32 v3, $0x1  }
0x230: {  	v3 =	vand.u32 $0x7, v3;
	v4 =	vand.u32 $0xFFFFFFF0, v62  }
0x231: {  	v3 =	vor.u32 v3, v4  }
0x232: {  	v4 =	vperm.xlane v3, v0;
	_ =	sdelay $0x1  }
0x233: {  	v3 =	vperm.xlane v3, v2;
	v4 =	vadd.s32 v1, v4;
	_ =	sdelay $0x1  }
0x234: {  	v3 =	vadd.s32 v1, v3;
	_ =	sdelay $0x1  }
0x235: {  	s26 =	simm.s32 $0xB980  }
0x236: {  	[tilespmem:s26], [sflag:$0x1] =	stream.indirect_vreg.gather [hbm4b:s1+s3], $0x80, v4, vm0, $0xb8;
	[tilespmem:$0x1D980] =	vst v63  }
0x237: {  	s28 =	simm.s32 $0xC180  }
0x238: {  	[tilespmem:s28], [sflag:$0x1] =	stream.indirect_vreg.gather [hbm4b:s1+s3], $0x80, v3, vm0, $0xb8;
	[tilespmem:$0x1D980] =	vst v63  }
0x239: {  	v3 =	vld [tilespmem:s20+$0x8B0];
	_ =	sdelay $0x4  }
0x23a: {  	v63 =	vshll.u32 v3, $0x1  }
0x23b: {  	v3 =	vand.u32 $0x7, v3;
	v4 =	vand.u32 $0xFFFFFFF0, v63  }
0x23c: {  	v3 =	vor.u32 v3, v4  }
0x23d: {  	v4 =	vperm.xlane v3, v0;
	_ =	sdelay $0x1  }
0x23e: {  	v3 =	vperm.xlane v3, v2;
	v4 =	vadd.s32 v1, v4;
	_ =	sdelay $0x1  }
0x23f: {  	v3 =	vadd.s32 v1, v3;
	_ =	sdelay $0x1  }
0x240: {  	s29 =	simm.s32 $0xC980  }
0x241: {  	[tilespmem:s29], [sflag:$0x1] =	stream.indirect_vreg.gather [hbm4b:s1+s3], $0x80, v4, vm0, $0xb8;
	[tilespmem:$0x1D980] =	vst v63  }
0x242: {  	s30 =	simm.s32 $0xD180  }
0x243: {  	[tilespmem:s30], [sflag:$0x1] =	stream.indirect_vreg.gather [hbm4b:s1+s3], $0x80, v3, vm0, $0xb8;
	[tilespmem:$0x1D980] =	vst v63  }
.LBB2_6:
0x244: {  	_ =	swait.ge [sflag:s7], $0x4000  }
0x245: {  	[sflag:s7] =	ssyncset.done $0x0  }
0x246: {  	[sflag:s7] =	ssyncadd.s32 $0xFFFFC000  }
0x247: {  	_ =	swait.ge [sflag:s7], $0x4000  }
0x248: {  	[sflag:s7] =	ssyncset.done $0x0  }
0x249: {  	[sflag:s7] =	ssyncadd.s32 $0xFFFFC000  }
0x24a: {  	s20 =	simm.s32 $0x0;
	_ =	swait.ge [sflag:s7], $0x4000  }
0x24b: {  	s21 =	sand.u32 $0x3800, s20;
	s20 =	sand.u32 $0x380, s20;
	[sflag:s7] =	ssyncset.done $0x0  }
0x24c: {  	s20 =	sor.u32 s20, s21;
	[sflag:s7] =	ssyncadd.s32 $0xFFFFC000  }
0x24d: {  	v29 =	vld [tilespmem:s20+$0xD980]  }
0x24e: {  	v33 =	vld [tilespmem:s20+$0x11980]  }
0x24f: {  	v3 =	vld [tilespmem:s20+$0xD990]  }
0x250: {  	v9 =	vld [tilespmem:s20+$0x11990]  }
0x251: {  	v11 =	vld [tilespmem:s20+$0xD9A0]  }
0x252: {  	v5 =	vld [tilespmem:s20+$0x119A0]  }
0x253: {  	v34 =	vld [tilespmem:s20+$0xD9B0]  }
0x254: {  	v36 =	vld [tilespmem:s20+$0x119B0]  }
0x255: {  	v23 =	vld [tilespmem:s20+$0xD9C0]  }
0x256: {  	v7 =	vld [tilespmem:s20+$0x119C0]  }
0x257: {  	v25 =	vld [tilespmem:s20+$0xD9D0]  }
0x258: {  	v19 =	vld [tilespmem:s20+$0x119D0]  }
0x259: {  	v22 =	vld [tilespmem:s20+$0xD9E0]  }
0x25a: {  	v38 =	vld [tilespmem:s20+$0x119E0]  }
0x25b: {  	v27 =	vld [tilespmem:s20+$0xD9F0]  }
0x25c: {  	v28 =	vld [tilespmem:s20+$0xDD80]  }
0x25d: {  	v13 =	vld [tilespmem:s20+$0x15DE0]  }
0x25e: {  	v4 =	vld [tilespmem:s20+$0x159D0]  }
0x25f: {  	v6 =	vld [tilespmem:s20+$0x159B0]  }
0x260: {  	v10 =	vld [tilespmem:s20+$0x15DD0]  }
0x261: {  	v8 =	vld [tilespmem:s20+$0x15DA0]  }
0x262: {  	v16 =	vld [tilespmem:s20+$0x15DB0]  }
0x263: {  	v14 =	vld [tilespmem:s20+$0x11DA0]  }
0x264: {  	v20 =	vld [tilespmem:s20+$0x15980]  }
0x265: {  	v26 =	vld [tilespmem:s20+$0x159F0]  }
0x266: {  	v18 =	vld [tilespmem:s20+$0xDD90]  }
0x267: {  	v17 =	vld [tilespmem:s20+$0x159A0]  }
0x268: {  	v32 =	vld [tilespmem:s20+$0x159E0]  }
0x269: {  	v24 =	vld [tilespmem:s20+$0x15D90]  }
0x26a: {  	v31 =	vld [tilespmem:s20+$0x15990]  }
0x26b: {  	v35 =	vld [tilespmem:s20+$0x15DC0]  }
0x26c: {  	v47 =	vld [tilespmem:s20+$0x11DC0]  }
0x26d: {  	v12 =	vld [tilespmem:s20+$0x15DF0]  }
0x26e: {  	v42 =	vld [tilespmem:s20+$0xDDC0]  }
0x26f: {  	v39 =	vld [tilespmem:s20+$0x11DF0]  }
0x270: {  	v37 =	vld [tilespmem:s20+$0x11DD0]  }
0x271: {  	v21 =	vld.msk [tilespmem:s16+$0x0 ss:$0x0], $0xffff  }
0x272: {  	v30 =	vld.msk [tilespmem:s17+$0x0 ss:$0x0], $0xffff  }
0x273: {  	v43 =	vld [tilespmem:s20+$0x119F0]  }
0x274: {  	v44 =	vld [tilespmem:s20+$0xDDE0]  }
0x275: {  	v15 =	vld.msk [tilespmem:s15+$0x0 ss:$0x0], $0xffff  }
0x276: {  	v50 =	vld [tilespmem:s20+$0x11D90]  }
0x277: {  	v63 =	vld [tilespmem:s20+$0xDDA0];
	v51 =	vmul.f32 v33, v21;
	v40 =	vmul.f32 v37, v21  }
0x278: {  	v52 =	vld [tilespmem:s20+$0xDDB0];
	v41 =	vmul.f32 v34, v30;
	v37 =	vmul.f32 v43, v21  }
0x279: {  	v48 =	vld [tilespmem:s20+$0xDDF0];
	v53 =	vmul.f32 v29, v30;
	v43 =	vmul.f32 v38, v21  }
0x27a: {  	v46 =	vmul.f32 v44, v30;
	v34 =	vld [tilespmem:s20+$0x11DE0];
	v45 =	vmul.f32 v39, v21  }
0x27b: {  	v39 =	vmul.f32 v36, v21;
	v36 =	vld [tilespmem:s20+$0x11D80];
	v49 =	vmul.f32 v42, v30  }
0x27c: {  	s28 =	simm.s32 $0x100;
	s22 =	simm.s32 $0x80;
	v44 =	vld [tilespmem:s20+$0x15D80];
	v29 =	vmul.f32 v50, v21;
	v33 =	vmul.f32 v63, v30  }
0x27d: {  	s23 =	sadd.s32 $0x1, s15;
	s24 =	sadd.s32 $0x1, s16;
	s21 =	sadd.s32 $0x1, s17;
	v42 =	vmul.f32 v52, v30;
	v50 =	vmul.f32 v47, v21;
	v47 =	vld [tilespmem:s20+$0xDDD0];
	v38 =	vadd.f32 v51, v53  }
.LBB2_7:
0x27e: {  	s25 =	smov.u32 s28  }
0x27f: {  	s26 =	sand.u32 $0x3800, s28;
	s29 =	sand.u32 $0x380, s22;
	v51 =	vmul.f32 v23, v30;
	v23 =	vld [tilespmem:s20+$0x11DB0];
	v48 =	vmul.f32 v48, v30;
	s25 =	sadd.s32 $0x100, s28  }
0x280: {  	p0 =	sne.s32 s28, $0x3F00;
	v25 =	vmul.f32 v25, v30;
	s26 =	sor.u32 s29, s26;
	v49 =	vadd.f32 v50, v49;
	v50 =	vmul.f32 v34, v21;
	v52 =	vld [tilespmem:s20+$0x159C0]  }
0x281: {  	v53 =	vmul.f32 v11, v30;
	v54 =	vmul.f32 v36, v21;
	v34 =	vld [tilespmem:s26+$0xD980]  }
0x282: {  	v19 =	vmul.f32 v19, v21;
	v22 =	vmul.f32 v22, v30;
	v46 =	vadd.f32 v50, v46;
	v36 =	vld [tilespmem:s26+$0x11980]  }
0x283: {  	v27 =	vmul.f32 v27, v30;
	v45 =	vadd.f32 v45, v48;
	v47 =	vmul.f32 v47, v30;
	v50 =	vld [tilespmem:s26+$0xD990]  }
0x284: {  	v55 =	vadd.f32 v39, v41;
	v28 =	vmul.f32 v28, v30;
	v56 =	vmul.f32 v13, v15;
	v48 =	vld [tilespmem:s26+$0x11990]  }
0x285: {  	v57 =	vadd.f32 v19, v25;
	v13 =	vmul.f32 v23, v21;
	v11 =	vld [tilespmem:s26+$0xD9A0];
	v52 =	vmul.f32 v52, v15  }
0x286: {  	v25 =	vmul.f32 v44, v15;
	v19 =	vadd.f32 v54, v28;
	v23 =	vmul.f32 v35, v15;
	v58 =	vld [tilespmem:s26+$0x119A0]  }
0x287: {  	v31 =	vmul.f32 v31, v15;
	v28 =	vmul.f32 v9, v21;
	v35 =	vadd.f32 v40, v47;
	v41 =	vld [tilespmem:s26+$0xD9B0]  }
0x288: {  	v5 =	vmul.f32 v5, v21;
	v24 =	vmul.f32 v24, v15;
	v47 =	vadd.f32 v23, v49;
	v39 =	vld [tilespmem:s26+$0x119B0]  }
0x289: {  	v32 =	vmul.f32 v32, v15;
	v22 =	vadd.f32 v43, v22;
	v40 =	vmul.f32 v3, v30;
	v3 =	vmovc v50;
	v23 =	vld [tilespmem:s26+$0xD9C0]  }
0x28a: {  	v17 =	vmul.f32 v17, v15;
	v18 =	vmul.f32 v18, v30;
	v44 =	vadd.f32 v25, v19;
	v43 =	vld [tilespmem:s26+$0x119C0];
	[tilespmem:s20+$0x19DC0] =	vst v47  }
0x28b: {  	v26 =	vmul.f32 v26, v15;
	v27 =	vadd.f32 v37, v27;
	v30 =	vadd.f32 v32, v22;
	v9 =	vmovc v48;
	v25 =	vld [tilespmem:s26+$0xD9D0]  }
0x28c: {  	v20 =	vmul.f32 v20, v15;
	v14 =	vmul.f32 v14, v21;
	v32 =	vadd.f32 v5, v53;
	v19 =	vld [tilespmem:s26+$0x119D0];
	[tilespmem:s20+$0x19D80] =	vst v44  }
0x28d: {  	v16 =	vmul.f32 v16, v15;
	v47 =	vmul.f32 v7, v21;
	v21 =	vadd.f32 v26, v27;
	v22 =	vld [tilespmem:s26+$0xD9E0];
	[tilespmem:s20+$0x199E0] =	vst v30  }
0x28e: {  	v20 =	vadd.f32 v20, v38;
	v26 =	vmul.f32 v8, v15;
	v8 =	vadd.f32 v13, v42;
	v5 =	vmovc v58;
	v44 =	vld [tilespmem:s26+$0x119E0]  }
0x28f: {  	v10 =	vmul.f32 v10, v15;
	v37 =	vadd.f32 v47, v51;
	v30 =	vadd.f32 v28, v40;
	v27 =	vld [tilespmem:s26+$0xD9F0];
	v7 =	vmovc v43  }
0x290: {  	v14 =	vadd.f32 v14, v33;
	v28 =	vld [tilespmem:s26+$0xDD80];
	[tilespmem:s20+$0x19980] =	vst v20;
	v20 =	vmul.f32 v6, v15;
	v6 =	vadd.f32 v16, v8  }
0x291: {  	v10 =	vadd.f32 v10, v35;
	v30 =	vadd.f32 v31, v30;
	v8 =	vmul.f32 v4, v15;
	v13 =	vld [tilespmem:s26+$0x15DE0];
	[tilespmem:s20+$0x199F0] =	vst v21  }
0x292: {  	v12 =	vmul.f32 v12, v15;
	v18 =	vadd.f32 v29, v18;
	v16 =	vadd.f32 v52, v37;
	v4 =	vld [tilespmem:s26+$0x159D0];
	[tilespmem:s20+$0x19DB0] =	vst v6  }
0x293: {  	v15 =	vadd.f32 v17, v32;
	v17 =	vadd.f32 v8, v57;
	v6 =	vld [tilespmem:s26+$0x159B0];
	[tilespmem:s20+$0x19DD0] =	vst v10  }
0x294: {  	v21 =	vadd.f32 v24, v18;
	v24 =	vadd.f32 v56, v46;
	v10 =	vld [tilespmem:s26+$0x15DD0];
	[tilespmem:s20+$0x199C0] =	vst v16  }
0x295: {  	v12 =	vadd.f32 v12, v45;
	v18 =	vadd.f32 v20, v55;
	v8 =	vld [tilespmem:s26+$0x15DA0];
	[tilespmem:s20+$0x199D0] =	vst v17  }
0x296: {  	v17 =	vadd.f32 v26, v14;
	v16 =	vld [tilespmem:s26+$0x15DB0];
	[tilespmem:s20+$0x19990] =	vst v30  }
0x297: {  	v14 =	vld [tilespmem:s26+$0x11DA0];
	[tilespmem:s20+$0x199B0] =	vst v18  }
0x298: {  	v20 =	vld [tilespmem:s26+$0x15980];
	[tilespmem:s20+$0x19DA0] =	vst v17  }
0x299: {  	v26 =	vld [tilespmem:s26+$0x159F0];
	[tilespmem:s20+$0x19DF0] =	vst v12  }
0x29a: {  	v18 =	vld [tilespmem:s26+$0xDD90];
	[tilespmem:s20+$0x19DE0] =	vst v24  }
0x29b: {  	v17 =	vld [tilespmem:s26+$0x159A0];
	[tilespmem:s20+$0x19D90] =	vst v21  }
0x29c: {  	v32 =	vld [tilespmem:s26+$0x159E0];
	[tilespmem:s20+$0x199A0] =	vst v15;
	s20 =	smov.u32 s26  }
0x29d: {  	v24 =	vld [tilespmem:s20+$0x15D90]  }
0x29e: {  	v31 =	vld [tilespmem:s20+$0x15990]  }
0x29f: {  	v35 =	vld [tilespmem:s20+$0x15DC0]  }
0x2a0: {  	v47 =	vld [tilespmem:s20+$0x11DC0]  }
0x2a1: {  	v12 =	vld [tilespmem:s20+$0x15DF0]  }
0x2a2: {  	v29 =	vld [tilespmem:s20+$0xDDC0]  }
0x2a3: {  	v33 =	vld [tilespmem:s20+$0x11DF0]  }
0x2a4: {  	v37 =	vld [tilespmem:s20+$0x11DD0]  }
0x2a5: {  	v21 =	vld.msk [tilespmem:s24+$0x0 ss:$0x0], $0xffff  }
0x2a6: {  	v30 =	vld.msk [tilespmem:s21+$0x0 ss:$0x0], $0xffff  }
0x2a7: {  	v38 =	vld [tilespmem:s20+$0x119F0]  }
0x2a8: {  	v42 =	vld [tilespmem:s20+$0xDDE0]  }
0x2a9: {  	v15 =	vld.msk [tilespmem:s23+$0x0 ss:$0x0], $0xffff  }
0x2aa: {  	v50 =	vld [tilespmem:s20+$0x11D90]  }
0x2ab: {  	v36 =	vmul.f32 v36, v21;
	v40 =	vmul.f32 v37, v21;
	v51 =	vld [tilespmem:s20+$0xDDA0]  }
0x2ac: {  	v41 =	vmul.f32 v41, v30;
	v37 =	vmul.f32 v38, v21;
	v52 =	vld [tilespmem:s20+$0xDDB0]  }
.Ltmp2:
0x2ad: {  	v43 =	vmul.f32 v44, v21;
	v38 =	vmul.f32 v34, v30;
	v48 =	vld [tilespmem:s20+$0xDDF0];
	(pc) =	sbr.rel @p0 .LBB2_7-.Ltmp2, $4  }
0x2ae: {  	v45 =	vmul.f32 v33, v21;
	v46 =	vmul.f32 v42, v30;
	v34 =	vld [tilespmem:s20+$0x11DE0]  }
0x2af: {  	v39 =	vmul.f32 v39, v21;
	v49 =	vmul.f32 v29, v30;
	v38 =	vadd.f32 v36, v38;
	v36 =	vld [tilespmem:s20+$0x11D80]  }
0x2b0: {  	s22 =	sadd.s32 $0x80, s22;
	s21 =	sadd.s32 $0x1, s21;
	v29 =	vmul.f32 v50, v21;
	v44 =	vld [tilespmem:s20+$0x15D80];
	v33 =	vmul.f32 v51, v30  }
0x2b1: {  	s28 =	smov.u32 s25;
	s24 =	sadd.s32 $0x1, s24;
	s23 =	sadd.s32 $0x1, s23;
	v50 =	vmul.f32 v47, v21;
	v42 =	vmul.f32 v52, v30;
	v47 =	vld [tilespmem:s20+$0xDDD0]  }
0x2b2: {  	v23 =	vmul.f32 v23, v30  }
0x2b3: {  	v48 =	vmul.f32 v48, v30;
	v25 =	vmul.f32 v25, v30  }
0x2b4: {  	v11 =	vmul.f32 v11, v30;
	v19 =	vmul.f32 v19, v21  }
0x2b5: {  	v22 =	vmul.f32 v22, v30;
	v27 =	vmul.f32 v27, v30  }
0x2b6: {  	v28 =	vmul.f32 v28, v30;
	v32 =	vmul.f32 v32, v15  }
0x2b7: {  	v9 =	vmul.f32 v9, v21;
	v20 =	vmul.f32 v20, v15  }
0x2b8: {  	v26 =	vmul.f32 v26, v15;
	v7 =	vmul.f32 v7, v21  }
0x2b9: {  	v16 =	vmul.f32 v16, v15;
	v3 =	vmul.f32 v3, v30  }
0x2ba: {  	v56 =	vmul.f32 v31, v15;
	v57 =	vadd.f32 v39, v41;
	v6 =	vmul.f32 v6, v15  }
0x2bb: {  	v49 =	vadd.f32 v50, v49;
	v50 =	vmul.f32 v35, v15;
	v45 =	vadd.f32 v45, v48  }
0x2bc: {  	v36 =	vmul.f32 v36, v21;
	v22 =	vadd.f32 v43, v22;
	v20 =	vadd.f32 v20, v38  }
0x2bd: {  	v4 =	vmul.f32 v4, v15;
	v27 =	vadd.f32 v37, v27;
	v6 =	vadd.f32 v6, v57  }
0x2be: {  	v51 =	vld [tilespmem:s20+$0x159C0];
	v14 =	vmul.f32 v14, v21;
	v48 =	vadd.f32 v36, v28;
	v28 =	vadd.f32 v50, v49;
	[tilespmem:s20+$0x19980] =	vst v20  }
0x2bf: {  	v8 =	vmul.f32 v8, v15;
	v3 =	vadd.f32 v9, v3;
	v22 =	vadd.f32 v32, v22;
	[tilespmem:s20+$0x199B0] =	vst v6  }
0x2c0: {  	v52 =	vld [tilespmem:s20+$0x11DB0];
	v12 =	vmul.f32 v12, v15;
	v19 =	vadd.f32 v19, v25;
	v55 =	vadd.f32 v26, v27;
	[tilespmem:s20+$0x19DC0] =	vst v28  }
0x2c1: {  	v34 =	vmul.f32 v34, v21;
	v58 =	vadd.f32 v14, v33;
	v3 =	vadd.f32 v56, v3;
	[tilespmem:s20+$0x199E0] =	vst v22  }
0x2c2: {  	v60 =	vmul.f32 v13, v15;
	v62 =	vmul.f32 v47, v30;
	v4 =	vadd.f32 v4, v19;
	[tilespmem:s20+$0x199F0] =	vst v55  }
0x2c3: {  	v34 =	vadd.f32 v34, v46;
	v63 =	vmul.f32 v51, v15;
	[tilespmem:s20+$0x19990] =	vst v3;
	v3 =	vadd.f32 v8, v58  }
0x2c4: {  	v51 =	vmul.f32 v44, v15;
	v54 =	vadd.f32 v40, v62;
	[tilespmem:s20+$0x199D0] =	vst v4;
	v62 =	vadd.f32 v12, v45  }
0x2c5: {  	v7 =	vadd.f32 v7, v23;
	v52 =	vmul.f32 v52, v21;
	v4 =	vadd.f32 v60, v34;
	[tilespmem:s20+$0x19DA0] =	vst v3  }
0x2c6: {  	v10 =	vmul.f32 v10, v15;
	v5 =	vmul.f32 v5, v21;
	v25 =	vadd.f32 v51, v48;
	[tilespmem:s20+$0x19DF0] =	vst v62  }
0x2c7: {  	v59 =	vmul.f32 v18, v30;
	v53 =	vadd.f32 v52, v42;
	v7 =	vadd.f32 v63, v7;
	[tilespmem:s20+$0x19DE0] =	vst v4  }
0x2c8: {  	v5 =	vadd.f32 v5, v11;
	v63 =	vmul.f32 v17, v15;
	v10 =	vadd.f32 v10, v54;
	[tilespmem:s20+$0x19D80] =	vst v25  }
0x2c9: {  	v61 =	vmul.f32 v24, v15;
	v16 =	vadd.f32 v16, v53;
	[tilespmem:s20+$0x199C0] =	vst v7;
	v7 =	vadd.f32 v29, v59  }
0x2ca: {  	v5 =	vadd.f32 v63, v5;
	[tilespmem:s20+$0x19DD0] =	vst v10  }
0x2cb: {  	s18 =	sadd.s32 $0x1, s18;
	[tilespmem:s20+$0x19DB0] =	vst v16;
	v3 =	vadd.f32 v61, v7  }
0x2cc: {  	s19 =	sshll.u32 s19, $0xB;
	p0 =	sne.s32 s18, $0x8;
	[tilespmem:s20+$0x199A0] =	vst v5  }
.Ltmp3:
0x2cd: {  	s19 =	sadd.s32 s19, s10;
	[tilespmem:s20+$0x19D90] =	vst v3;
	(pc) =	sbr.rel @p0 .LBB2_2-.Ltmp3, $4  }
0x2ce: {  	[hbm4b:s19+s3] =	stream.linear.scatter [tilespmem:s6], [sflag:$0x3], $0x4000, $0x38;
	[tilespmem:$0x1D980] =	vst v63  }
0x2cf: {  	s11 =	sadd.s32 $0x80, s11;
	s9 =	sadd.s32 $0x80, s9;
	_ =	swait.ge [sflag:s12], $0x4000  }
0x2d0: {  	s8 =	sadd.s32 $0x80, s8;
	s15 =	sadd.s32 $0x80, s15;
	[sflag:s12] =	ssyncset.done $0x0  }
0x2d1: {  	s16 =	sadd.s32 $0x80, s16;
	s17 =	sadd.s32 $0x80, s17;
	[sflag:s12] =	ssyncadd.s32 $0xFFFFC000  }
0x2d2: {  	s9 =	rddreg [dreg:$0xa]  }
0x2d3: {  	s8 =	rddreg [dreg:$0x9];
	s9 =	sadd.s32 $0x1, s9  }
0x2d4: {  	p0 =	sne.s32 s9, s8  }
.Ltmp4:
0x2d5: {  	_ = 	snop;
	(pc) =	sbr.rel @p0 .LBB2_1-.Ltmp4, $1  }
0x2d6: {  	_ =	sdelay $0x3  }
0x2d7: {  	_ =	sfence.sel $0x180000  }
0x2d8: {  	[bflag:$0x0] =	sbarrier.arrive $0xFFFF  }
0x2d9: {  	_ =	strace $0x90000047  }
0x2da: {  	s0 =	stileid.u32;
	[bflag:$0x2] =	sbarrier.arrive $0xFFFF  }
0x2db: {  	p0 =	sne.s32 s0, $0x0;
	s0 =	rddreg [dreg:$0x2]  }
0x2dc: {  	s0 =	sadd.s32 @!p0 $0x100000, s0  }
0x2dd: {  	[sflag:s0] =	ssyncadd.tile.s32 @!p0 $0x1;
	_ =	shalt  }
.Lfunc_end2:
_tile_overlayer_lowered:
.L_overlay_start_2:
0x2de: {  	(tag) =	ssettag $0x2  }
0x2df: {  	s0 =	rddreg [dreg:$0x0];
	s2 =	stileid.u32  }
0x2e0: {  	s1 =	rddreg [dreg:$0x1];
	p0 =	sne.s32 s2, $0x0  }
0x2e1: {  	s3 =	rddreg [dreg:$0x2];
	[bflag:$0x3] =	sbarrier.arrive $0xFFFF;
	s2 =	simm.s32 @!p0 $0x1C03  }
0x2e2: {  	[timem:s3], [sflag:s2] =	dma.local @!p0 [hbm:s0], s1  }
0x2e3: {  	s0 =	simm.s32 @!p0 $0x3  }
0x2e4: {  	_ =	swait.ge @!p0 [sflag:s0], s1  }
0x2e5: {  	s1 =	ssub.s32 @!p0 $0x0, s1;
	[sflag:s0] =	ssyncset.done @!p0 $0x0  }
0x2e6: {  	[sflag:s0] =	ssyncadd.s32 @!p0 s1  }
0x2e7: {  	[bflag:$0x3] =	sbarrier.arrive $0xFFFF  }
0x2e8: {  	_ =	shalt  }

</sc_bundles>
